<compile_context>
chip_gen: v7x
topology: tpu7x:2x2x1
jax: 0.10.2.dev20260603
libtpu: 0.0.44.dev20260713+nightly
codegen_flags: <defaults>
</compile_context>

<pallas_src>
import functools

import jax
import jax.numpy as jnp
from jax import lax
from jax.experimental import pallas as pl
from jax.experimental.pallas import tpu as pltpu
from jax.experimental.pallas import tpu_sc as plsc

_NC = 2
_NS = 16
_NW = _NC * _NS
_CH = 128
_NCW = 80
_NBLK = 8
_NB = _NCW // _NBLK
_IBLK = 16
_NIB = _NCW // _IBLK
_EPAD = _NW * _NCW * _CH


def _mesh():
    return plsc.VectorSubcoreMesh(
        core_axis_name="c", subcore_axis_name="s",
        num_cores=_NC, num_subcores=_NS)


def _sc_degree(col2, n_nodes):
    ch = 64
    ncw = _EPAD // (_NW * ch)
    nblk = 8
    nb = ncw // nblk
    rpt = 8 * (n_nodes // (8 * _NS))
    tail = n_nodes - rpt * _NS
    tbase = rpt * _NS

    @functools.partial(
        pl.kernel,
        out_type=jax.ShapeDtypeStruct((_NC, n_nodes, 16), jnp.float32),
        mesh=_mesh(),
        scratch_types=[
            pltpu.VMEM_SHARED((n_nodes + 128, 16), jnp.float32),
            pltpu.VMEM((nblk, ch), jnp.int32),
            pltpu.VMEM((4, ch, 16), jnp.float32),
            pltpu.VMEM((rpt, 16), jnp.float32),
            pltpu.VMEM((tail, 16), jnp.float32),
            pltpu.SemaphoreType.DMA,
            pltpu.SemaphoreType.DMA,
            pltpu.SemaphoreType.DMA,
            pltpu.SemaphoreType.DMA,
        ],
    )
    def k(col_hbm, hist_hbm, acc, ci8, ones_v, buf_v, tail_v,
          ds0, ds1, ds2, ds3):
        dsem = [ds0, ds1, ds2, ds3]
        c = lax.axis_index("c")
        s = lax.axis_index("s")
        w = s * _NC + c
        cb = w * ncw

        def fill_ones(sl):
            def body(i, _):
                ones_v[sl, i] = jnp.full((16,), 1.0, jnp.float32)
                return 0

            lax.fori_loop(0, ch, body, 0)

        for sl in range(4):
            fill_ones(sl)

        def zbody(i, _):
            buf_v[i] = jnp.zeros((16,), jnp.float32)
            return 0

        lax.fori_loop(0, rpt, zbody, 0)
        pltpu.sync_copy(buf_v, acc.at[pl.ds(s * rpt, rpt)])

        @pl.when(s == _NS - 1)
        def _():
            pltpu.sync_copy(buf_v.at[pl.ds(0, tail + 128)],
                            acc.at[pl.ds(tbase, tail + 128)])

        plsc.subcore_barrier()

        def blk(j, _):
            pltpu.sync_copy(col_hbm.at[pl.ds(cb + j * nblk, nblk)], ci8)
            hs = [None] * 4
            for b in range(nblk):
                sl = b % 4
                if hs[sl] is not None:
                    hs[sl].wait()
                hs[sl] = pltpu.async_copy(
                    ones_v.at[sl], acc.at[ci8.at[b]], dsem[sl], add=True)
            for sl in range(4):
                hs[sl].wait()
            return 0

        lax.fori_loop(0, nb, blk, 0)
        plsc.subcore_barrier()

        pltpu.sync_copy(acc.at[pl.ds(s * rpt, rpt)], buf_v)
        pltpu.sync_copy(buf_v, hist_hbm.at[c, pl.ds(s * rpt, rpt)])

        @pl.when(s == _NS - 1)
        def _():
            pltpu.sync_copy(acc.at[pl.ds(tbase, tail)], tail_v)
            pltpu.sync_copy(tail_v, hist_hbm.at[c, pl.ds(tbase, tail)])

    return k(col2.reshape(-1, ch))


def _sc_scatter(g, row2, col2, n_nodes, d):
    rpt = 8 * (n_nodes // (8 * _NS))
    tail = n_nodes - rpt * _NS
    tbase = rpt * _NS
    wb = 48
    nwb = rpt // wb

    @functools.partial(
        pl.kernel,
        out_type=jax.ShapeDtypeStruct((_NC, n_nodes, d), jnp.float32),
        mesh=_mesh(),
        scratch_types=[
            pltpu.VMEM_SHARED((n_nodes + 128, d), jnp.float32),
            pltpu.VMEM((_CH,), jnp.int32),
            pltpu.VMEM((_CH,), jnp.int32),
            pltpu.VMEM((_CH, d), jnp.float32),
            pltpu.VMEM((wb, d), jnp.float32),
            pltpu.VMEM((tail, d), jnp.float32),
        ],
    )
    def k(g_hbm, row_hbm, col_hbm, out_hbm, acc, ri_v, ci_v, rows_v,
          buf_a, tail_v):
        c = lax.axis_index("c")
        s = lax.axis_index("s")
        w = s * _NC + c
        cb = w * _NCW

        def zrow(i, _):
            for j in range(d // 16):
                buf_a[i, pl.ds(j * 16, 16)] = jnp.zeros((16,), jnp.float32)
            return 0

        lax.fori_loop(0, wb, zrow, 0)
        for j in range(nwb):
            pltpu.sync_copy(buf_a, acc.at[pl.ds(s * rpt + j * wb, wb)])

        @pl.when(s == _NS - 1)
        def _():
            for j in range(3):
                pltpu.sync_copy(buf_a, acc.at[pl.ds(tbase + j * wb, wb)])

        plsc.subcore_barrier()

        eb = cb * _CH

        def chunk(ch, _):
            pltpu.sync_copy(row_hbm.at[pl.ds(eb + ch * _CH, _CH)], ri_v)
            pltpu.sync_copy(col_hbm.at[pl.ds(eb + ch * _CH, _CH)], ci_v)
            pltpu.sync_copy(g_hbm.at[ri_v], rows_v)
            pltpu.sync_copy(rows_v, acc.at[ci_v], add=True)
            return 0

        lax.fori_loop(0, _NCW, chunk, 0)
        plsc.subcore_barrier()

        for j in range(nwb):
            pltpu.sync_copy(acc.at[pl.ds(s * rpt + j * wb, wb)], buf_a)
            pltpu.sync_copy(buf_a, out_hbm.at[c, pl.ds(s * rpt + j * wb, wb)])

        @pl.when(s == _NS - 1)
        def _():
            pltpu.sync_copy(acc.at[pl.ds(tbase, tail)], tail_v)
            pltpu.sync_copy(tail_v, out_hbm.at[c, pl.ds(tbase, tail)])

    return k(g, row2.reshape(-1), col2.reshape(-1))


def _tc_transform(x, w, hist):
    n, d_in = x.shape
    d_out = w.shape[1]
    blk = 1000

    def body(x_ref, w_ref, h_ref, g_ref):
        deg = (h_ref[0] + h_ref[1])[:, 0:1] + 1.0
        dinv = lax.rsqrt(deg)
        h = jnp.dot(x_ref[...], w_ref[...], preferred_element_type=jnp.float32)
        g_ref[...] = h * dinv

    return pl.pallas_call(
        body,
        grid=(n // blk,),
        in_specs=[
            pl.BlockSpec((blk, d_in), lambda i: (i, 0)),
            pl.BlockSpec((d_in, d_out), lambda i: (0, 0)),
            pl.BlockSpec((2, blk, 16), lambda i: (0, i, 0)),
        ],
        out_specs=pl.BlockSpec((blk, d_out), lambda i: (i, 0)),
        out_shape=jax.ShapeDtypeStruct((n, d_out), jnp.float32),
    )(x, w, hist)


def _tc_finish(accp, g, hist, b):
    n, d = g.shape
    blk = 1000
    b2 = b.reshape(1, d)

    def body(a_ref, g_ref, h_ref, b_ref, o_ref):
        deg = (h_ref[0] + h_ref[1])[:, 0:1] + 1.0
        dinv = lax.rsqrt(deg)
        s = a_ref[0] + a_ref[1] + g_ref[...]
        o_ref[...] = s * dinv + b_ref[...]

    return pl.pallas_call(
        body,
        grid=(n // blk,),
        in_specs=[
            pl.BlockSpec((2, blk, d), lambda i: (0, i, 0)),
            pl.BlockSpec((blk, d), lambda i: (i, 0)),
            pl.BlockSpec((2, blk, 16), lambda i: (0, i, 0)),
            pl.BlockSpec((1, d), lambda i: (0, 0)),
        ],
        out_specs=pl.BlockSpec((blk, d), lambda i: (i, 0)),
        out_shape=jax.ShapeDtypeStruct((n, d), jnp.float32),
    )(accp, g, hist, b2)


def kernel(x, edge_index, W, b):
    n = x.shape[0]
    d = W.shape[1]
    e = edge_index.shape[1]
    npad = _EPAD - e
    spread = jnp.arange(npad, dtype=jnp.int32)
    row2 = jnp.concatenate([edge_index[0], spread % n]).reshape(-1, _CH)
    col2 = jnp.concatenate([edge_index[1], n + spread % 128]).reshape(-1, _CH)
    hist = _sc_degree(col2, n)
    g = _tc_transform(x, W, hist)
    accp = _sc_scatter(g, row2, col2, n, d)
    return _tc_finish(accp, g, hist, b)

# --- scband reference (transcript-rebuilt; emitter-appended) ---
"""Pipeline reference for scband-gcnclassifier-17952963297738 (READ-ONLY COPY).

The authoritative reference and input builder live on the scoring server;
editing this copy changes nothing except your own understanding.
"""

import jax, jax.numpy as jnp
import numpy as np

N_NODES = 10000
N_EDGES = 320000
D_IN = 128
D_OUT = 128


def setup_inputs(seed: int = 0) -> dict:
    key = jax.random.key(seed)
    k1, k2, k3, k4 = jax.random.split(key, 4)
    x = jax.random.normal(k1, (N_NODES, D_IN), dtype=jnp.float32)
    edge_index = jax.random.randint(k2, (2, N_EDGES), 0, N_NODES, dtype=jnp.int32)
    # GCNConv learned parameters (glorot weight + zero-init bias, matching PyG defaults)
    limit = float(np.sqrt(6.0 / (D_IN + D_OUT)))
    W = jax.random.uniform(k3, (D_IN, D_OUT), dtype=jnp.float32, minval=-limit, maxval=limit)
    b = jnp.zeros((D_OUT,), dtype=jnp.float32)
    return {"x": x, "edge_index": edge_index, "W": W, "b": b}


def reference(x, edge_index, W, b):
    # Dropout is identity in eval mode (deterministic reference).
    N = x.shape[0]
    # Add self-loops (PyG GCNConv default add_self_loops=True)
    loops = jnp.arange(N, dtype=edge_index.dtype)
    ei = jnp.concatenate([edge_index, jnp.stack([loops, loops], axis=0)], axis=1)
    row, col = ei[0], ei[1]
    # Symmetric normalization deg^{-1/2} A_hat deg^{-1/2}
    deg = jnp.zeros((N,), dtype=x.dtype).at[col].add(1.0)
    deg_inv_sqrt = jnp.where(deg > 0, 1.0 / jnp.sqrt(deg), 0.0)
    norm = deg_inv_sqrt[row] * deg_inv_sqrt[col]
    # Linear transform then gather-message-scatter aggregate
    h = x @ W
    msgs = h[row] * norm[:, None]
    out = jnp.zeros((N, h.shape[1]), dtype=x.dtype).at[col].add(msgs)
    return out + b

if __name__ == "__main__":
    import jax
    _d = setup_inputs()
    print(jax.jit(kernel)(*tuple(_d.values())))

</pallas_src>

<mosaic_0001>
#map = affine_map<(d0, d1) -> (0, 0)>
#map1 = affine_map<(d0, d1) -> (0, 0, 0)>
module attributes {stable_mosaic.version = 14 : i64} {
  func.func @k(%arg0: i32, %arg1: i32, %arg2: memref<5120x64xi32, #tpu.memory_space<hbm>>, %arg3: memref<2x10000x16xf32, #tpu.memory_space<hbm>>, %arg4: memref<10128x16xf32, #tpu.memory_space<vmem_shared>>, %arg5: memref<8x64xi32, #tpu.memory_space<vmem>>, %arg6: memref<4x64x16xf32, #tpu.memory_space<vmem>>, %arg7: memref<624x16xf32, #tpu.memory_space<vmem>>, %arg8: memref<16x16xf32, #tpu.memory_space<vmem>>, %arg9: memref<!tpu.dma_semaphore, #tpu.memory_space<semaphore_mem>>, %arg10: memref<!tpu.dma_semaphore, #tpu.memory_space<semaphore_mem>>, %arg11: memref<!tpu.dma_semaphore, #tpu.memory_space<semaphore_mem>>, %arg12: memref<!tpu.dma_semaphore, #tpu.memory_space<semaphore_mem>>) attributes {dimension_semantics = [#tpu.dimension_semantics<core_parallel>, #tpu.dimension_semantics<subcore_parallel>], iteration_bounds = array<i64: 2, 16>, scalar_prefetch = 0 : i64, scratch_operands = 9 : i64, tpu.core_type = #tpu.core_type<sc_vector_subcore>, window_params = [{transform_indices = #map}, {transform_indices = #map1}]} {
    %mul3A = arith.constant 2 : i32
    %mul3A_0 = arith.muli %arg1, %mul3A : i32
    %add3A = arith.addi %mul3A_0, %arg0 : i32
    %mul3A_1 = arith.constant 160 : i32
    %mul3A_2 = arith.muli %add3A, %mul3A_1 : i32
    %scan3A = arith.constant 0 : i32
    %scan3A_3 = arith.constant 0 : i32
    %scan3A_4 = arith.constant 64 : i32
    %scan3A_5 = arith.addi %scan3A_3, %scan3A_4 : i32
    %scan3A_6 = arith.constant 1 : i32
    %scan3A_7 = scf.for %scan3A_58 = %scan3A_3 to %scan3A_5 step %scan3A_6 iter_args(%scan3A_59 = %scan3A) -> (i32)  : i32 {
      %broadcast_in_dim3A = arith.constant 1.000000e+00 : f32
      %broadcast_in_dim3A_60 = vector.broadcast %broadcast_in_dim3A : f32 to vector<16xf32>
      %swap3A = arith.constant 0 : i32
      %swap3A_61 = arith.index_cast %swap3A : i32 to index
      %swap3A_62 = arith.index_cast %scan3A_58 : i32 to index
      %swap3A_63 = arith.constant 0 : index
      %swap3A_64 = tpu.vector_load %arg6[%swap3A_61, %swap3A_62, %swap3A_63] {strides = array<i32>} : memref<4x64x16xf32, #tpu.memory_space<vmem>>, vector<1x1x16xf32>,
      %swap3A_65 = vector.shape_cast %swap3A_64 : vector<1x1x16xf32> to vector<16xf32>
      %swap3A_66 = vector.shape_cast %broadcast_in_dim3A_60 : vector<16xf32> to vector<1x1x16xf32>
      tpu.vector_store %arg6[%swap3A_61, %swap3A_62, %swap3A_63], %swap3A_66 {strides = array<i32>} : memref<4x64x16xf32, #tpu.memory_space<vmem>>, vector<1x1x16xf32>,
      %scan3A_67 = arith.constant 0 : i32
      scf.yield %scan3A_67 : i32
    }
    %scan3A_8 = arith.constant 64 : i32
    %scan3A_9 = arith.constant 0 : i32
    %scan3A_10 = arith.constant 0 : i32
    %scan3A_11 = arith.constant 64 : i32
    %scan3A_12 = arith.addi %scan3A_10, %scan3A_11 : i32
    %scan3A_13 = arith.constant 1 : i32
    %scan3A_14 = scf.for %scan3A_58 = %scan3A_10 to %scan3A_12 step %scan3A_13 iter_args(%scan3A_59 = %scan3A_9) -> (i32)  : i32 {
      %broadcast_in_dim3A = arith.constant 1.000000e+00 : f32
      %broadcast_in_dim3A_60 = vector.broadcast %broadcast_in_dim3A : f32 to vector<16xf32>
      %swap3A = arith.constant 1 : i32
      %swap3A_61 = arith.index_cast %swap3A : i32 to index
      %swap3A_62 = arith.index_cast %scan3A_58 : i32 to index
      %swap3A_63 = arith.constant 0 : index
      %swap3A_64 = tpu.vector_load %arg6[%swap3A_61, %swap3A_62, %swap3A_63] {strides = array<i32>} : memref<4x64x16xf32, #tpu.memory_space<vmem>>, vector<1x1x16xf32>,
      %swap3A_65 = vector.shape_cast %swap3A_64 : vector<1x1x16xf32> to vector<16xf32>
      %swap3A_66 = vector.shape_cast %broadcast_in_dim3A_60 : vector<16xf32> to vector<1x1x16xf32>
      tpu.vector_store %arg6[%swap3A_61, %swap3A_62, %swap3A_63], %swap3A_66 {strides = array<i32>} : memref<4x64x16xf32, #tpu.memory_space<vmem>>, vector<1x1x16xf32>,
      %scan3A_67 = arith.constant 0 : i32
      scf.yield %scan3A_67 : i32
    }
    %scan3A_15 = arith.constant 64 : i32
    %scan3A_16 = arith.constant 0 : i32
    %scan3A_17 = arith.constant 0 : i32
    %scan3A_18 = arith.constant 64 : i32
    %scan3A_19 = arith.addi %scan3A_17, %scan3A_18 : i32
    %scan3A_20 = arith.constant 1 : i32
    %scan3A_21 = scf.for %scan3A_58 = %scan3A_17 to %scan3A_19 step %scan3A_20 iter_args(%scan3A_59 = %scan3A_16) -> (i32)  : i32 {
      %broadcast_in_dim3A = arith.constant 1.000000e+00 : f32
      %broadcast_in_dim3A_60 = vector.broadcast %broadcast_in_dim3A : f32 to vector<16xf32>
      %swap3A = arith.constant 2 : i32
      %swap3A_61 = arith.index_cast %swap3A : i32 to index
      %swap3A_62 = arith.index_cast %scan3A_58 : i32 to index
      %swap3A_63 = arith.constant 0 : index
      %swap3A_64 = tpu.vector_load %arg6[%swap3A_61, %swap3A_62, %swap3A_63] {strides = array<i32>} : memref<4x64x16xf32, #tpu.memory_space<vmem>>, vector<1x1x16xf32>,
      %swap3A_65 = vector.shape_cast %swap3A_64 : vector<1x1x16xf32> to vector<16xf32>
      %swap3A_66 = vector.shape_cast %broadcast_in_dim3A_60 : vector<16xf32> to vector<1x1x16xf32>
      tpu.vector_store %arg6[%swap3A_61, %swap3A_62, %swap3A_63], %swap3A_66 {strides = array<i32>} : memref<4x64x16xf32, #tpu.memory_space<vmem>>, vector<1x1x16xf32>,
      %scan3A_67 = arith.constant 0 : i32
      scf.yield %scan3A_67 : i32
    }
    %scan3A_22 = arith.constant 64 : i32
    %scan3A_23 = arith.constant 0 : i32
    %scan3A_24 = arith.constant 0 : i32
    %scan3A_25 = arith.constant 64 : i32
    %scan3A_26 = arith.addi %scan3A_24, %scan3A_25 : i32
    %scan3A_27 = arith.constant 1 : i32
    %scan3A_28 = scf.for %scan3A_58 = %scan3A_24 to %scan3A_26 step %scan3A_27 iter_args(%scan3A_59 = %scan3A_23) -> (i32)  : i32 {
      %broadcast_in_dim3A = arith.constant 1.000000e+00 : f32
      %broadcast_in_dim3A_60 = vector.broadcast %broadcast_in_dim3A : f32 to vector<16xf32>
      %swap3A = arith.constant 3 : i32
      %swap3A_61 = arith.index_cast %swap3A : i32 to index
      %swap3A_62 = arith.index_cast %scan3A_58 : i32 to index
      %swap3A_63 = arith.constant 0 : index
      %swap3A_64 = tpu.vector_load %arg6[%swap3A_61, %swap3A_62, %swap3A_63] {strides = array<i32>} : memref<4x64x16xf32, #tpu.memory_space<vmem>>, vector<1x1x16xf32>,
      %swap3A_65 = vector.shape_cast %swap3A_64 : vector<1x1x16xf32> to vector<16xf32>
      %swap3A_66 = vector.shape_cast %broadcast_in_dim3A_60 : vector<16xf32> to vector<1x1x16xf32>
      tpu.vector_store %arg6[%swap3A_61, %swap3A_62, %swap3A_63], %swap3A_66 {strides = array<i32>} : memref<4x64x16xf32, #tpu.memory_space<vmem>>, vector<1x1x16xf32>,
      %scan3A_67 = arith.constant 0 : i32
      scf.yield %scan3A_67 : i32
    }
    %scan3A_29 = arith.constant 64 : i32
    %scan3A_30 = arith.constant 0 : i32
    %scan3A_31 = arith.constant 0 : i32
    %scan3A_32 = arith.constant 624 : i32
    %scan3A_33 = arith.addi %scan3A_31, %scan3A_32 : i32
    %scan3A_34 = arith.constant 1 : i32
    %scan3A_35 = scf.for %scan3A_58 = %scan3A_31 to %scan3A_33 step %scan3A_34 iter_args(%scan3A_59 = %scan3A_30) -> (i32)  : i32 {
      %broadcast_in_dim3A = arith.constant 0.000000e+00 : f32
      %broadcast_in_dim3A_60 = vector.broadcast %broadcast_in_dim3A : f32 to vector<16xf32>
      %swap3A = arith.index_cast %scan3A_58 : i32 to index
      %swap3A_61 = arith.constant 0 : index
      %swap3A_62 = tpu.vector_load %arg7[%swap3A, %swap3A_61] {strides = array<i32>} : memref<624x16xf32, #tpu.memory_space<vmem>>, vector<1x16xf32>,
      %swap3A_63 = vector.shape_cast %swap3A_62 : vector<1x16xf32> to vector<16xf32>
      %swap3A_64 = vector.shape_cast %broadcast_in_dim3A_60 : vector<16xf32> to vector<1x16xf32>
      tpu.vector_store %arg7[%swap3A, %swap3A_61], %swap3A_64 {strides = array<i32>} : memref<624x16xf32, #tpu.memory_space<vmem>>, vector<1x16xf32>,
      %scan3A_65 = arith.constant 0 : i32
      scf.yield %scan3A_65 : i32
    }
    %scan3A_36 = arith.constant 624 : i32
    %mul3A_37 = arith.constant 624 : i32
    %mul3A_38 = arith.muli %arg1, %mul3A_37 : i32
    "tpu.region"() ({
      %run_scoped3A = tpu.sem_alloc : memref<!tpu.dma_semaphore, #tpu.memory_space<semaphore_mem>>
      %dma_start3A = arith.constant 0 : i32
      %dma_start3A_58 = tpu.memref_slice %arg4[%mul3A_38, %dma_start3A] : memref<10128x16xf32, #tpu.memory_space<vmem_shared>> -> memref<624x16xf32, #tpu.memory_space<vmem_shared>>
      %dma_start3A_59 = arith.constant 0 : i32
      %dma_start3A_60 = tpu.memref_slice %arg4[%mul3A_38, %dma_start3A_59] : memref<10128x16xf32, #tpu.memory_space<vmem_shared>> -> memref<624x16xf32, #tpu.memory_space<vmem_shared>>
      tpu.enqueue_dma source(%arg7 : memref<624x16xf32, #tpu.memory_space<vmem>>) target(%dma_start3A_60 : memref<624x16xf32, #tpu.memory_space<vmem_shared>>) target_semaphore(%run_scoped3A : memref<!tpu.dma_semaphore, #tpu.memory_space<semaphore_mem>>)
      %dma_wait3A = arith.constant 0 : i32
      %dma_wait3A_61 = tpu.memref_slice %arg4[%mul3A_38, %dma_wait3A] : memref<10128x16xf32, #tpu.memory_space<vmem_shared>> -> memref<624x16xf32, #tpu.memory_space<vmem_shared>>
      %dma_wait3A_62 = arith.constant 0 : i32
      %dma_wait3A_63 = tpu.memref_slice %arg4[%mul3A_38, %dma_wait3A_62] : memref<10128x16xf32, #tpu.memory_space<vmem_shared>> -> memref<624x16xf32, #tpu.memory_space<vmem_shared>>
      tpu.wait_dma2 semaphore(%run_scoped3A : memref<!tpu.dma_semaphore, #tpu.memory_space<semaphore_mem>>) src(%arg7 : memref<624x16xf32, #tpu.memory_space<vmem>>) dst(%dma_wait3A_63 : memref<624x16xf32, #tpu.memory_space<vmem_shared>>)
      tpu.yield
    }) : () -> ()
    %eq3A = arith.constant 15 : i32
    %eq3A_39 = arith.cmpi eq, %arg1, %eq3A : i32
    %convert_element_type3A = arith.extui %eq3A_39 : i1 to i32
    %cond3A = arith.constant 0 : i32
    %cond3A_40 = arith.cmpi ne, %convert_element_type3A, %cond3A : i32
    scf.if %cond3A_40 {
      "tpu.region"() ({
        %run_scoped3A = tpu.sem_alloc : memref<!tpu.dma_semaphore, #tpu.memory_space<semaphore_mem>>
        %dma_start3A = arith.constant 0 : i32
        %dma_start3A_58 = arith.constant 0 : i32
        %dma_start3A_59 = tpu.memref_slice %arg7[%dma_start3A, %dma_start3A_58] : memref<624x16xf32, #tpu.memory_space<vmem>> -> memref<144x16xf32, #tpu.memory_space<vmem>>
        %dma_start3A_60 = arith.constant 9984 : i32
        %dma_start3A_61 = arith.constant 0 : i32
        %dma_start3A_62 = tpu.memref_slice %arg4[%dma_start3A_60, %dma_start3A_61] : memref<10128x16xf32, #tpu.memory_space<vmem_shared>> -> memref<144x16xf32, #tpu.memory_space<vmem_shared>>
        %dma_start3A_63 = arith.constant 9984 : i32
        %dma_start3A_64 = arith.constant 0 : i32
        %dma_start3A_65 = tpu.memref_slice %arg4[%dma_start3A_63, %dma_start3A_64] : memref<10128x16xf32, #tpu.memory_space<vmem_shared>> -> memref<144x16xf32, #tpu.memory_space<vmem_shared>>
        %dma_start3A_66 = arith.constant 0 : i32
        %dma_start3A_67 = arith.constant 0 : i32
        %dma_start3A_68 = tpu.memref_slice %arg7[%dma_start3A_66, %dma_start3A_67] : memref<624x16xf32, #tpu.memory_space<vmem>> -> memref<144x16xf32, #tpu.memory_space<vmem>>
        tpu.enqueue_dma source(%dma_start3A_68 : memref<144x16xf32, #tpu.memory_space<vmem>>) target(%dma_start3A_65 : memref<144x16xf32, #tpu.memory_space<vmem_shared>>) target_semaphore(%run_scoped3A : memref<!tpu.dma_semaphore, #tpu.memory_space<semaphore_mem>>)
        %dma_wait3A = arith.constant 0 : i32
        %dma_wait3A_69 = arith.constant 0 : i32
        %dma_wait3A_70 = tpu.memref_slice %arg7[%dma_wait3A, %dma_wait3A_69] : memref<624x16xf32, #tpu.memory_space<vmem>> -> memref<144x16xf32, #tpu.memory_space<vmem>>
        %dma_wait3A_71 = arith.constant 9984 : i32
        %dma_wait3A_72 = arith.constant 0 : i32
        %dma_wait3A_73 = tpu.memref_slice %arg4[%dma_wait3A_71, %dma_wait3A_72] : memref<10128x16xf32, #tpu.memory_space<vmem_shared>> -> memref<144x16xf32, #tpu.memory_space<vmem_shared>>
        %dma_wait3A_74 = arith.constant 9984 : i32
        %dma_wait3A_75 = arith.constant 0 : i32
        %dma_wait3A_76 = tpu.memref_slice %arg4[%dma_wait3A_74, %dma_wait3A_75] : memref<10128x16xf32, #tpu.memory_space<vmem_shared>> -> memref<144x16xf32, #tpu.memory_space<vmem_shared>>
        %dma_wait3A_77 = arith.constant 0 : i32
        %dma_wait3A_78 = arith.constant 0 : i32
        %dma_wait3A_79 = tpu.memref_slice %arg7[%dma_wait3A_77, %dma_wait3A_78] : memref<624x16xf32, #tpu.memory_space<vmem>> -> memref<144x16xf32, #tpu.memory_space<vmem>>
        tpu.wait_dma2 semaphore(%run_scoped3A : memref<!tpu.dma_semaphore, #tpu.memory_space<semaphore_mem>>) src(%dma_wait3A_79 : memref<144x16xf32, #tpu.memory_space<vmem>>) dst(%dma_wait3A_76 : memref<144x16xf32, #tpu.memory_space<vmem_shared>>)
        tpu.yield
      }) : () -> ()
    } else {
    }
    %barrier3A = arith.constant 0 : index
    tpu.barrier barrier_id(%barrier3A)
    %scan3A_41 = arith.constant 0 : i32
    %scan3A_42 = arith.constant 0 : i32
    %scan3A_43 = arith.constant 20 : i32
    %scan3A_44 = arith.addi %scan3A_42, %scan3A_43 : i32
    %scan3A_45 = arith.constant 1 : i32
    %scan3A_46 = scf.for %scan3A_58 = %scan3A_42 to %scan3A_44 step %scan3A_45 iter_args(%scan3A_59 = %scan3A_41) -> (i32)  : i32 {
      %mul3A_60 = arith.constant 8 : i32
      %mul3A_61 = arith.muli %scan3A_58, %mul3A_60 : i32
      %add3A_62 = arith.addi %mul3A_2, %mul3A_61 : i32
      "tpu.region"() ({
        %run_scoped3A = tpu.sem_alloc : memref<!tpu.dma_semaphore, #tpu.memory_space<semaphore_mem>>
        %dma_start3A_254 = arith.constant 0 : i32
        %dma_start3A_255 = tpu.memref_slice %arg2[%add3A_62, %dma_start3A_254] : memref<5120x64xi32, #tpu.memory_space<hbm>> -> memref<8x64xi32, #tpu.memory_space<hbm>>
        %dma_start3A_256 = arith.constant 0 : i32
        %dma_start3A_257 = tpu.memref_slice %arg2[%add3A_62, %dma_start3A_256] : memref<5120x64xi32, #tpu.memory_space<hbm>> -> memref<8x64xi32, #tpu.memory_space<hbm>>
        tpu.enqueue_dma source(%dma_start3A_257 : memref<8x64xi32, #tpu.memory_space<hbm>>) target(%arg5 : memref<8x64xi32, #tpu.memory_space<vmem>>) target_semaphore(%run_scoped3A : memref<!tpu.dma_semaphore, #tpu.memory_space<semaphore_mem>>)
        %dma_wait3A_258 = arith.constant 0 : i32
        %dma_wait3A_259 = tpu.memref_slice %arg2[%add3A_62, %dma_wait3A_258] : memref<5120x64xi32, #tpu.memory_space<hbm>> -> memref<8x64xi32, #tpu.memory_space<hbm>>
        %dma_wait3A_260 = arith.constant 0 : i32
        %dma_wait3A_261 = tpu.memref_slice %arg2[%add3A_62, %dma_wait3A_260] : memref<5120x64xi32, #tpu.memory_space<hbm>> -> memref<8x64xi32, #tpu.memory_space<hbm>>
        tpu.wait_dma2 semaphore(%run_scoped3A : memref<!tpu.dma_semaphore, #tpu.memory_space<semaphore_mem>>) src(%dma_wait3A_261 : memref<8x64xi32, #tpu.memory_space<hbm>>) dst(%arg5 : memref<8x64xi32, #tpu.memory_space<vmem>>)
        tpu.yield
      }) : () -> ()
      %dma_start3A = arith.constant 0 : i32
      %dma_start3A_63 = arith.constant 0 : i32
      %dma_start3A_64 = arith.constant 0 : i32
      %dma_start3A_65 = arith.constant 0 : i32
      %dma_start3A_66 = tpu.memref_slice %arg6[%dma_start3A, %dma_start3A_64, %dma_start3A_65] : memref<4x64x16xf32, #tpu.memory_space<vmem>> -> memref<1x64x16xf32, #tpu.memory_space<vmem>>
      %dma_start3A_67 = tpu.memref_squeeze %dma_start3A_66 : memref<1x64x16xf32, #tpu.memory_space<vmem>> -> memref<64x16xf32, #tpu.memory_space<vmem>>
      %dma_start3A_68 = arith.constant 0 : i32
      %dma_start3A_69 = tpu.memref_slice %arg5[%dma_start3A_63, %dma_start3A_68] : memref<8x64xi32, #tpu.memory_space<vmem>> -> memref<1x64xi32, #tpu.memory_space<vmem>>
      %dma_start3A_70 = tpu.memref_squeeze %dma_start3A_69 : memref<1x64xi32, #tpu.memory_space<vmem>> -> memref<64xi32, #tpu.memory_space<vmem>>
      %dma_start3A_71 = arith.constant 0 : i32
      %dma_start3A_72 = arith.constant 0 : i32
      %dma_start3A_73 = tpu.memref_slice %arg4[%dma_start3A_71, %dma_start3A_72] : memref<10128x16xf32, #tpu.memory_space<vmem_shared>> -> memref<10128x16xf32, #tpu.memory_space<vmem_shared>>
      tpu.enqueue_indirect_dma source(%dma_start3A_67 : memref<64x16xf32, #tpu.memory_space<vmem>>) target(%dma_start3A_73 : memref<10128x16xf32, #tpu.memory_space<vmem_shared>>) offsets(%dma_start3A_70 : memref<64xi32, #tpu.memory_space<vmem>>) semaphore(%arg9 : memref<!tpu.dma_semaphore, #tpu.memory_space<semaphore_mem>>) {add = true}
      %dma_start3A_74 = arith.constant 1 : i32
      %dma_start3A_75 = arith.constant 1 : i32
      %dma_start3A_76 = arith.constant 0 : i32
      %dma_start3A_77 = arith.constant 0 : i32
      %dma_start3A_78 = tpu.memref_slice %arg6[%dma_start3A_74, %dma_start3A_76, %dma_start3A_77] : memref<4x64x16xf32, #tpu.memory_space<vmem>> -> memref<1x64x16xf32, #tpu.memory_space<vmem>>
      %dma_start3A_79 = tpu.memref_squeeze %dma_start3A_78 : memref<1x64x16xf32, #tpu.memory_space<vmem>> -> memref<64x16xf32, #tpu.memory_space<vmem>>
      %dma_start3A_80 = arith.constant 0 : i32
      %dma_start3A_81 = tpu.memref_slice %arg5[%dma_start3A_75, %dma_start3A_80] : memref<8x64xi32, #tpu.memory_space<vmem>> -> memref<1x64xi32, #tpu.memory_space<vmem>>
      %dma_start3A_82 = tpu.memref_squeeze %dma_start3A_81 : memref<1x64xi32, #tpu.memory_space<vmem>> -> memref<64xi32, #tpu.memory_space<vmem>>
      %dma_start3A_83 = arith.constant 0 : i32
      %dma_start3A_84 = arith.constant 0 : i32
      %dma_start3A_85 = tpu.memref_slice %arg4[%dma_start3A_83, %dma_start3A_84] : memref<10128x16xf32, #tpu.memory_space<vmem_shared>> -> memref<10128x16xf32, #tpu.memory_space<vmem_shared>>
      tpu.enqueue_indirect_dma source(%dma_start3A_79 : memref<64x16xf32, #tpu.memory_space<vmem>>) target(%dma_start3A_85 : memref<10128x16xf32, #tpu.memory_space<vmem_shared>>) offsets(%dma_start3A_82 : memref<64xi32, #tpu.memory_space<vmem>>) semaphore(%arg10 : memref<!tpu.dma_semaphore, #tpu.memory_space<semaphore_mem>>) {add = true}
      %dma_start3A_86 = arith.constant 2 : i32
      %dma_start3A_87 = arith.constant 2 : i32
      %dma_start3A_88 = arith.constant 0 : i32
      %dma_start3A_89 = arith.constant 0 : i32
      %dma_start3A_90 = tpu.memref_slice %arg6[%dma_start3A_86, %dma_start3A_88, %dma_start3A_89] : memref<4x64x16xf32, #tpu.memory_space<vmem>> -> memref<1x64x16xf32, #tpu.memory_space<vmem>>
      %dma_start3A_91 = tpu.memref_squeeze %dma_start3A_90 : memref<1x64x16xf32, #tpu.memory_space<vmem>> -> memref<64x16xf32, #tpu.memory_space<vmem>>
      %dma_start3A_92 = arith.constant 0 : i32
      %dma_start3A_93 = tpu.memref_slice %arg5[%dma_start3A_87, %dma_start3A_92] : memref<8x64xi32, #tpu.memory_space<vmem>> -> memref<1x64xi32, #tpu.memory_space<vmem>>
      %dma_start3A_94 = tpu.memref_squeeze %dma_start3A_93 : memref<1x64xi32, #tpu.memory_space<vmem>> -> memref<64xi32, #tpu.memory_space<vmem>>
      %dma_start3A_95 = arith.constant 0 : i32
      %dma_start3A_96 = arith.constant 0 : i32
      %dma_start3A_97 = tpu.memref_slice %arg4[%dma_start3A_95, %dma_start3A_96] : memref<10128x16xf32, #tpu.memory_space<vmem_shared>> -> memref<10128x16xf32, #tpu.memory_space<vmem_shared>>
      tpu.enqueue_indirect_dma source(%dma_start3A_91 : memref<64x16xf32, #tpu.memory_space<vmem>>) target(%dma_start3A_97 : memref<10128x16xf32, #tpu.memory_space<vmem_shared>>) offsets(%dma_start3A_94 : memref<64xi32, #tpu.memory_space<vmem>>) semaphore(%arg11 : memref<!tpu.dma_semaphore, #tpu.memory_space<semaphore_mem>>) {add = true}
      %dma_start3A_98 = arith.constant 3 : i32
      %dma_start3A_99 = arith.constant 3 : i32
      %dma_start3A_100 = arith.constant 0 : i32
      %dma_start3A_101 = arith.constant 0 : i32
      %dma_start3A_102 = tpu.memref_slice %arg6[%dma_start3A_98, %dma_start3A_100, %dma_start3A_101] : memref<4x64x16xf32, #tpu.memory_space<vmem>> -> memref<1x64x16xf32, #tpu.memory_space<vmem>>
      %dma_start3A_103 = tpu.memref_squeeze %dma_start3A_102 : memref<1x64x16xf32, #tpu.memory_space<vmem>> -> memref<64x16xf32, #tpu.memory_space<vmem>>
      %dma_start3A_104 = arith.constant 0 : i32
      %dma_start3A_105 = tpu.memref_slice %arg5[%dma_start3A_99, %dma_start3A_104] : memref<8x64xi32, #tpu.memory_space<vmem>> -> memref<1x64xi32, #tpu.memory_space<vmem>>
      %dma_start3A_106 = tpu.memref_squeeze %dma_start3A_105 : memref<1x64xi32, #tpu.memory_space<vmem>> -> memref<64xi32, #tpu.memory_space<vmem>>
      %dma_start3A_107 = arith.constant 0 : i32
      %dma_start3A_108 = arith.constant 0 : i32
      %dma_start3A_109 = tpu.memref_slice %arg4[%dma_start3A_107, %dma_start3A_108] : memref<10128x16xf32, #tpu.memory_space<vmem_shared>> -> memref<10128x16xf32, #tpu.memory_space<vmem_shared>>
      tpu.enqueue_indirect_dma source(%dma_start3A_103 : memref<64x16xf32, #tpu.memory_space<vmem>>) target(%dma_start3A_109 : memref<10128x16xf32, #tpu.memory_space<vmem_shared>>) offsets(%dma_start3A_106 : memref<64xi32, #tpu.memory_space<vmem>>) semaphore(%arg12 : memref<!tpu.dma_semaphore, #tpu.memory_space<semaphore_mem>>) {add = true}
      %dma_wait3A = arith.constant 0 : i32
      %dma_wait3A_110 = arith.constant 0 : i32
      %dma_wait3A_111 = arith.constant 0 : i32
      %dma_wait3A_112 = arith.constant 0 : i32
      %dma_wait3A_113 = tpu.memref_slice %arg6[%dma_wait3A, %dma_wait3A_111, %dma_wait3A_112] : memref<4x64x16xf32, #tpu.memory_space<vmem>> -> memref<1x64x16xf32, #tpu.memory_space<vmem>>
      %dma_wait3A_114 = tpu.memref_squeeze %dma_wait3A_113 : memref<1x64x16xf32, #tpu.memory_space<vmem>> -> memref<64x16xf32, #tpu.memory_space<vmem>>
      %dma_wait3A_115 = arith.constant 0 : i32
      %dma_wait3A_116 = tpu.memref_slice %arg5[%dma_wait3A_110, %dma_wait3A_115] : memref<8x64xi32, #tpu.memory_space<vmem>> -> memref<1x64xi32, #tpu.memory_space<vmem>>
      %dma_wait3A_117 = tpu.memref_squeeze %dma_wait3A_116 : memref<1x64xi32, #tpu.memory_space<vmem>> -> memref<64xi32, #tpu.memory_space<vmem>>
      %dma_wait3A_118 = arith.constant 0 : i32
      %dma_wait3A_119 = arith.constant 0 : i32
      %dma_wait3A_120 = tpu.memref_slice %arg4[%dma_wait3A_118, %dma_wait3A_119] : memref<10128x16xf32, #tpu.memory_space<vmem_shared>> -> memref<10128x16xf32, #tpu.memory_space<vmem_shared>>
      tpu.wait_indirect_dma semaphore(%arg9 : memref<!tpu.dma_semaphore, #tpu.memory_space<semaphore_mem>>) src(%dma_wait3A_114 : memref<64x16xf32, #tpu.memory_space<vmem>>) dst(%dma_wait3A_120 : memref<10128x16xf32, #tpu.memory_space<vmem_shared>>)
      %dma_start3A_121 = arith.constant 0 : i32
      %dma_start3A_122 = arith.constant 4 : i32
      %dma_start3A_123 = arith.constant 0 : i32
      %dma_start3A_124 = arith.constant 0 : i32
      %dma_start3A_125 = tpu.memref_slice %arg6[%dma_start3A_121, %dma_start3A_123, %dma_start3A_124] : memref<4x64x16xf32, #tpu.memory_space<vmem>> -> memref<1x64x16xf32, #tpu.memory_space<vmem>>
      %dma_start3A_126 = tpu.memref_squeeze %dma_start3A_125 : memref<1x64x16xf32, #tpu.memory_space<vmem>> -> memref<64x16xf32, #tpu.memory_space<vmem>>
      %dma_start3A_127 = arith.constant 0 : i32
      %dma_start3A_128 = tpu.memref_slice %arg5[%dma_start3A_122, %dma_start3A_127] : memref<8x64xi32, #tpu.memory_space<vmem>> -> memref<1x64xi32, #tpu.memory_space<vmem>>
      %dma_start3A_129 = tpu.memref_squeeze %dma_start3A_128 : memref<1x64xi32, #tpu.memory_space<vmem>> -> memref<64xi32, #tpu.memory_space<vmem>>
      %dma_start3A_130 = arith.constant 0 : i32
      %dma_start3A_131 = arith.constant 0 : i32
      %dma_start3A_132 = tpu.memref_slice %arg4[%dma_start3A_130, %dma_start3A_131] : memref<10128x16xf32, #tpu.memory_space<vmem_shared>> -> memref<10128x16xf32, #tpu.memory_space<vmem_shared>>
      tpu.enqueue_indirect_dma source(%dma_start3A_126 : memref<64x16xf32, #tpu.memory_space<vmem>>) target(%dma_start3A_132 : memref<10128x16xf32, #tpu.memory_space<vmem_shared>>) offsets(%dma_start3A_129 : memref<64xi32, #tpu.memory_space<vmem>>) semaphore(%arg9 : memref<!tpu.dma_semaphore, #tpu.memory_space<semaphore_mem>>) {add = true}
      %dma_wait3A_133 = arith.constant 1 : i32
      %dma_wait3A_134 = arith.constant 1 : i32
      %dma_wait3A_135 = arith.constant 0 : i32
      %dma_wait3A_136 = arith.constant 0 : i32
      %dma_wait3A_137 = tpu.memref_slice %arg6[%dma_wait3A_133, %dma_wait3A_135, %dma_wait3A_136] : memref<4x64x16xf32, #tpu.memory_space<vmem>> -> memref<1x64x16xf32, #tpu.memory_space<vmem>>
      %dma_wait3A_138 = tpu.memref_squeeze %dma_wait3A_137 : memref<1x64x16xf32, #tpu.memory_space<vmem>> -> memref<64x16xf32, #tpu.memory_space<vmem>>
      %dma_wait3A_139 = arith.constant 0 : i32
      %dma_wait3A_140 = tpu.memref_slice %arg5[%dma_wait3A_134, %dma_wait3A_139] : memref<8x64xi32, #tpu.memory_space<vmem>> -> memref<1x64xi32, #tpu.memory_space<vmem>>
      %dma_wait3A_141 = tpu.memref_squeeze %dma_wait3A_140 : memref<1x64xi32, #tpu.memory_space<vmem>> -> memref<64xi32, #tpu.memory_space<vmem>>
      %dma_wait3A_142 = arith.constant 0 : i32
      %dma_wait3A_143 = arith.constant 0 : i32
      %dma_wait3A_144 = tpu.memref_slice %arg4[%dma_wait3A_142, %dma_wait3A_143] : memref<10128x16xf32, #tpu.memory_space<vmem_shared>> -> memref<10128x16xf32, #tpu.memory_space<vmem_shared>>
      tpu.wait_indirect_dma semaphore(%arg10 : memref<!tpu.dma_semaphore, #tpu.memory_space<semaphore_mem>>) src(%dma_wait3A_138 : memref<64x16xf32, #tpu.memory_space<vmem>>) dst(%dma_wait3A_144 : memref<10128x16xf32, #tpu.memory_space<vmem_shared>>)
      %dma_start3A_145 = arith.constant 1 : i32
      %dma_start3A_146 = arith.constant 5 : i32
      %dma_start3A_147 = arith.constant 0 : i32
      %dma_start3A_148 = arith.constant 0 : i32
      %dma_start3A_149 = tpu.memref_slice %arg6[%dma_start3A_145, %dma_start3A_147, %dma_start3A_148] : memref<4x64x16xf32, #tpu.memory_space<vmem>> -> memref<1x64x16xf32, #tpu.memory_space<vmem>>
      %dma_start3A_150 = tpu.memref_squeeze %dma_start3A_149 : memref<1x64x16xf32, #tpu.memory_space<vmem>> -> memref<64x16xf32, #tpu.memory_space<vmem>>
      %dma_start3A_151 = arith.constant 0 : i32
      %dma_start3A_152 = tpu.memref_slice %arg5[%dma_start3A_146, %dma_start3A_151] : memref<8x64xi32, #tpu.memory_space<vmem>> -> memref<1x64xi32, #tpu.memory_space<vmem>>
      %dma_start3A_153 = tpu.memref_squeeze %dma_start3A_152 : memref<1x64xi32, #tpu.memory_space<vmem>> -> memref<64xi32, #tpu.memory_space<vmem>>
      %dma_start3A_154 = arith.constant 0 : i32
      %dma_start3A_155 = arith.constant 0 : i32
      %dma_start3A_156 = tpu.memref_slice %arg4[%dma_start3A_154, %dma_start3A_155] : memref<10128x16xf32, #tpu.memory_space<vmem_shared>> -> memref<10128x16xf32, #tpu.memory_space<vmem_shared>>
      tpu.enqueue_indirect_dma source(%dma_start3A_150 : memref<64x16xf32, #tpu.memory_space<vmem>>) target(%dma_start3A_156 : memref<10128x16xf32, #tpu.memory_space<vmem_shared>>) offsets(%dma_start3A_153 : memref<64xi32, #tpu.memory_space<vmem>>) semaphore(%arg10 : memref<!tpu.dma_semaphore, #tpu.memory_space<semaphore_mem>>) {add = true}
      %dma_wait3A_157 = arith.constant 2 : i32
      %dma_wait3A_158 = arith.constant 2 : i32
      %dma_wait3A_159 = arith.constant 0 : i32
      %dma_wait3A_160 = arith.constant 0 : i32
      %dma_wait3A_161 = tpu.memref_slice %arg6[%dma_wait3A_157, %dma_wait3A_159, %dma_wait3A_160] : memref<4x64x16xf32, #tpu.memory_space<vmem>> -> memref<1x64x16xf32, #tpu.memory_space<vmem>>
      %dma_wait3A_162 = tpu.memref_squeeze %dma_wait3A_161 : memref<1x64x16xf32, #tpu.memory_space<vmem>> -> memref<64x16xf32, #tpu.memory_space<vmem>>
      %dma_wait3A_163 = arith.constant 0 : i32
      %dma_wait3A_164 = tpu.memref_slice %arg5[%dma_wait3A_158, %dma_wait3A_163] : memref<8x64xi32, #tpu.memory_space<vmem>> -> memref<1x64xi32, #tpu.memory_space<vmem>>
      %dma_wait3A_165 = tpu.memref_squeeze %dma_wait3A_164 : memref<1x64xi32, #tpu.memory_space<vmem>> -> memref<64xi32, #tpu.memory_space<vmem>>
      %dma_wait3A_166 = arith.constant 0 : i32
      %dma_wait3A_167 = arith.constant 0 : i32
      %dma_wait3A_168 = tpu.memref_slice %arg4[%dma_wait3A_166, %dma_wait3A_167] : memref<10128x16xf32, #tpu.memory_space<vmem_shared>> -> memref<10128x16xf32, #tpu.memory_space<vmem_shared>>
      tpu.wait_indirect_dma semaphore(%arg11 : memref<!tpu.dma_semaphore, #tpu.memory_space<semaphore_mem>>) src(%dma_wait3A_162 : memref<64x16xf32, #tpu.memory_space<vmem>>) dst(%dma_wait3A_168 : memref<10128x16xf32, #tpu.memory_space<vmem_shared>>)
      %dma_start3A_169 = arith.constant 2 : i32
      %dma_start3A_170 = arith.constant 6 : i32
      %dma_start3A_171 = arith.constant 0 : i32
      %dma_start3A_172 = arith.constant 0 : i32
      %dma_start3A_173 = tpu.memref_slice %arg6[%dma_start3A_169, %dma_start3A_171, %dma_start3A_172] : memref<4x64x16xf32, #tpu.memory_space<vmem>> -> memref<1x64x16xf32, #tpu.memory_space<vmem>>
      %dma_start3A_174 = tpu.memref_squeeze %dma_start3A_173 : memref<1x64x16xf32, #tpu.memory_space<vmem>> -> memref<64x16xf32, #tpu.memory_space<vmem>>
      %dma_start3A_175 = arith.constant 0 : i32
      %dma_start3A_176 = tpu.memref_slice %arg5[%dma_start3A_170, %dma_start3A_175] : memref<8x64xi32, #tpu.memory_space<vmem>> -> memref<1x64xi32, #tpu.memory_space<vmem>>
      %dma_start3A_177 = tpu.memref_squeeze %dma_start3A_176 : memref<1x64xi32, #tpu.memory_space<vmem>> -> memref<64xi32, #tpu.memory_space<vmem>>
      %dma_start3A_178 = arith.constant 0 : i32
      %dma_start3A_179 = arith.constant 0 : i32
      %dma_start3A_180 = tpu.memref_slice %arg4[%dma_start3A_178, %dma_start3A_179] : memref<10128x16xf32, #tpu.memory_space<vmem_shared>> -> memref<10128x16xf32, #tpu.memory_space<vmem_shared>>
      tpu.enqueue_indirect_dma source(%dma_start3A_174 : memref<64x16xf32, #tpu.memory_space<vmem>>) target(%dma_start3A_180 : memref<10128x16xf32, #tpu.memory_space<vmem_shared>>) offsets(%dma_start3A_177 : memref<64xi32, #tpu.memory_space<vmem>>) semaphore(%arg11 : memref<!tpu.dma_semaphore, #tpu.memory_space<semaphore_mem>>) {add = true}
      %dma_wait3A_181 = arith.constant 3 : i32
      %dma_wait3A_182 = arith.constant 3 : i32
      %dma_wait3A_183 = arith.constant 0 : i32
      %dma_wait3A_184 = arith.constant 0 : i32
      %dma_wait3A_185 = tpu.memref_slice %arg6[%dma_wait3A_181, %dma_wait3A_183, %dma_wait3A_184] : memref<4x64x16xf32, #tpu.memory_space<vmem>> -> memref<1x64x16xf32, #tpu.memory_space<vmem>>
      %dma_wait3A_186 = tpu.memref_squeeze %dma_wait3A_185 : memref<1x64x16xf32, #tpu.memory_space<vmem>> -> memref<64x16xf32, #tpu.memory_space<vmem>>
      %dma_wait3A_187 = arith.constant 0 : i32
      %dma_wait3A_188 = tpu.memref_slice %arg5[%dma_wait3A_182, %dma_wait3A_187] : memref<8x64xi32, #tpu.memory_space<vmem>> -> memref<1x64xi32, #tpu.memory_space<vmem>>
      %dma_wait3A_189 = tpu.memref_squeeze %dma_wait3A_188 : memref<1x64xi32, #tpu.memory_space<vmem>> -> memref<64xi32, #tpu.memory_space<vmem>>
      %dma_wait3A_190 = arith.constant 0 : i32
      %dma_wait3A_191 = arith.constant 0 : i32
      %dma_wait3A_192 = tpu.memref_slice %arg4[%dma_wait3A_190, %dma_wait3A_191] : memref<10128x16xf32, #tpu.memory_space<vmem_shared>> -> memref<10128x16xf32, #tpu.memory_space<vmem_shared>>
      tpu.wait_indirect_dma semaphore(%arg12 : memref<!tpu.dma_semaphore, #tpu.memory_space<semaphore_mem>>) src(%dma_wait3A_186 : memref<64x16xf32, #tpu.memory_space<vmem>>) dst(%dma_wait3A_192 : memref<10128x16xf32, #tpu.memory_space<vmem_shared>>)
      %dma_start3A_193 = arith.constant 3 : i32
      %dma_start3A_194 = arith.constant 7 : i32
      %dma_start3A_195 = arith.constant 0 : i32
      %dma_start3A_196 = arith.constant 0 : i32
      %dma_start3A_197 = tpu.memref_slice %arg6[%dma_start3A_193, %dma_start3A_195, %dma_start3A_196] : memref<4x64x16xf32, #tpu.memory_space<vmem>> -> memref<1x64x16xf32, #tpu.memory_space<vmem>>
      %dma_start3A_198 = tpu.memref_squeeze %dma_start3A_197 : memref<1x64x16xf32, #tpu.memory_space<vmem>> -> memref<64x16xf32, #tpu.memory_space<vmem>>
      %dma_start3A_199 = arith.constant 0 : i32
      %dma_start3A_200 = tpu.memref_slice %arg5[%dma_start3A_194, %dma_start3A_199] : memref<8x64xi32, #tpu.memory_space<vmem>> -> memref<1x64xi32, #tpu.memory_space<vmem>>
      %dma_start3A_201 = tpu.memref_squeeze %dma_start3A_200 : memref<1x64xi32, #tpu.memory_space<vmem>> -> memref<64xi32, #tpu.memory_space<vmem>>
      %dma_start3A_202 = arith.constant 0 : i32
      %dma_start3A_203 = arith.constant 0 : i32
      %dma_start3A_204 = tpu.memref_slice %arg4[%dma_start3A_202, %dma_start3A_203] : memref<10128x16xf32, #tpu.memory_space<vmem_shared>> -> memref<10128x16xf32, #tpu.memory_space<vmem_shared>>
      tpu.enqueue_indirect_dma source(%dma_start3A_198 : memref<64x16xf32, #tpu.memory_space<vmem>>) target(%dma_start3A_204 : memref<10128x16xf32, #tpu.memory_space<vmem_shared>>) offsets(%dma_start3A_201 : memref<64xi32, #tpu.memory_space<vmem>>) semaphore(%arg12 : memref<!tpu.dma_semaphore, #tpu.memory_space<semaphore_mem>>) {add = true}
      %dma_wait3A_205 = arith.constant 0 : i32
      %dma_wait3A_206 = arith.constant 4 : i32
      %dma_wait3A_207 = arith.constant 0 : i32
      %dma_wait3A_208 = arith.constant 0 : i32
      %dma_wait3A_209 = tpu.memref_slice %arg6[%dma_wait3A_205, %dma_wait3A_207, %dma_wait3A_208] : memref<4x64x16xf32, #tpu.memory_space<vmem>> -> memref<1x64x16xf32, #tpu.memory_space<vmem>>
      %dma_wait3A_210 = tpu.memref_squeeze %dma_wait3A_209 : memref<1x64x16xf32, #tpu.memory_space<vmem>> -> memref<64x16xf32, #tpu.memory_space<vmem>>
      %dma_wait3A_211 = arith.constant 0 : i32
      %dma_wait3A_212 = tpu.memref_slice %arg5[%dma_wait3A_206, %dma_wait3A_211] : memref<8x64xi32, #tpu.memory_space<vmem>> -> memref<1x64xi32, #tpu.memory_space<vmem>>
      %dma_wait3A_213 = tpu.memref_squeeze %dma_wait3A_212 : memref<1x64xi32, #tpu.memory_space<vmem>> -> memref<64xi32, #tpu.memory_space<vmem>>
      %dma_wait3A_214 = arith.constant 0 : i32
      %dma_wait3A_215 = arith.constant 0 : i32
      %dma_wait3A_216 = tpu.memref_slice %arg4[%dma_wait3A_214, %dma_wait3A_215] : memref<10128x16xf32, #tpu.memory_space<vmem_shared>> -> memref<10128x16xf32, #tpu.memory_space<vmem_shared>>
      tpu.wait_indirect_dma semaphore(%arg9 : memref<!tpu.dma_semaphore, #tpu.memory_space<semaphore_mem>>) src(%dma_wait3A_210 : memref<64x16xf32, #tpu.memory_space<vmem>>) dst(%dma_wait3A_216 : memref<10128x16xf32, #tpu.memory_space<vmem_shared>>)
      %dma_wait3A_217 = arith.constant 1 : i32
      %dma_wait3A_218 = arith.constant 5 : i32
      %dma_wait3A_219 = arith.constant 0 : i32
      %dma_wait3A_220 = arith.constant 0 : i32
      %dma_wait3A_221 = tpu.memref_slice %arg6[%dma_wait3A_217, %dma_wait3A_219, %dma_wait3A_220] : memref<4x64x16xf32, #tpu.memory_space<vmem>> -> memref<1x64x16xf32, #tpu.memory_space<vmem>>
      %dma_wait3A_222 = tpu.memref_squeeze %dma_wait3A_221 : memref<1x64x16xf32, #tpu.memory_space<vmem>> -> memref<64x16xf32, #tpu.memory_space<vmem>>
      %dma_wait3A_223 = arith.constant 0 : i32
      %dma_wait3A_224 = tpu.memref_slice %arg5[%dma_wait3A_218, %dma_wait3A_223] : memref<8x64xi32, #tpu.memory_space<vmem>> -> memref<1x64xi32, #tpu.memory_space<vmem>>
      %dma_wait3A_225 = tpu.memref_squeeze %dma_wait3A_224 : memref<1x64xi32, #tpu.memory_space<vmem>> -> memref<64xi32, #tpu.memory_space<vmem>>
      %dma_wait3A_226 = arith.constant 0 : i32
      %dma_wait3A_227 = arith.constant 0 : i32
      %dma_wait3A_228 = tpu.memref_slice %arg4[%dma_wait3A_226, %dma_wait3A_227] : memref<10128x16xf32, #tpu.memory_space<vmem_shared>> -> memref<10128x16xf32, #tpu.memory_space<vmem_shared>>
      tpu.wait_indirect_dma semaphore(%arg10 : memref<!tpu.dma_semaphore, #tpu.memory_space<semaphore_mem>>) src(%dma_wait3A_222 : memref<64x16xf32, #tpu.memory_space<vmem>>) dst(%dma_wait3A_228 : memref<10128x16xf32, #tpu.memory_space<vmem_shared>>)
      %dma_wait3A_229 = arith.constant 2 : i32
      %dma_wait3A_230 = arith.constant 6 : i32
      %dma_wait3A_231 = arith.constant 0 : i32
      %dma_wait3A_232 = arith.constant 0 : i32
      %dma_wait3A_233 = tpu.memref_slice %arg6[%dma_wait3A_229, %dma_wait3A_231, %dma_wait3A_232] : memref<4x64x16xf32, #tpu.memory_space<vmem>> -> memref<1x64x16xf32, #tpu.memory_space<vmem>>
      %dma_wait3A_234 = tpu.memref_squeeze %dma_wait3A_233 : memref<1x64x16xf32, #tpu.memory_space<vmem>> -> memref<64x16xf32, #tpu.memory_space<vmem>>
      %dma_wait3A_235 = arith.constant 0 : i32
      %dma_wait3A_236 = tpu.memref_slice %arg5[%dma_wait3A_230, %dma_wait3A_235] : memref<8x64xi32, #tpu.memory_space<vmem>> -> memref<1x64xi32, #tpu.memory_space<vmem>>
      %dma_wait3A_237 = tpu.memref_squeeze %dma_wait3A_236 : memref<1x64xi32, #tpu.memory_space<vmem>> -> memref<64xi32, #tpu.memory_space<vmem>>
      %dma_wait3A_238 = arith.constant 0 : i32
      %dma_wait3A_239 = arith.constant 0 : i32
      %dma_wait3A_240 = tpu.memref_slice %arg4[%dma_wait3A_238, %dma_wait3A_239] : memref<10128x16xf32, #tpu.memory_space<vmem_shared>> -> memref<10128x16xf32, #tpu.memory_space<vmem_shared>>
      tpu.wait_indirect_dma semaphore(%arg11 : memref<!tpu.dma_semaphore, #tpu.memory_space<semaphore_mem>>) src(%dma_wait3A_234 : memref<64x16xf32, #tpu.memory_space<vmem>>) dst(%dma_wait3A_240 : memref<10128x16xf32, #tpu.memory_space<vmem_shared>>)
      %dma_wait3A_241 = arith.constant 3 : i32
      %dma_wait3A_242 = arith.constant 7 : i32
      %dma_wait3A_243 = arith.constant 0 : i32
      %dma_wait3A_244 = arith.constant 0 : i32
      %dma_wait3A_245 = tpu.memref_slice %arg6[%dma_wait3A_241, %dma_wait3A_243, %dma_wait3A_244] : memref<4x64x16xf32, #tpu.memory_space<vmem>> -> memref<1x64x16xf32, #tpu.memory_space<vmem>>
      %dma_wait3A_246 = tpu.memref_squeeze %dma_wait3A_245 : memref<1x64x16xf32, #tpu.memory_space<vmem>> -> memref<64x16xf32, #tpu.memory_space<vmem>>
      %dma_wait3A_247 = arith.constant 0 : i32
      %dma_wait3A_248 = tpu.memref_slice %arg5[%dma_wait3A_242, %dma_wait3A_247] : memref<8x64xi32, #tpu.memory_space<vmem>> -> memref<1x64xi32, #tpu.memory_space<vmem>>
      %dma_wait3A_249 = tpu.memref_squeeze %dma_wait3A_248 : memref<1x64xi32, #tpu.memory_space<vmem>> -> memref<64xi32, #tpu.memory_space<vmem>>
      %dma_wait3A_250 = arith.constant 0 : i32
      %dma_wait3A_251 = arith.constant 0 : i32
      %dma_wait3A_252 = tpu.memref_slice %arg4[%dma_wait3A_250, %dma_wait3A_251] : memref<10128x16xf32, #tpu.memory_space<vmem_shared>> -> memref<10128x16xf32, #tpu.memory_space<vmem_shared>>
      tpu.wait_indirect_dma semaphore(%arg12 : memref<!tpu.dma_semaphore, #tpu.memory_space<semaphore_mem>>) src(%dma_wait3A_246 : memref<64x16xf32, #tpu.memory_space<vmem>>) dst(%dma_wait3A_252 : memref<10128x16xf32, #tpu.memory_space<vmem_shared>>)
      %scan3A_253 = arith.constant 0 : i32
      scf.yield %scan3A_253 : i32
    }
    %scan3A_47 = arith.constant 20 : i32
    %barrier3A_48 = arith.constant 0 : index
    tpu.barrier barrier_id(%barrier3A_48)
    %mul3A_49 = arith.constant 624 : i32
    %mul3A_50 = arith.muli %arg1, %mul3A_49 : i32
    "tpu.region"() ({
      %run_scoped3A = tpu.sem_alloc : memref<!tpu.dma_semaphore, #tpu.memory_space<semaphore_mem>>
      %dma_start3A = arith.constant 0 : i32
      %dma_start3A_58 = tpu.memref_slice %arg4[%mul3A_50, %dma_start3A] : memref<10128x16xf32, #tpu.memory_space<vmem_shared>> -> memref<624x16xf32, #tpu.memory_space<vmem_shared>>
      %dma_start3A_59 = arith.constant 0 : i32
      %dma_start3A_60 = tpu.memref_slice %arg4[%mul3A_50, %dma_start3A_59] : memref<10128x16xf32, #tpu.memory_space<vmem_shared>> -> memref<624x16xf32, #tpu.memory_space<vmem_shared>>
      tpu.enqueue_dma source(%dma_start3A_60 : memref<624x16xf32, #tpu.memory_space<vmem_shared>>) target(%arg7 : memref<624x16xf32, #tpu.memory_space<vmem>>) target_semaphore(%run_scoped3A : memref<!tpu.dma_semaphore, #tpu.memory_space<semaphore_mem>>)
      %dma_wait3A = arith.constant 0 : i32
      %dma_wait3A_61 = tpu.memref_slice %arg4[%mul3A_50, %dma_wait3A] : memref<10128x16xf32, #tpu.memory_space<vmem_shared>> -> memref<624x16xf32, #tpu.memory_space<vmem_shared>>
      %dma_wait3A_62 = arith.constant 0 : i32
      %dma_wait3A_63 = tpu.memref_slice %arg4[%mul3A_50, %dma_wait3A_62] : memref<10128x16xf32, #tpu.memory_space<vmem_shared>> -> memref<624x16xf32, #tpu.memory_space<vmem_shared>>
      tpu.wait_dma2 semaphore(%run_scoped3A : memref<!tpu.dma_semaphore, #tpu.memory_space<semaphore_mem>>) src(%dma_wait3A_63 : memref<624x16xf32, #tpu.memory_space<vmem_shared>>) dst(%arg7 : memref<624x16xf32, #tpu.memory_space<vmem>>)
      tpu.yield
    }) : () -> ()
    %mul3A_51 = arith.constant 624 : i32
    %mul3A_52 = arith.muli %arg1, %mul3A_51 : i32
    "tpu.region"() ({
      %run_scoped3A = tpu.sem_alloc : memref<!tpu.dma_semaphore, #tpu.memory_space<semaphore_mem>>
      %dma_start3A = arith.constant 0 : i32
      %dma_start3A_58 = tpu.memref_slice %arg3[%arg0, %mul3A_52, %dma_start3A] : memref<2x10000x16xf32, #tpu.memory_space<hbm>> -> memref<1x624x16xf32, #tpu.memory_space<hbm>>
      %dma_start3A_59 = tpu.memref_squeeze %dma_start3A_58 : memref<1x624x16xf32, #tpu.memory_space<hbm>> -> memref<624x16xf32, #tpu.memory_space<hbm>>
      %dma_start3A_60 = arith.constant 0 : i32
      %dma_start3A_61 = tpu.memref_slice %arg3[%arg0, %mul3A_52, %dma_start3A_60] : memref<2x10000x16xf32, #tpu.memory_space<hbm>> -> memref<1x624x16xf32, #tpu.memory_space<hbm>>
      %dma_start3A_62 = tpu.memref_squeeze %dma_start3A_61 : memref<1x624x16xf32, #tpu.memory_space<hbm>> -> memref<624x16xf32, #tpu.memory_space<hbm>>
      tpu.enqueue_dma source(%arg7 : memref<624x16xf32, #tpu.memory_space<vmem>>) target(%dma_start3A_62 : memref<624x16xf32, #tpu.memory_space<hbm>>) target_semaphore(%run_scoped3A : memref<!tpu.dma_semaphore, #tpu.memory_space<semaphore_mem>>)
      %dma_wait3A = arith.constant 0 : i32
      %dma_wait3A_63 = tpu.memref_slice %arg3[%arg0, %mul3A_52, %dma_wait3A] : memref<2x10000x16xf32, #tpu.memory_space<hbm>> -> memref<1x624x16xf32, #tpu.memory_space<hbm>>
      %dma_wait3A_64 = tpu.memref_squeeze %dma_wait3A_63 : memref<1x624x16xf32, #tpu.memory_space<hbm>> -> memref<624x16xf32, #tpu.memory_space<hbm>>
      %dma_wait3A_65 = arith.constant 0 : i32
      %dma_wait3A_66 = tpu.memref_slice %arg3[%arg0, %mul3A_52, %dma_wait3A_65] : memref<2x10000x16xf32, #tpu.memory_space<hbm>> -> memref<1x624x16xf32, #tpu.memory_space<hbm>>
      %dma_wait3A_67 = tpu.memref_squeeze %dma_wait3A_66 : memref<1x624x16xf32, #tpu.memory_space<hbm>> -> memref<624x16xf32, #tpu.memory_space<hbm>>
      tpu.wait_dma2 semaphore(%run_scoped3A : memref<!tpu.dma_semaphore, #tpu.memory_space<semaphore_mem>>) src(%arg7 : memref<624x16xf32, #tpu.memory_space<vmem>>) dst(%dma_wait3A_67 : memref<624x16xf32, #tpu.memory_space<hbm>>)
      tpu.yield
    }) : () -> ()
    %eq3A_53 = arith.constant 15 : i32
    %eq3A_54 = arith.cmpi eq, %arg1, %eq3A_53 : i32
    %convert_element_type3A_55 = arith.extui %eq3A_54 : i1 to i32
    %cond3A_56 = arith.constant 0 : i32
    %cond3A_57 = arith.cmpi ne, %convert_element_type3A_55, %cond3A_56 : i32
    scf.if %cond3A_57 {
      "tpu.region"() ({
        %run_scoped3A = tpu.sem_alloc : memref<!tpu.dma_semaphore, #tpu.memory_space<semaphore_mem>>
        %dma_start3A = arith.constant 9984 : i32
        %dma_start3A_58 = arith.constant 0 : i32
        %dma_start3A_59 = tpu.memref_slice %arg4[%dma_start3A, %dma_start3A_58] : memref<10128x16xf32, #tpu.memory_space<vmem_shared>> -> memref<16x16xf32, #tpu.memory_space<vmem_shared>>
        %dma_start3A_60 = arith.constant 9984 : i32
        %dma_start3A_61 = arith.constant 0 : i32
        %dma_start3A_62 = tpu.memref_slice %arg4[%dma_start3A_60, %dma_start3A_61] : memref<10128x16xf32, #tpu.memory_space<vmem_shared>> -> memref<16x16xf32, #tpu.memory_space<vmem_shared>>
        tpu.enqueue_dma source(%dma_start3A_62 : memref<16x16xf32, #tpu.memory_space<vmem_shared>>) target(%arg8 : memref<16x16xf32, #tpu.memory_space<vmem>>) target_semaphore(%run_scoped3A : memref<!tpu.dma_semaphore, #tpu.memory_space<semaphore_mem>>)
        %dma_wait3A = arith.constant 9984 : i32
        %dma_wait3A_63 = arith.constant 0 : i32
        %dma_wait3A_64 = tpu.memref_slice %arg4[%dma_wait3A, %dma_wait3A_63] : memref<10128x16xf32, #tpu.memory_space<vmem_shared>> -> memref<16x16xf32, #tpu.memory_space<vmem_shared>>
        %dma_wait3A_65 = arith.constant 9984 : i32
        %dma_wait3A_66 = arith.constant 0 : i32
        %dma_wait3A_67 = tpu.memref_slice %arg4[%dma_wait3A_65, %dma_wait3A_66] : memref<10128x16xf32, #tpu.memory_space<vmem_shared>> -> memref<16x16xf32, #tpu.memory_space<vmem_shared>>
        tpu.wait_dma2 semaphore(%run_scoped3A : memref<!tpu.dma_semaphore, #tpu.memory_space<semaphore_mem>>) src(%dma_wait3A_67 : memref<16x16xf32, #tpu.memory_space<vmem_shared>>) dst(%arg8 : memref<16x16xf32, #tpu.memory_space<vmem>>)
        tpu.yield
      }) : () -> ()
      "tpu.region"() ({
        %run_scoped3A = tpu.sem_alloc : memref<!tpu.dma_semaphore, #tpu.memory_space<semaphore_mem>>
        %dma_start3A = arith.constant 9984 : i32
        %dma_start3A_58 = arith.constant 0 : i32
        %dma_start3A_59 = tpu.memref_slice %arg3[%arg0, %dma_start3A, %dma_start3A_58] : memref<2x10000x16xf32, #tpu.memory_space<hbm>> -> memref<1x16x16xf32, #tpu.memory_space<hbm>>
        %dma_start3A_60 = tpu.memref_squeeze %dma_start3A_59 : memref<1x16x16xf32, #tpu.memory_space<hbm>> -> memref<16x16xf32, #tpu.memory_space<hbm>>
        %dma_start3A_61 = arith.constant 9984 : i32
        %dma_start3A_62 = arith.constant 0 : i32
        %dma_start3A_63 = tpu.memref_slice %arg3[%arg0, %dma_start3A_61, %dma_start3A_62] : memref<2x10000x16xf32, #tpu.memory_space<hbm>> -> memref<1x16x16xf32, #tpu.memory_space<hbm>>
        %dma_start3A_64 = tpu.memref_squeeze %dma_start3A_63 : memref<1x16x16xf32, #tpu.memory_space<hbm>> -> memref<16x16xf32, #tpu.memory_space<hbm>>
        tpu.enqueue_dma source(%arg8 : memref<16x16xf32, #tpu.memory_space<vmem>>) target(%dma_start3A_64 : memref<16x16xf32, #tpu.memory_space<hbm>>) target_semaphore(%run_scoped3A : memref<!tpu.dma_semaphore, #tpu.memory_space<semaphore_mem>>)
        %dma_wait3A = arith.constant 9984 : i32
        %dma_wait3A_65 = arith.constant 0 : i32
        %dma_wait3A_66 = tpu.memref_slice %arg3[%arg0, %dma_wait3A, %dma_wait3A_65] : memref<2x10000x16xf32, #tpu.memory_space<hbm>> -> memref<1x16x16xf32, #tpu.memory_space<hbm>>
        %dma_wait3A_67 = tpu.memref_squeeze %dma_wait3A_66 : memref<1x16x16xf32, #tpu.memory_space<hbm>> -> memref<16x16xf32, #tpu.memory_space<hbm>>
        %dma_wait3A_68 = arith.constant 9984 : i32
        %dma_wait3A_69 = arith.constant 0 : i32
        %dma_wait3A_70 = tpu.memref_slice %arg3[%arg0, %dma_wait3A_68, %dma_wait3A_69] : memref<2x10000x16xf32, #tpu.memory_space<hbm>> -> memref<1x16x16xf32, #tpu.memory_space<hbm>>
        %dma_wait3A_71 = tpu.memref_squeeze %dma_wait3A_70 : memref<1x16x16xf32, #tpu.memory_space<hbm>> -> memref<16x16xf32, #tpu.memory_space<hbm>>
        tpu.wait_dma2 semaphore(%run_scoped3A : memref<!tpu.dma_semaphore, #tpu.memory_space<semaphore_mem>>) src(%arg8 : memref<16x16xf32, #tpu.memory_space<vmem>>) dst(%dma_wait3A_71 : memref<16x16xf32, #tpu.memory_space<hbm>>)
        tpu.yield
      }) : () -> ()
    } else {
    }
    return
  }
}

#map = affine_map<(d0, d1) -> (0, 0)>
#map1 = affine_map<(d0, d1) -> (0)>
#map2 = affine_map<(d0, d1) -> (0, 0, 0)>
module attributes {stable_mosaic.version = 14 : i64} {
  func.func @k(%arg0: i32, %arg1: i32, %arg2: memref<10000x128xf32, #tpu.memory_space<hbm>>, %arg3: memref<327680xi32, #tpu.memory_space<hbm>>, %arg4: memref<327680xi32, #tpu.memory_space<hbm>>, %arg5: memref<2x10000x128xf32, #tpu.memory_space<hbm>>, %arg6: memref<10128x128xf32, #tpu.memory_space<vmem_shared>>, %arg7: memref<128xi32, #tpu.memory_space<vmem>>, %arg8: memref<128xi32, #tpu.memory_space<vmem>>, %arg9: memref<128x128xf32, #tpu.memory_space<vmem>>, %arg10: memref<48x128xf32, #tpu.memory_space<vmem>>, %arg11: memref<16x128xf32, #tpu.memory_space<vmem>>) attributes {dimension_semantics = [#tpu.dimension_semantics<core_parallel>, #tpu.dimension_semantics<subcore_parallel>], iteration_bounds = array<i64: 2, 16>, scalar_prefetch = 0 : i64, scratch_operands = 6 : i64, tpu.core_type = #tpu.core_type<sc_vector_subcore>, window_params = [{transform_indices = #map}, {transform_indices = #map1}, {transform_indices = #map1}, {transform_indices = #map2}]} {
    %mul3A = arith.constant 2 : i32
    %mul3A_0 = arith.muli %arg1, %mul3A : i32
    %add3A = arith.addi %mul3A_0, %arg0 : i32
    %mul3A_1 = arith.constant 80 : i32
    %mul3A_2 = arith.muli %add3A, %mul3A_1 : i32
    %scan3A = arith.constant 0 : i32
    %scan3A_3 = arith.constant 0 : i32
    %scan3A_4 = arith.constant 48 : i32
    %scan3A_5 = arith.addi %scan3A_3, %scan3A_4 : i32
    %scan3A_6 = arith.constant 1 : i32
    %scan3A_7 = scf.for %scan3A_182 = %scan3A_3 to %scan3A_5 step %scan3A_6 iter_args(%scan3A_183 = %scan3A) -> (i32)  : i32 {
      %broadcast_in_dim3A = arith.constant 0.000000e+00 : f32
      %broadcast_in_dim3A_184 = vector.broadcast %broadcast_in_dim3A : f32 to vector<16xf32>
      %swap3A = arith.index_cast %scan3A_182 : i32 to index
      %swap3A_185 = arith.constant 0 : index
      %swap3A_186 = tpu.vector_load %arg10[%swap3A, %swap3A_185] {strides = array<i32>} : memref<48x128xf32, #tpu.memory_space<vmem>>, vector<1x16xf32>,
      %swap3A_187 = vector.shape_cast %swap3A_186 : vector<1x16xf32> to vector<16xf32>
      %swap3A_188 = vector.shape_cast %broadcast_in_dim3A_184 : vector<16xf32> to vector<1x16xf32>
      tpu.vector_store %arg10[%swap3A, %swap3A_185], %swap3A_188 {strides = array<i32>} : memref<48x128xf32, #tpu.memory_space<vmem>>, vector<1x16xf32>,
      %broadcast_in_dim3A_189 = arith.constant 0.000000e+00 : f32
      %broadcast_in_dim3A_190 = vector.broadcast %broadcast_in_dim3A_189 : f32 to vector<16xf32>
      %swap3A_191 = arith.index_cast %scan3A_182 : i32 to index
      %swap3A_192 = arith.constant 16 : index
      %swap3A_193 = tpu.vector_load %arg10[%swap3A_191, %swap3A_192] {strides = array<i32>} : memref<48x128xf32, #tpu.memory_space<vmem>>, vector<1x16xf32>,
      %swap3A_194 = vector.shape_cast %swap3A_193 : vector<1x16xf32> to vector<16xf32>
      %swap3A_195 = vector.shape_cast %broadcast_in_dim3A_190 : vector<16xf32> to vector<1x16xf32>
      tpu.vector_store %arg10[%swap3A_191, %swap3A_192], %swap3A_195 {strides = array<i32>} : memref<48x128xf32, #tpu.memory_space<vmem>>, vector<1x16xf32>,
      %broadcast_in_dim3A_196 = arith.constant 0.000000e+00 : f32
      %broadcast_in_dim3A_197 = vector.broadcast %broadcast_in_dim3A_196 : f32 to vector<16xf32>
      %swap3A_198 = arith.index_cast %scan3A_182 : i32 to index
      %swap3A_199 = arith.constant 32 : index
      %swap3A_200 = tpu.vector_load %arg10[%swap3A_198, %swap3A_199] {strides = array<i32>} : memref<48x128xf32, #tpu.memory_space<vmem>>, vector<1x16xf32>,
      %swap3A_201 = vector.shape_cast %swap3A_200 : vector<1x16xf32> to vector<16xf32>
      %swap3A_202 = vector.shape_cast %broadcast_in_dim3A_197 : vector<16xf32> to vector<1x16xf32>
      tpu.vector_store %arg10[%swap3A_198, %swap3A_199], %swap3A_202 {strides = array<i32>} : memref<48x128xf32, #tpu.memory_space<vmem>>, vector<1x16xf32>,
      %broadcast_in_dim3A_203 = arith.constant 0.000000e+00 : f32
      %broadcast_in_dim3A_204 = vector.broadcast %broadcast_in_dim3A_203 : f32 to vector<16xf32>
      %swap3A_205 = arith.index_cast %scan3A_182 : i32 to index
      %swap3A_206 = arith.constant 48 : index
      %swap3A_207 = tpu.vector_load %arg10[%swap3A_205, %swap3A_206] {strides = array<i32>} : memref<48x128xf32, #tpu.memory_space<vmem>>, vector<1x16xf32>,
      %swap3A_208 = vector.shape_cast %swap3A_207 : vector<1x16xf32> to vector<16xf32>
      %swap3A_209 = vector.shape_cast %broadcast_in_dim3A_204 : vector<16xf32> to vector<1x16xf32>
      tpu.vector_store %arg10[%swap3A_205, %swap3A_206], %swap3A_209 {strides = array<i32>} : memref<48x128xf32, #tpu.memory_space<vmem>>, vector<1x16xf32>,
      %broadcast_in_dim3A_210 = arith.constant 0.000000e+00 : f32
      %broadcast_in_dim3A_211 = vector.broadcast %broadcast_in_dim3A_210 : f32 to vector<16xf32>
      %swap3A_212 = arith.index_cast %scan3A_182 : i32 to index
      %swap3A_213 = arith.constant 64 : index
      %swap3A_214 = tpu.vector_load %arg10[%swap3A_212, %swap3A_213] {strides = array<i32>} : memref<48x128xf32, #tpu.memory_space<vmem>>, vector<1x16xf32>,
      %swap3A_215 = vector.shape_cast %swap3A_214 : vector<1x16xf32> to vector<16xf32>
      %swap3A_216 = vector.shape_cast %broadcast_in_dim3A_211 : vector<16xf32> to vector<1x16xf32>
      tpu.vector_store %arg10[%swap3A_212, %swap3A_213], %swap3A_216 {strides = array<i32>} : memref<48x128xf32, #tpu.memory_space<vmem>>, vector<1x16xf32>,
      %broadcast_in_dim3A_217 = arith.constant 0.000000e+00 : f32
      %broadcast_in_dim3A_218 = vector.broadcast %broadcast_in_dim3A_217 : f32 to vector<16xf32>
      %swap3A_219 = arith.index_cast %scan3A_182 : i32 to index
      %swap3A_220 = arith.constant 80 : index
      %swap3A_221 = tpu.vector_load %arg10[%swap3A_219, %swap3A_220] {strides = array<i32>} : memref<48x128xf32, #tpu.memory_space<vmem>>, vector<1x16xf32>,
      %swap3A_222 = vector.shape_cast %swap3A_221 : vector<1x16xf32> to vector<16xf32>
      %swap3A_223 = vector.shape_cast %broadcast_in_dim3A_218 : vector<16xf32> to vector<1x16xf32>
      tpu.vector_store %arg10[%swap3A_219, %swap3A_220], %swap3A_223 {strides = array<i32>} : memref<48x128xf32, #tpu.memory_space<vmem>>, vector<1x16xf32>,
      %broadcast_in_dim3A_224 = arith.constant 0.000000e+00 : f32
      %broadcast_in_dim3A_225 = vector.broadcast %broadcast_in_dim3A_224 : f32 to vector<16xf32>
      %swap3A_226 = arith.index_cast %scan3A_182 : i32 to index
      %swap3A_227 = arith.constant 96 : index
      %swap3A_228 = tpu.vector_load %arg10[%swap3A_226, %swap3A_227] {strides = array<i32>} : memref<48x128xf32, #tpu.memory_space<vmem>>, vector<1x16xf32>,
      %swap3A_229 = vector.shape_cast %swap3A_228 : vector<1x16xf32> to vector<16xf32>
      %swap3A_230 = vector.shape_cast %broadcast_in_dim3A_225 : vector<16xf32> to vector<1x16xf32>
      tpu.vector_store %arg10[%swap3A_226, %swap3A_227], %swap3A_230 {strides = array<i32>} : memref<48x128xf32, #tpu.memory_space<vmem>>, vector<1x16xf32>,
      %broadcast_in_dim3A_231 = arith.constant 0.000000e+00 : f32
      %broadcast_in_dim3A_232 = vector.broadcast %broadcast_in_dim3A_231 : f32 to vector<16xf32>
      %swap3A_233 = arith.index_cast %scan3A_182 : i32 to index
      %swap3A_234 = arith.constant 112 : index
      %swap3A_235 = tpu.vector_load %arg10[%swap3A_233, %swap3A_234] {strides = array<i32>} : memref<48x128xf32, #tpu.memory_space<vmem>>, vector<1x16xf32>,
      %swap3A_236 = vector.shape_cast %swap3A_235 : vector<1x16xf32> to vector<16xf32>
      %swap3A_237 = vector.shape_cast %broadcast_in_dim3A_232 : vector<16xf32> to vector<1x16xf32>
      tpu.vector_store %arg10[%swap3A_233, %swap3A_234], %swap3A_237 {strides = array<i32>} : memref<48x128xf32, #tpu.memory_space<vmem>>, vector<1x16xf32>,
      %scan3A_238 = arith.constant 0 : i32
      scf.yield %scan3A_238 : i32
    }
    %scan3A_8 = arith.constant 48 : i32
    %mul3A_9 = arith.constant 624 : i32
    %mul3A_10 = arith.muli %arg1, %mul3A_9 : i32
    %add3A_11 = arith.constant 0 : i32
    %add3A_12 = arith.addi %mul3A_10, %add3A_11 : i32
    "tpu.region"() ({
      %run_scoped3A = tpu.sem_alloc : memref<!tpu.dma_semaphore, #tpu.memory_space<semaphore_mem>>
      %dma_start3A = arith.constant 0 : i32
      %dma_start3A_182 = tpu.memref_slice %arg6[%add3A_12, %dma_start3A] : memref<10128x128xf32, #tpu.memory_space<vmem_shared>> -> memref<48x128xf32, #tpu.memory_space<vmem_shared>>
      %dma_start3A_183 = arith.constant 0 : i32
      %dma_start3A_184 = tpu.memref_slice %arg6[%add3A_12, %dma_start3A_183] : memref<10128x128xf32, #tpu.memory_space<vmem_shared>> -> memref<48x128xf32, #tpu.memory_space<vmem_shared>>
      tpu.enqueue_dma source(%arg10 : memref<48x128xf32, #tpu.memory_space<vmem>>) target(%dma_start3A_184 : memref<48x128xf32, #tpu.memory_space<vmem_shared>>) target_semaphore(%run_scoped3A : memref<!tpu.dma_semaphore, #tpu.memory_space<semaphore_mem>>)
      %dma_wait3A = arith.constant 0 : i32
      %dma_wait3A_185 = tpu.memref_slice %arg6[%add3A_12, %dma_wait3A] : memref<10128x128xf32, #tpu.memory_space<vmem_shared>> -> memref<48x128xf32, #tpu.memory_space<vmem_shared>>
      %dma_wait3A_186 = arith.constant 0 : i32
      %dma_wait3A_187 = tpu.memref_slice %arg6[%add3A_12, %dma_wait3A_186] : memref<10128x128xf32, #tpu.memory_space<vmem_shared>> -> memref<48x128xf32, #tpu.memory_space<vmem_shared>>
      tpu.wait_dma2 semaphore(%run_scoped3A : memref<!tpu.dma_semaphore, #tpu.memory_space<semaphore_mem>>) src(%arg10 : memref<48x128xf32, #tpu.memory_space<vmem>>) dst(%dma_wait3A_187 : memref<48x128xf32, #tpu.memory_space<vmem_shared>>)
      tpu.yield
    }) : () -> ()
    %mul3A_13 = arith.constant 624 : i32
    %mul3A_14 = arith.muli %arg1, %mul3A_13 : i32
    %add3A_15 = arith.constant 48 : i32
    %add3A_16 = arith.addi %mul3A_14, %add3A_15 : i32
    "tpu.region"() ({
      %run_scoped3A = tpu.sem_alloc : memref<!tpu.dma_semaphore, #tpu.memory_space<semaphore_mem>>
      %dma_start3A = arith.constant 0 : i32
      %dma_start3A_182 = tpu.memref_slice %arg6[%add3A_16, %dma_start3A] : memref<10128x128xf32, #tpu.memory_space<vmem_shared>> -> memref<48x128xf32, #tpu.memory_space<vmem_shared>>
      %dma_start3A_183 = arith.constant 0 : i32
      %dma_start3A_184 = tpu.memref_slice %arg6[%add3A_16, %dma_start3A_183] : memref<10128x128xf32, #tpu.memory_space<vmem_shared>> -> memref<48x128xf32, #tpu.memory_space<vmem_shared>>
      tpu.enqueue_dma source(%arg10 : memref<48x128xf32, #tpu.memory_space<vmem>>) target(%dma_start3A_184 : memref<48x128xf32, #tpu.memory_space<vmem_shared>>) target_semaphore(%run_scoped3A : memref<!tpu.dma_semaphore, #tpu.memory_space<semaphore_mem>>)
      %dma_wait3A = arith.constant 0 : i32
      %dma_wait3A_185 = tpu.memref_slice %arg6[%add3A_16, %dma_wait3A] : memref<10128x128xf32, #tpu.memory_space<vmem_shared>> -> memref<48x128xf32, #tpu.memory_space<vmem_shared>>
      %dma_wait3A_186 = arith.constant 0 : i32
      %dma_wait3A_187 = tpu.memref_slice %arg6[%add3A_16, %dma_wait3A_186] : memref<10128x128xf32, #tpu.memory_space<vmem_shared>> -> memref<48x128xf32, #tpu.memory_space<vmem_shared>>
      tpu.wait_dma2 semaphore(%run_scoped3A : memref<!tpu.dma_semaphore, #tpu.memory_space<semaphore_mem>>) src(%arg10 : memref<48x128xf32, #tpu.memory_space<vmem>>) dst(%dma_wait3A_187 : memref<48x128xf32, #tpu.memory_space<vmem_shared>>)
      tpu.yield
    }) : () -> ()
    %mul3A_17 = arith.constant 624 : i32
    %mul3A_18 = arith.muli %arg1, %mul3A_17 : i32
    %add3A_19 = arith.constant 96 : i32
    %add3A_20 = arith.addi %mul3A_18, %add3A_19 : i32
    "tpu.region"() ({
      %run_scoped3A = tpu.sem_alloc : memref<!tpu.dma_semaphore, #tpu.memory_space<semaphore_mem>>
      %dma_start3A = arith.constant 0 : i32
      %dma_start3A_182 = tpu.memref_slice %arg6[%add3A_20, %dma_start3A] : memref<10128x128xf32, #tpu.memory_space<vmem_shared>> -> memref<48x128xf32, #tpu.memory_space<vmem_shared>>
      %dma_start3A_183 = arith.constant 0 : i32
      %dma_start3A_184 = tpu.memref_slice %arg6[%add3A_20, %dma_start3A_183] : memref<10128x128xf32, #tpu.memory_space<vmem_shared>> -> memref<48x128xf32, #tpu.memory_space<vmem_shared>>
      tpu.enqueue_dma source(%arg10 : memref<48x128xf32, #tpu.memory_space<vmem>>) target(%dma_start3A_184 : memref<48x128xf32, #tpu.memory_space<vmem_shared>>) target_semaphore(%run_scoped3A : memref<!tpu.dma_semaphore, #tpu.memory_space<semaphore_mem>>)
      %dma_wait3A = arith.constant 0 : i32
      %dma_wait3A_185 = tpu.memref_slice %arg6[%add3A_20, %dma_wait3A] : memref<10128x128xf32, #tpu.memory_space<vmem_shared>> -> memref<48x128xf32, #tpu.memory_space<vmem_shared>>
      %dma_wait3A_186 = arith.constant 0 : i32
      %dma_wait3A_187 = tpu.memref_slice %arg6[%add3A_20, %dma_wait3A_186] : memref<10128x128xf32, #tpu.memory_space<vmem_shared>> -> memref<48x128xf32, #tpu.memory_space<vmem_shared>>
      tpu.wait_dma2 semaphore(%run_scoped3A : memref<!tpu.dma_semaphore, #tpu.memory_space<semaphore_mem>>) src(%arg10 : memref<48x128xf32, #tpu.memory_space<vmem>>) dst(%dma_wait3A_187 : memref<48x128xf32, #tpu.memory_space<vmem_shared>>)
      tpu.yield
    }) : () -> ()
    %mul3A_21 = arith.constant 624 : i32
    %mul3A_22 = arith.muli %arg1, %mul3A_21 : i32
    %add3A_23 = arith.constant 144 : i32
    %add3A_24 = arith.addi %mul3A_22, %add3A_23 : i32
    "tpu.region"() ({
      %run_scoped3A = tpu.sem_alloc : memref<!tpu.dma_semaphore, #tpu.memory_space<semaphore_mem>>
      %dma_start3A = arith.constant 0 : i32
      %dma_start3A_182 = tpu.memref_slice %arg6[%add3A_24, %dma_start3A] : memref<10128x128xf32, #tpu.memory_space<vmem_shared>> -> memref<48x128xf32, #tpu.memory_space<vmem_shared>>
      %dma_start3A_183 = arith.constant 0 : i32
      %dma_start3A_184 = tpu.memref_slice %arg6[%add3A_24, %dma_start3A_183] : memref<10128x128xf32, #tpu.memory_space<vmem_shared>> -> memref<48x128xf32, #tpu.memory_space<vmem_shared>>
      tpu.enqueue_dma source(%arg10 : memref<48x128xf32, #tpu.memory_space<vmem>>) target(%dma_start3A_184 : memref<48x128xf32, #tpu.memory_space<vmem_shared>>) target_semaphore(%run_scoped3A : memref<!tpu.dma_semaphore, #tpu.memory_space<semaphore_mem>>)
      %dma_wait3A = arith.constant 0 : i32
      %dma_wait3A_185 = tpu.memref_slice %arg6[%add3A_24, %dma_wait3A] : memref<10128x128xf32, #tpu.memory_space<vmem_shared>> -> memref<48x128xf32, #tpu.memory_space<vmem_shared>>
      %dma_wait3A_186 = arith.constant 0 : i32
      %dma_wait3A_187 = tpu.memref_slice %arg6[%add3A_24, %dma_wait3A_186] : memref<10128x128xf32, #tpu.memory_space<vmem_shared>> -> memref<48x128xf32, #tpu.memory_space<vmem_shared>>
      tpu.wait_dma2 semaphore(%run_scoped3A : memref<!tpu.dma_semaphore, #tpu.memory_space<semaphore_mem>>) src(%arg10 : memref<48x128xf32, #tpu.memory_space<vmem>>) dst(%dma_wait3A_187 : memref<48x128xf32, #tpu.memory_space<vmem_shared>>)
      tpu.yield
    }) : () -> ()
    %mul3A_25 = arith.constant 624 : i32
    %mul3A_26 = arith.muli %arg1, %mul3A_25 : i32
    %add3A_27 = arith.constant 192 : i32
    %add3A_28 = arith.addi %mul3A_26, %add3A_27 : i32
    "tpu.region"() ({
      %run_scoped3A = tpu.sem_alloc : memref<!tpu.dma_semaphore, #tpu.memory_space<semaphore_mem>>
      %dma_start3A = arith.constant 0 : i32
      %dma_start3A_182 = tpu.memref_slice %arg6[%add3A_28, %dma_start3A] : memref<10128x128xf32, #tpu.memory_space<vmem_shared>> -> memref<48x128xf32, #tpu.memory_space<vmem_shared>>
      %dma_start3A_183 = arith.constant 0 : i32
      %dma_start3A_184 = tpu.memref_slice %arg6[%add3A_28, %dma_start3A_183] : memref<10128x128xf32, #tpu.memory_space<vmem_shared>> -> memref<48x128xf32, #tpu.memory_space<vmem_shared>>
      tpu.enqueue_dma source(%arg10 : memref<48x128xf32, #tpu.memory_space<vmem>>) target(%dma_start3A_184 : memref<48x128xf32, #tpu.memory_space<vmem_shared>>) target_semaphore(%run_scoped3A : memref<!tpu.dma_semaphore, #tpu.memory_space<semaphore_mem>>)
      %dma_wait3A = arith.constant 0 : i32
      %dma_wait3A_185 = tpu.memref_slice %arg6[%add3A_28, %dma_wait3A] : memref<10128x128xf32, #tpu.memory_space<vmem_shared>> -> memref<48x128xf32, #tpu.memory_space<vmem_shared>>
      %dma_wait3A_186 = arith.constant 0 : i32
      %dma_wait3A_187 = tpu.memref_slice %arg6[%add3A_28, %dma_wait3A_186] : memref<10128x128xf32, #tpu.memory_space<vmem_shared>> -> memref<48x128xf32, #tpu.memory_space<vmem_shared>>
      tpu.wait_dma2 semaphore(%run_scoped3A : memref<!tpu.dma_semaphore, #tpu.memory_space<semaphore_mem>>) src(%arg10 : memref<48x128xf32, #tpu.memory_space<vmem>>) dst(%dma_wait3A_187 : memref<48x128xf32, #tpu.memory_space<vmem_shared>>)
      tpu.yield
    }) : () -> ()
    %mul3A_29 = arith.constant 624 : i32
    %mul3A_30 = arith.muli %arg1, %mul3A_29 : i32
    %add3A_31 = arith.constant 240 : i32
    %add3A_32 = arith.addi %mul3A_30, %add3A_31 : i32
    "tpu.region"() ({
      %run_scoped3A = tpu.sem_alloc : memref<!tpu.dma_semaphore, #tpu.memory_space<semaphore_mem>>
      %dma_start3A = arith.constant 0 : i32
      %dma_start3A_182 = tpu.memref_slice %arg6[%add3A_32, %dma_start3A] : memref<10128x128xf32, #tpu.memory_space<vmem_shared>> -> memref<48x128xf32, #tpu.memory_space<vmem_shared>>
      %dma_start3A_183 = arith.constant 0 : i32
      %dma_start3A_184 = tpu.memref_slice %arg6[%add3A_32, %dma_start3A_183] : memref<10128x128xf32, #tpu.memory_space<vmem_shared>> -> memref<48x128xf32, #tpu.memory_space<vmem_shared>>
      tpu.enqueue_dma source(%arg10 : memref<48x128xf32, #tpu.memory_space<vmem>>) target(%dma_start3A_184 : memref<48x128xf32, #tpu.memory_space<vmem_shared>>) target_semaphore(%run_scoped3A : memref<!tpu.dma_semaphore, #tpu.memory_space<semaphore_mem>>)
      %dma_wait3A = arith.constant 0 : i32
      %dma_wait3A_185 = tpu.memref_slice %arg6[%add3A_32, %dma_wait3A] : memref<10128x128xf32, #tpu.memory_space<vmem_shared>> -> memref<48x128xf32, #tpu.memory_space<vmem_shared>>
      %dma_wait3A_186 = arith.constant 0 : i32
      %dma_wait3A_187 = tpu.memref_slice %arg6[%add3A_32, %dma_wait3A_186] : memref<10128x128xf32, #tpu.memory_space<vmem_shared>> -> memref<48x128xf32, #tpu.memory_space<vmem_shared>>
      tpu.wait_dma2 semaphore(%run_scoped3A : memref<!tpu.dma_semaphore, #tpu.memory_space<semaphore_mem>>) src(%arg10 : memref<48x128xf32, #tpu.memory_space<vmem>>) dst(%dma_wait3A_187 : memref<48x128xf32, #tpu.memory_space<vmem_shared>>)
      tpu.yield
    }) : () -> ()
    %mul3A_33 = arith.constant 624 : i32
    %mul3A_34 = arith.muli %arg1, %mul3A_33 : i32
    %add3A_35 = arith.constant 288 : i32
    %add3A_36 = arith.addi %mul3A_34, %add3A_35 : i32
    "tpu.region"() ({
      %run_scoped3A = tpu.sem_alloc : memref<!tpu.dma_semaphore, #tpu.memory_space<semaphore_mem>>
      %dma_start3A = arith.constant 0 : i32
      %dma_start3A_182 = tpu.memref_slice %arg6[%add3A_36, %dma_start3A] : memref<10128x128xf32, #tpu.memory_space<vmem_shared>> -> memref<48x128xf32, #tpu.memory_space<vmem_shared>>
      %dma_start3A_183 = arith.constant 0 : i32
      %dma_start3A_184 = tpu.memref_slice %arg6[%add3A_36, %dma_start3A_183] : memref<10128x128xf32, #tpu.memory_space<vmem_shared>> -> memref<48x128xf32, #tpu.memory_space<vmem_shared>>
      tpu.enqueue_dma source(%arg10 : memref<48x128xf32, #tpu.memory_space<vmem>>) target(%dma_start3A_184 : memref<48x128xf32, #tpu.memory_space<vmem_shared>>) target_semaphore(%run_scoped3A : memref<!tpu.dma_semaphore, #tpu.memory_space<semaphore_mem>>)
      %dma_wait3A = arith.constant 0 : i32
      %dma_wait3A_185 = tpu.memref_slice %arg6[%add3A_36, %dma_wait3A] : memref<10128x128xf32, #tpu.memory_space<vmem_shared>> -> memref<48x128xf32, #tpu.memory_space<vmem_shared>>
      %dma_wait3A_186 = arith.constant 0 : i32
      %dma_wait3A_187 = tpu.memref_slice %arg6[%add3A_36, %dma_wait3A_186] : memref<10128x128xf32, #tpu.memory_space<vmem_shared>> -> memref<48x128xf32, #tpu.memory_space<vmem_shared>>
      tpu.wait_dma2 semaphore(%run_scoped3A : memref<!tpu.dma_semaphore, #tpu.memory_space<semaphore_mem>>) src(%arg10 : memref<48x128xf32, #tpu.memory_space<vmem>>) dst(%dma_wait3A_187 : memref<48x128xf32, #tpu.memory_space<vmem_shared>>)
      tpu.yield
    }) : () -> ()
    %mul3A_37 = arith.constant 624 : i32
    %mul3A_38 = arith.muli %arg1, %mul3A_37 : i32
    %add3A_39 = arith.constant 336 : i32
    %add3A_40 = arith.addi %mul3A_38, %add3A_39 : i32
    "tpu.region"() ({
      %run_scoped3A = tpu.sem_alloc : memref<!tpu.dma_semaphore, #tpu.memory_space<semaphore_mem>>
      %dma_start3A = arith.constant 0 : i32
      %dma_start3A_182 = tpu.memref_slice %arg6[%add3A_40, %dma_start3A] : memref<10128x128xf32, #tpu.memory_space<vmem_shared>> -> memref<48x128xf32, #tpu.memory_space<vmem_shared>>
      %dma_start3A_183 = arith.constant 0 : i32
      %dma_start3A_184 = tpu.memref_slice %arg6[%add3A_40, %dma_start3A_183] : memref<10128x128xf32, #tpu.memory_space<vmem_shared>> -> memref<48x128xf32, #tpu.memory_space<vmem_shared>>
      tpu.enqueue_dma source(%arg10 : memref<48x128xf32, #tpu.memory_space<vmem>>) target(%dma_start3A_184 : memref<48x128xf32, #tpu.memory_space<vmem_shared>>) target_semaphore(%run_scoped3A : memref<!tpu.dma_semaphore, #tpu.memory_space<semaphore_mem>>)
      %dma_wait3A = arith.constant 0 : i32
      %dma_wait3A_185 = tpu.memref_slice %arg6[%add3A_40, %dma_wait3A] : memref<10128x128xf32, #tpu.memory_space<vmem_shared>> -> memref<48x128xf32, #tpu.memory_space<vmem_shared>>
      %dma_wait3A_186 = arith.constant 0 : i32
      %dma_wait3A_187 = tpu.memref_slice %arg6[%add3A_40, %dma_wait3A_186] : memref<10128x128xf32, #tpu.memory_space<vmem_shared>> -> memref<48x128xf32, #tpu.memory_space<vmem_shared>>
      tpu.wait_dma2 semaphore(%run_scoped3A : memref<!tpu.dma_semaphore, #tpu.memory_space<semaphore_mem>>) src(%arg10 : memref<48x128xf32, #tpu.memory_space<vmem>>) dst(%dma_wait3A_187 : memref<48x128xf32, #tpu.memory_space<vmem_shared>>)
      tpu.yield
    }) : () -> ()
    %mul3A_41 = arith.constant 624 : i32
    %mul3A_42 = arith.muli %arg1, %mul3A_41 : i32
    %add3A_43 = arith.constant 384 : i32
    %add3A_44 = arith.addi %mul3A_42, %add3A_43 : i32
    "tpu.region"() ({
      %run_scoped3A = tpu.sem_alloc : memref<!tpu.dma_semaphore, #tpu.memory_space<semaphore_mem>>
      %dma_start3A = arith.constant 0 : i32
      %dma_start3A_182 = tpu.memref_slice %arg6[%add3A_44, %dma_start3A] : memref<10128x128xf32, #tpu.memory_space<vmem_shared>> -> memref<48x128xf32, #tpu.memory_space<vmem_shared>>
      %dma_start3A_183 = arith.constant 0 : i32
      %dma_start3A_184 = tpu.memref_slice %arg6[%add3A_44, %dma_start3A_183] : memref<10128x128xf32, #tpu.memory_space<vmem_shared>> -> memref<48x128xf32, #tpu.memory_space<vmem_shared>>
      tpu.enqueue_dma source(%arg10 : memref<48x128xf32, #tpu.memory_space<vmem>>) target(%dma_start3A_184 : memref<48x128xf32, #tpu.memory_space<vmem_shared>>) target_semaphore(%run_scoped3A : memref<!tpu.dma_semaphore, #tpu.memory_space<semaphore_mem>>)
      %dma_wait3A = arith.constant 0 : i32
      %dma_wait3A_185 = tpu.memref_slice %arg6[%add3A_44, %dma_wait3A] : memref<10128x128xf32, #tpu.memory_space<vmem_shared>> -> memref<48x128xf32, #tpu.memory_space<vmem_shared>>
      %dma_wait3A_186 = arith.constant 0 : i32
      %dma_wait3A_187 = tpu.memref_slice %arg6[%add3A_44, %dma_wait3A_186] : memref<10128x128xf32, #tpu.memory_space<vmem_shared>> -> memref<48x128xf32, #tpu.memory_space<vmem_shared>>
      tpu.wait_dma2 semaphore(%run_scoped3A : memref<!tpu.dma_semaphore, #tpu.memory_space<semaphore_mem>>) src(%arg10 : memref<48x128xf32, #tpu.memory_space<vmem>>) dst(%dma_wait3A_187 : memref<48x128xf32, #tpu.memory_space<vmem_shared>>)
      tpu.yield
    }) : () -> ()
    %mul3A_45 = arith.constant 624 : i32
    %mul3A_46 = arith.muli %arg1, %mul3A_45 : i32
    %add3A_47 = arith.constant 432 : i32
    %add3A_48 = arith.addi %mul3A_46, %add3A_47 : i32
    "tpu.region"() ({
      %run_scoped3A = tpu.sem_alloc : memref<!tpu.dma_semaphore, #tpu.memory_space<semaphore_mem>>
      %dma_start3A = arith.constant 0 : i32
      %dma_start3A_182 = tpu.memref_slice %arg6[%add3A_48, %dma_start3A] : memref<10128x128xf32, #tpu.memory_space<vmem_shared>> -> memref<48x128xf32, #tpu.memory_space<vmem_shared>>
      %dma_start3A_183 = arith.constant 0 : i32
      %dma_start3A_184 = tpu.memref_slice %arg6[%add3A_48, %dma_start3A_183] : memref<10128x128xf32, #tpu.memory_space<vmem_shared>> -> memref<48x128xf32, #tpu.memory_space<vmem_shared>>
      tpu.enqueue_dma source(%arg10 : memref<48x128xf32, #tpu.memory_space<vmem>>) target(%dma_start3A_184 : memref<48x128xf32, #tpu.memory_space<vmem_shared>>) target_semaphore(%run_scoped3A : memref<!tpu.dma_semaphore, #tpu.memory_space<semaphore_mem>>)
      %dma_wait3A = arith.constant 0 : i32
      %dma_wait3A_185 = tpu.memref_slice %arg6[%add3A_48, %dma_wait3A] : memref<10128x128xf32, #tpu.memory_space<vmem_shared>> -> memref<48x128xf32, #tpu.memory_space<vmem_shared>>
      %dma_wait3A_186 = arith.constant 0 : i32
      %dma_wait3A_187 = tpu.memref_slice %arg6[%add3A_48, %dma_wait3A_186] : memref<10128x128xf32, #tpu.memory_space<vmem_shared>> -> memref<48x128xf32, #tpu.memory_space<vmem_shared>>
      tpu.wait_dma2 semaphore(%run_scoped3A : memref<!tpu.dma_semaphore, #tpu.memory_space<semaphore_mem>>) src(%arg10 : memref<48x128xf32, #tpu.memory_space<vmem>>) dst(%dma_wait3A_187 : memref<48x128xf32, #tpu.memory_space<vmem_shared>>)
      tpu.yield
    }) : () -> ()
    %mul3A_49 = arith.constant 624 : i32
    %mul3A_50 = arith.muli %arg1, %mul3A_49 : i32
    %add3A_51 = arith.constant 480 : i32
    %add3A_52 = arith.addi %mul3A_50, %add3A_51 : i32
    "tpu.region"() ({
      %run_scoped3A = tpu.sem_alloc : memref<!tpu.dma_semaphore, #tpu.memory_space<semaphore_mem>>
      %dma_start3A = arith.constant 0 : i32
      %dma_start3A_182 = tpu.memref_slice %arg6[%add3A_52, %dma_start3A] : memref<10128x128xf32, #tpu.memory_space<vmem_shared>> -> memref<48x128xf32, #tpu.memory_space<vmem_shared>>
      %dma_start3A_183 = arith.constant 0 : i32
      %dma_start3A_184 = tpu.memref_slice %arg6[%add3A_52, %dma_start3A_183] : memref<10128x128xf32, #tpu.memory_space<vmem_shared>> -> memref<48x128xf32, #tpu.memory_space<vmem_shared>>
      tpu.enqueue_dma source(%arg10 : memref<48x128xf32, #tpu.memory_space<vmem>>) target(%dma_start3A_184 : memref<48x128xf32, #tpu.memory_space<vmem_shared>>) target_semaphore(%run_scoped3A : memref<!tpu.dma_semaphore, #tpu.memory_space<semaphore_mem>>)
      %dma_wait3A = arith.constant 0 : i32
      %dma_wait3A_185 = tpu.memref_slice %arg6[%add3A_52, %dma_wait3A] : memref<10128x128xf32, #tpu.memory_space<vmem_shared>> -> memref<48x128xf32, #tpu.memory_space<vmem_shared>>
      %dma_wait3A_186 = arith.constant 0 : i32
      %dma_wait3A_187 = tpu.memref_slice %arg6[%add3A_52, %dma_wait3A_186] : memref<10128x128xf32, #tpu.memory_space<vmem_shared>> -> memref<48x128xf32, #tpu.memory_space<vmem_shared>>
      tpu.wait_dma2 semaphore(%run_scoped3A : memref<!tpu.dma_semaphore, #tpu.memory_space<semaphore_mem>>) src(%arg10 : memref<48x128xf32, #tpu.memory_space<vmem>>) dst(%dma_wait3A_187 : memref<48x128xf32, #tpu.memory_space<vmem_shared>>)
      tpu.yield
    }) : () -> ()
    %mul3A_53 = arith.constant 624 : i32
    %mul3A_54 = arith.muli %arg1, %mul3A_53 : i32
    %add3A_55 = arith.constant 528 : i32
    %add3A_56 = arith.addi %mul3A_54, %add3A_55 : i32
    "tpu.region"() ({
      %run_scoped3A = tpu.sem_alloc : memref<!tpu.dma_semaphore, #tpu.memory_space<semaphore_mem>>
      %dma_start3A = arith.constant 0 : i32
      %dma_start3A_182 = tpu.memref_slice %arg6[%add3A_56, %dma_start3A] : memref<10128x128xf32, #tpu.memory_space<vmem_shared>> -> memref<48x128xf32, #tpu.memory_space<vmem_shared>>
      %dma_start3A_183 = arith.constant 0 : i32
      %dma_start3A_184 = tpu.memref_slice %arg6[%add3A_56, %dma_start3A_183] : memref<10128x128xf32, #tpu.memory_space<vmem_shared>> -> memref<48x128xf32, #tpu.memory_space<vmem_shared>>
      tpu.enqueue_dma source(%arg10 : memref<48x128xf32, #tpu.memory_space<vmem>>) target(%dma_start3A_184 : memref<48x128xf32, #tpu.memory_space<vmem_shared>>) target_semaphore(%run_scoped3A : memref<!tpu.dma_semaphore, #tpu.memory_space<semaphore_mem>>)
      %dma_wait3A = arith.constant 0 : i32
      %dma_wait3A_185 = tpu.memref_slice %arg6[%add3A_56, %dma_wait3A] : memref<10128x128xf32, #tpu.memory_space<vmem_shared>> -> memref<48x128xf32, #tpu.memory_space<vmem_shared>>
      %dma_wait3A_186 = arith.constant 0 : i32
      %dma_wait3A_187 = tpu.memref_slice %arg6[%add3A_56, %dma_wait3A_186] : memref<10128x128xf32, #tpu.memory_space<vmem_shared>> -> memref<48x128xf32, #tpu.memory_space<vmem_shared>>
      tpu.wait_dma2 semaphore(%run_scoped3A : memref<!tpu.dma_semaphore, #tpu.memory_space<semaphore_mem>>) src(%arg10 : memref<48x128xf32, #tpu.memory_space<vmem>>) dst(%dma_wait3A_187 : memref<48x128xf32, #tpu.memory_space<vmem_shared>>)
      tpu.yield
    }) : () -> ()
    %mul3A_57 = arith.constant 624 : i32
    %mul3A_58 = arith.muli %arg1, %mul3A_57 : i32
    %add3A_59 = arith.constant 576 : i32
    %add3A_60 = arith.addi %mul3A_58, %add3A_59 : i32
    "tpu.region"() ({
      %run_scoped3A = tpu.sem_alloc : memref<!tpu.dma_semaphore, #tpu.memory_space<semaphore_mem>>
      %dma_start3A = arith.constant 0 : i32
      %dma_start3A_182 = tpu.memref_slice %arg6[%add3A_60, %dma_start3A] : memref<10128x128xf32, #tpu.memory_space<vmem_shared>> -> memref<48x128xf32, #tpu.memory_space<vmem_shared>>
      %dma_start3A_183 = arith.constant 0 : i32
      %dma_start3A_184 = tpu.memref_slice %arg6[%add3A_60, %dma_start3A_183] : memref<10128x128xf32, #tpu.memory_space<vmem_shared>> -> memref<48x128xf32, #tpu.memory_space<vmem_shared>>
      tpu.enqueue_dma source(%arg10 : memref<48x128xf32, #tpu.memory_space<vmem>>) target(%dma_start3A_184 : memref<48x128xf32, #tpu.memory_space<vmem_shared>>) target_semaphore(%run_scoped3A : memref<!tpu.dma_semaphore, #tpu.memory_space<semaphore_mem>>)
      %dma_wait3A = arith.constant 0 : i32
      %dma_wait3A_185 = tpu.memref_slice %arg6[%add3A_60, %dma_wait3A] : memref<10128x128xf32, #tpu.memory_space<vmem_shared>> -> memref<48x128xf32, #tpu.memory_space<vmem_shared>>
      %dma_wait3A_186 = arith.constant 0 : i32
      %dma_wait3A_187 = tpu.memref_slice %arg6[%add3A_60, %dma_wait3A_186] : memref<10128x128xf32, #tpu.memory_space<vmem_shared>> -> memref<48x128xf32, #tpu.memory_space<vmem_shared>>
      tpu.wait_dma2 semaphore(%run_scoped3A : memref<!tpu.dma_semaphore, #tpu.memory_space<semaphore_mem>>) src(%arg10 : memref<48x128xf32, #tpu.memory_space<vmem>>) dst(%dma_wait3A_187 : memref<48x128xf32, #tpu.memory_space<vmem_shared>>)
      tpu.yield
    }) : () -> ()
    %eq3A = arith.constant 15 : i32
    %eq3A_61 = arith.cmpi eq, %arg1, %eq3A : i32
    %convert_element_type3A = arith.extui %eq3A_61 : i1 to i32
    %cond3A = arith.constant 0 : i32
    %cond3A_62 = arith.cmpi ne, %convert_element_type3A, %cond3A : i32
    scf.if %cond3A_62 {
      "tpu.region"() ({
        %run_scoped3A = tpu.sem_alloc : memref<!tpu.dma_semaphore, #tpu.memory_space<semaphore_mem>>
        %dma_start3A = arith.constant 9984 : i32
        %dma_start3A_182 = arith.constant 0 : i32
        %dma_start3A_183 = tpu.memref_slice %arg6[%dma_start3A, %dma_start3A_182] : memref<10128x128xf32, #tpu.memory_space<vmem_shared>> -> memref<48x128xf32, #tpu.memory_space<vmem_shared>>
        %dma_start3A_184 = arith.constant 9984 : i32
        %dma_start3A_185 = arith.constant 0 : i32
        %dma_start3A_186 = tpu.memref_slice %arg6[%dma_start3A_184, %dma_start3A_185] : memref<10128x128xf32, #tpu.memory_space<vmem_shared>> -> memref<48x128xf32, #tpu.memory_space<vmem_shared>>
        tpu.enqueue_dma source(%arg10 : memref<48x128xf32, #tpu.memory_space<vmem>>) target(%dma_start3A_186 : memref<48x128xf32, #tpu.memory_space<vmem_shared>>) target_semaphore(%run_scoped3A : memref<!tpu.dma_semaphore, #tpu.memory_space<semaphore_mem>>)
        %dma_wait3A = arith.constant 9984 : i32
        %dma_wait3A_187 = arith.constant 0 : i32
        %dma_wait3A_188 = tpu.memref_slice %arg6[%dma_wait3A, %dma_wait3A_187] : memref<10128x128xf32, #tpu.memory_space<vmem_shared>> -> memref<48x128xf32, #tpu.memory_space<vmem_shared>>
        %dma_wait3A_189 = arith.constant 9984 : i32
        %dma_wait3A_190 = arith.constant 0 : i32
        %dma_wait3A_191 = tpu.memref_slice %arg6[%dma_wait3A_189, %dma_wait3A_190] : memref<10128x128xf32, #tpu.memory_space<vmem_shared>> -> memref<48x128xf32, #tpu.memory_space<vmem_shared>>
        tpu.wait_dma2 semaphore(%run_scoped3A : memref<!tpu.dma_semaphore, #tpu.memory_space<semaphore_mem>>) src(%arg10 : memref<48x128xf32, #tpu.memory_space<vmem>>) dst(%dma_wait3A_191 : memref<48x128xf32, #tpu.memory_space<vmem_shared>>)
        tpu.yield
      }) : () -> ()
      "tpu.region"() ({
        %run_scoped3A = tpu.sem_alloc : memref<!tpu.dma_semaphore, #tpu.memory_space<semaphore_mem>>
        %dma_start3A = arith.constant 10032 : i32
        %dma_start3A_182 = arith.constant 0 : i32
        %dma_start3A_183 = tpu.memref_slice %arg6[%dma_start3A, %dma_start3A_182] : memref<10128x128xf32, #tpu.memory_space<vmem_shared>> -> memref<48x128xf32, #tpu.memory_space<vmem_shared>>
        %dma_start3A_184 = arith.constant 10032 : i32
        %dma_start3A_185 = arith.constant 0 : i32
        %dma_start3A_186 = tpu.memref_slice %arg6[%dma_start3A_184, %dma_start3A_185] : memref<10128x128xf32, #tpu.memory_space<vmem_shared>> -> memref<48x128xf32, #tpu.memory_space<vmem_shared>>
        tpu.enqueue_dma source(%arg10 : memref<48x128xf32, #tpu.memory_space<vmem>>) target(%dma_start3A_186 : memref<48x128xf32, #tpu.memory_space<vmem_shared>>) target_semaphore(%run_scoped3A : memref<!tpu.dma_semaphore, #tpu.memory_space<semaphore_mem>>)
        %dma_wait3A = arith.constant 10032 : i32
        %dma_wait3A_187 = arith.constant 0 : i32
        %dma_wait3A_188 = tpu.memref_slice %arg6[%dma_wait3A, %dma_wait3A_187] : memref<10128x128xf32, #tpu.memory_space<vmem_shared>> -> memref<48x128xf32, #tpu.memory_space<vmem_shared>>
        %dma_wait3A_189 = arith.constant 10032 : i32
        %dma_wait3A_190 = arith.constant 0 : i32
        %dma_wait3A_191 = tpu.memref_slice %arg6[%dma_wait3A_189, %dma_wait3A_190] : memref<10128x128xf32, #tpu.memory_space<vmem_shared>> -> memref<48x128xf32, #tpu.memory_space<vmem_shared>>
        tpu.wait_dma2 semaphore(%run_scoped3A : memref<!tpu.dma_semaphore, #tpu.memory_space<semaphore_mem>>) src(%arg10 : memref<48x128xf32, #tpu.memory_space<vmem>>) dst(%dma_wait3A_191 : memref<48x128xf32, #tpu.memory_space<vmem_shared>>)
        tpu.yield
      }) : () -> ()
      "tpu.region"() ({
        %run_scoped3A = tpu.sem_alloc : memref<!tpu.dma_semaphore, #tpu.memory_space<semaphore_mem>>
        %dma_start3A = arith.constant 10080 : i32
        %dma_start3A_182 = arith.constant 0 : i32
        %dma_start3A_183 = tpu.memref_slice %arg6[%dma_start3A, %dma_start3A_182] : memref<10128x128xf32, #tpu.memory_space<vmem_shared>> -> memref<48x128xf32, #tpu.memory_space<vmem_shared>>
        %dma_start3A_184 = arith.constant 10080 : i32
        %dma_start3A_185 = arith.constant 0 : i32
        %dma_start3A_186 = tpu.memref_slice %arg6[%dma_start3A_184, %dma_start3A_185] : memref<10128x128xf32, #tpu.memory_space<vmem_shared>> -> memref<48x128xf32, #tpu.memory_space<vmem_shared>>
        tpu.enqueue_dma source(%arg10 : memref<48x128xf32, #tpu.memory_space<vmem>>) target(%dma_start3A_186 : memref<48x128xf32, #tpu.memory_space<vmem_shared>>) target_semaphore(%run_scoped3A : memref<!tpu.dma_semaphore, #tpu.memory_space<semaphore_mem>>)
        %dma_wait3A = arith.constant 10080 : i32
        %dma_wait3A_187 = arith.constant 0 : i32
        %dma_wait3A_188 = tpu.memref_slice %arg6[%dma_wait3A, %dma_wait3A_187] : memref<10128x128xf32, #tpu.memory_space<vmem_shared>> -> memref<48x128xf32, #tpu.memory_space<vmem_shared>>
        %dma_wait3A_189 = arith.constant 10080 : i32
        %dma_wait3A_190 = arith.constant 0 : i32
        %dma_wait3A_191 = tpu.memref_slice %arg6[%dma_wait3A_189, %dma_wait3A_190] : memref<10128x128xf32, #tpu.memory_space<vmem_shared>> -> memref<48x128xf32, #tpu.memory_space<vmem_shared>>
        tpu.wait_dma2 semaphore(%run_scoped3A : memref<!tpu.dma_semaphore, #tpu.memory_space<semaphore_mem>>) src(%arg10 : memref<48x128xf32, #tpu.memory_space<vmem>>) dst(%dma_wait3A_191 : memref<48x128xf32, #tpu.memory_space<vmem_shared>>)
        tpu.yield
      }) : () -> ()
    } else {
    }
    %barrier3A = arith.constant 0 : index
    tpu.barrier barrier_id(%barrier3A)
    %mul3A_63 = arith.constant 128 : i32
    %mul3A_64 = arith.muli %mul3A_2, %mul3A_63 : i32
    %scan3A_65 = arith.constant 0 : i32
    %scan3A_66 = arith.constant 0 : i32
    %scan3A_67 = arith.constant 80 : i32
    %scan3A_68 = arith.addi %scan3A_66, %scan3A_67 : i32
    %scan3A_69 = arith.constant 1 : i32
    %scan3A_70 = scf.for %scan3A_182 = %scan3A_66 to %scan3A_68 step %scan3A_69 iter_args(%scan3A_183 = %scan3A_65) -> (i32)  : i32 {
      %mul3A_184 = arith.constant 128 : i32
      %mul3A_185 = arith.muli %scan3A_182, %mul3A_184 : i32
      %add3A_186 = arith.addi %mul3A_64, %mul3A_185 : i32
      "tpu.region"() ({
        %run_scoped3A = tpu.sem_alloc : memref<!tpu.dma_semaphore, #tpu.memory_space<semaphore_mem>>
        %dma_start3A = tpu.memref_slice %arg3[%add3A_186] : memref<327680xi32, #tpu.memory_space<hbm>> -> memref<128xi32, #tpu.memory_space<hbm>>
        %dma_start3A_191 = tpu.memref_slice %arg3[%add3A_186] : memref<327680xi32, #tpu.memory_space<hbm>> -> memref<128xi32, #tpu.memory_space<hbm>>
        tpu.enqueue_dma source(%dma_start3A_191 : memref<128xi32, #tpu.memory_space<hbm>>) target(%arg7 : memref<128xi32, #tpu.memory_space<vmem>>) target_semaphore(%run_scoped3A : memref<!tpu.dma_semaphore, #tpu.memory_space<semaphore_mem>>)
        %dma_wait3A = tpu.memref_slice %arg3[%add3A_186] : memref<327680xi32, #tpu.memory_space<hbm>> -> memref<128xi32, #tpu.memory_space<hbm>>
        %dma_wait3A_192 = tpu.memref_slice %arg3[%add3A_186] : memref<327680xi32, #tpu.memory_space<hbm>> -> memref<128xi32, #tpu.memory_space<hbm>>
        tpu.wait_dma2 semaphore(%run_scoped3A : memref<!tpu.dma_semaphore, #tpu.memory_space<semaphore_mem>>) src(%dma_wait3A_192 : memref<128xi32, #tpu.memory_space<hbm>>) dst(%arg7 : memref<128xi32, #tpu.memory_space<vmem>>)
        tpu.yield
      }) : () -> ()
      %mul3A_187 = arith.constant 128 : i32
      %mul3A_188 = arith.muli %scan3A_182, %mul3A_187 : i32
      %add3A_189 = arith.addi %mul3A_64, %mul3A_188 : i32
      "tpu.region"() ({
        %run_scoped3A = tpu.sem_alloc : memref<!tpu.dma_semaphore, #tpu.memory_space<semaphore_mem>>
        %dma_start3A = tpu.memref_slice %arg4[%add3A_189] : memref<327680xi32, #tpu.memory_space<hbm>> -> memref<128xi32, #tpu.memory_space<hbm>>
        %dma_start3A_191 = tpu.memref_slice %arg4[%add3A_189] : memref<327680xi32, #tpu.memory_space<hbm>> -> memref<128xi32, #tpu.memory_space<hbm>>
        tpu.enqueue_dma source(%dma_start3A_191 : memref<128xi32, #tpu.memory_space<hbm>>) target(%arg8 : memref<128xi32, #tpu.memory_space<vmem>>) target_semaphore(%run_scoped3A : memref<!tpu.dma_semaphore, #tpu.memory_space<semaphore_mem>>)
        %dma_wait3A = tpu.memref_slice %arg4[%add3A_189] : memref<327680xi32, #tpu.memory_space<hbm>> -> memref<128xi32, #tpu.memory_space<hbm>>
        %dma_wait3A_192 = tpu.memref_slice %arg4[%add3A_189] : memref<327680xi32, #tpu.memory_space<hbm>> -> memref<128xi32, #tpu.memory_space<hbm>>
        tpu.wait_dma2 semaphore(%run_scoped3A : memref<!tpu.dma_semaphore, #tpu.memory_space<semaphore_mem>>) src(%dma_wait3A_192 : memref<128xi32, #tpu.memory_space<hbm>>) dst(%arg8 : memref<128xi32, #tpu.memory_space<vmem>>)
        tpu.yield
      }) : () -> ()
      "tpu.region"() ({
        %run_scoped3A = tpu.sem_alloc : memref<!tpu.dma_semaphore, #tpu.memory_space<semaphore_mem>>
        %dma_start3A = arith.constant 0 : i32
        %dma_start3A_191 = arith.constant 0 : i32
        %dma_start3A_192 = tpu.memref_slice %arg2[%dma_start3A, %dma_start3A_191] : memref<10000x128xf32, #tpu.memory_space<hbm>> -> memref<10000x128xf32, #tpu.memory_space<hbm>>
        tpu.enqueue_indirect_dma source(%dma_start3A_192 : memref<10000x128xf32, #tpu.memory_space<hbm>>) target(%arg9 : memref<128x128xf32, #tpu.memory_space<vmem>>) offsets(%arg7 : memref<128xi32, #tpu.memory_space<vmem>>) semaphore(%run_scoped3A : memref<!tpu.dma_semaphore, #tpu.memory_space<semaphore_mem>>)
        %dma_wait3A = arith.constant 0 : i32
        %dma_wait3A_193 = arith.constant 0 : i32
        %dma_wait3A_194 = tpu.memref_slice %arg2[%dma_wait3A, %dma_wait3A_193] : memref<10000x128xf32, #tpu.memory_space<hbm>> -> memref<10000x128xf32, #tpu.memory_space<hbm>>
        tpu.wait_indirect_dma semaphore(%run_scoped3A : memref<!tpu.dma_semaphore, #tpu.memory_space<semaphore_mem>>) src(%dma_wait3A_194 : memref<10000x128xf32, #tpu.memory_space<hbm>>) dst(%arg9 : memref<128x128xf32, #tpu.memory_space<vmem>>)
        tpu.yield
      }) : () -> ()
      "tpu.region"() ({
        %run_scoped3A = tpu.sem_alloc : memref<!tpu.dma_semaphore, #tpu.memory_space<semaphore_mem>>
        %dma_start3A = arith.constant 0 : i32
        %dma_start3A_191 = arith.constant 0 : i32
        %dma_start3A_192 = tpu.memref_slice %arg6[%dma_start3A, %dma_start3A_191] : memref<10128x128xf32, #tpu.memory_space<vmem_shared>> -> memref<10128x128xf32, #tpu.memory_space<vmem_shared>>
        tpu.enqueue_indirect_dma source(%arg9 : memref<128x128xf32, #tpu.memory_space<vmem>>) target(%dma_start3A_192 : memref<10128x128xf32, #tpu.memory_space<vmem_shared>>) offsets(%arg8 : memref<128xi32, #tpu.memory_space<vmem>>) semaphore(%run_scoped3A : memref<!tpu.dma_semaphore, #tpu.memory_space<semaphore_mem>>) {add = true}
        %dma_wait3A = arith.constant 0 : i32
        %dma_wait3A_193 = arith.constant 0 : i32
        %dma_wait3A_194 = tpu.memref_slice %arg6[%dma_wait3A, %dma_wait3A_193] : memref<10128x128xf32, #tpu.memory_space<vmem_shared>> -> memref<10128x128xf32, #tpu.memory_space<vmem_shared>>
        tpu.wait_indirect_dma semaphore(%run_scoped3A : memref<!tpu.dma_semaphore, #tpu.memory_space<semaphore_mem>>) src(%arg9 : memref<128x128xf32, #tpu.memory_space<vmem>>) dst(%dma_wait3A_194 : memref<10128x128xf32, #tpu.memory_space<vmem_shared>>)
        tpu.yield
      }) : () -> ()
      %scan3A_190 = arith.constant 0 : i32
      scf.yield %scan3A_190 : i32
    }
    %scan3A_71 = arith.constant 80 : i32
    %barrier3A_72 = arith.constant 0 : index
    tpu.barrier barrier_id(%barrier3A_72)
    %mul3A_73 = arith.constant 624 : i32
    %mul3A_74 = arith.muli %arg1, %mul3A_73 : i32
    %add3A_75 = arith.constant 0 : i32
    %add3A_76 = arith.addi %mul3A_74, %add3A_75 : i32
    "tpu.region"() ({
      %run_scoped3A = tpu.sem_alloc : memref<!tpu.dma_semaphore, #tpu.memory_space<semaphore_mem>>
      %dma_start3A = arith.constant 0 : i32
      %dma_start3A_182 = tpu.memref_slice %arg6[%add3A_76, %dma_start3A] : memref<10128x128xf32, #tpu.memory_space<vmem_shared>> -> memref<48x128xf32, #tpu.memory_space<vmem_shared>>
      %dma_start3A_183 = arith.constant 0 : i32
      %dma_start3A_184 = tpu.memref_slice %arg6[%add3A_76, %dma_start3A_183] : memref<10128x128xf32, #tpu.memory_space<vmem_shared>> -> memref<48x128xf32, #tpu.memory_space<vmem_shared>>
      tpu.enqueue_dma source(%dma_start3A_184 : memref<48x128xf32, #tpu.memory_space<vmem_shared>>) target(%arg10 : memref<48x128xf32, #tpu.memory_space<vmem>>) target_semaphore(%run_scoped3A : memref<!tpu.dma_semaphore, #tpu.memory_space<semaphore_mem>>)
      %dma_wait3A = arith.constant 0 : i32
      %dma_wait3A_185 = tpu.memref_slice %arg6[%add3A_76, %dma_wait3A] : memref<10128x128xf32, #tpu.memory_space<vmem_shared>> -> memref<48x128xf32, #tpu.memory_space<vmem_shared>>
      %dma_wait3A_186 = arith.constant 0 : i32
      %dma_wait3A_187 = tpu.memref_slice %arg6[%add3A_76, %dma_wait3A_186] : memref<10128x128xf32, #tpu.memory_space<vmem_shared>> -> memref<48x128xf32, #tpu.memory_space<vmem_shared>>
      tpu.wait_dma2 semaphore(%run_scoped3A : memref<!tpu.dma_semaphore, #tpu.memory_space<semaphore_mem>>) src(%dma_wait3A_187 : memref<48x128xf32, #tpu.memory_space<vmem_shared>>) dst(%arg10 : memref<48x128xf32, #tpu.memory_space<vmem>>)
      tpu.yield
    }) : () -> ()
    %mul3A_77 = arith.constant 624 : i32
    %mul3A_78 = arith.muli %arg1, %mul3A_77 : i32
    %add3A_79 = arith.constant 0 : i32
    %add3A_80 = arith.addi %mul3A_78, %add3A_79 : i32
    "tpu.region"() ({
      %run_scoped3A = tpu.sem_alloc : memref<!tpu.dma_semaphore, #tpu.memory_space<semaphore_mem>>
      %dma_start3A = arith.constant 0 : i32
      %dma_start3A_182 = tpu.memref_slice %arg5[%arg0, %add3A_80, %dma_start3A] : memref<2x10000x128xf32, #tpu.memory_space<hbm>> -> memref<1x48x128xf32, #tpu.memory_space<hbm>>
      %dma_start3A_183 = tpu.memref_squeeze %dma_start3A_182 : memref<1x48x128xf32, #tpu.memory_space<hbm>> -> memref<48x128xf32, #tpu.memory_space<hbm>>
      %dma_start3A_184 = arith.constant 0 : i32
      %dma_start3A_185 = tpu.memref_slice %arg5[%arg0, %add3A_80, %dma_start3A_184] : memref<2x10000x128xf32, #tpu.memory_space<hbm>> -> memref<1x48x128xf32, #tpu.memory_space<hbm>>
      %dma_start3A_186 = tpu.memref_squeeze %dma_start3A_185 : memref<1x48x128xf32, #tpu.memory_space<hbm>> -> memref<48x128xf32, #tpu.memory_space<hbm>>
      tpu.enqueue_dma source(%arg10 : memref<48x128xf32, #tpu.memory_space<vmem>>) target(%dma_start3A_186 : memref<48x128xf32, #tpu.memory_space<hbm>>) target_semaphore(%run_scoped3A : memref<!tpu.dma_semaphore, #tpu.memory_space<semaphore_mem>>)
      %dma_wait3A = arith.constant 0 : i32
      %dma_wait3A_187 = tpu.memref_slice %arg5[%arg0, %add3A_80, %dma_wait3A] : memref<2x10000x128xf32, #tpu.memory_space<hbm>> -> memref<1x48x128xf32, #tpu.memory_space<hbm>>
      %dma_wait3A_188 = tpu.memref_squeeze %dma_wait3A_187 : memref<1x48x128xf32, #tpu.memory_space<hbm>> -> memref<48x128xf32, #tpu.memory_space<hbm>>
      %dma_wait3A_189 = arith.constant 0 : i32
      %dma_wait3A_190 = tpu.memref_slice %arg5[%arg0, %add3A_80, %dma_wait3A_189] : memref<2x10000x128xf32, #tpu.memory_space<hbm>> -> memref<1x48x128xf32, #tpu.memory_space<hbm>>
      %dma_wait3A_191 = tpu.memref_squeeze %dma_wait3A_190 : memref<1x48x128xf32, #tpu.memory_space<hbm>> -> memref<48x128xf32, #tpu.memory_space<hbm>>
      tpu.wait_dma2 semaphore(%run_scoped3A : memref<!tpu.dma_semaphore, #tpu.memory_space<semaphore_mem>>) src(%arg10 : memref<48x128xf32, #tpu.memory_space<vmem>>) dst(%dma_wait3A_191 : memref<48x128xf32, #tpu.memory_space<hbm>>)
      tpu.yield
    }) : () -> ()
    %mul3A_81 = arith.constant 624 : i32
    %mul3A_82 = arith.muli %arg1, %mul3A_81 : i32
    %add3A_83 = arith.constant 48 : i32
    %add3A_84 = arith.addi %mul3A_82, %add3A_83 : i32
    "tpu.region"() ({
      %run_scoped3A = tpu.sem_alloc : memref<!tpu.dma_semaphore, #tpu.memory_space<semaphore_mem>>
      %dma_start3A = arith.constant 0 : i32
      %dma_start3A_182 = tpu.memref_slice %arg6[%add3A_84, %dma_start3A] : memref<10128x128xf32, #tpu.memory_space<vmem_shared>> -> memref<48x128xf32, #tpu.memory_space<vmem_shared>>
      %dma_start3A_183 = arith.constant 0 : i32
      %dma_start3A_184 = tpu.memref_slice %arg6[%add3A_84, %dma_start3A_183] : memref<10128x128xf32, #tpu.memory_space<vmem_shared>> -> memref<48x128xf32, #tpu.memory_space<vmem_shared>>
      tpu.enqueue_dma source(%dma_start3A_184 : memref<48x128xf32, #tpu.memory_space<vmem_shared>>) target(%arg10 : memref<48x128xf32, #tpu.memory_space<vmem>>) target_semaphore(%run_scoped3A : memref<!tpu.dma_semaphore, #tpu.memory_space<semaphore_mem>>)
      %dma_wait3A = arith.constant 0 : i32
      %dma_wait3A_185 = tpu.memref_slice %arg6[%add3A_84, %dma_wait3A] : memref<10128x128xf32, #tpu.memory_space<vmem_shared>> -> memref<48x128xf32, #tpu.memory_space<vmem_shared>>
      %dma_wait3A_186 = arith.constant 0 : i32
      %dma_wait3A_187 = tpu.memref_slice %arg6[%add3A_84, %dma_wait3A_186] : memref<10128x128xf32, #tpu.memory_space<vmem_shared>> -> memref<48x128xf32, #tpu.memory_space<vmem_shared>>
      tpu.wait_dma2 semaphore(%run_scoped3A : memref<!tpu.dma_semaphore, #tpu.memory_space<semaphore_mem>>) src(%dma_wait3A_187 : memref<48x128xf32, #tpu.memory_space<vmem_shared>>) dst(%arg10 : memref<48x128xf32, #tpu.memory_space<vmem>>)
      tpu.yield
    }) : () -> ()
    %mul3A_85 = arith.constant 624 : i32
    %mul3A_86 = arith.muli %arg1, %mul3A_85 : i32
    %add3A_87 = arith.constant 48 : i32
    %add3A_88 = arith.addi %mul3A_86, %add3A_87 : i32
    "tpu.region"() ({
      %run_scoped3A = tpu.sem_alloc : memref<!tpu.dma_semaphore, #tpu.memory_space<semaphore_mem>>
      %dma_start3A = arith.constant 0 : i32
      %dma_start3A_182 = tpu.memref_slice %arg5[%arg0, %add3A_88, %dma_start3A] : memref<2x10000x128xf32, #tpu.memory_space<hbm>> -> memref<1x48x128xf32, #tpu.memory_space<hbm>>
      %dma_start3A_183 = tpu.memref_squeeze %dma_start3A_182 : memref<1x48x128xf32, #tpu.memory_space<hbm>> -> memref<48x128xf32, #tpu.memory_space<hbm>>
      %dma_start3A_184 = arith.constant 0 : i32
      %dma_start3A_185 = tpu.memref_slice %arg5[%arg0, %add3A_88, %dma_start3A_184] : memref<2x10000x128xf32, #tpu.memory_space<hbm>> -> memref<1x48x128xf32, #tpu.memory_space<hbm>>
      %dma_start3A_186 = tpu.memref_squeeze %dma_start3A_185 : memref<1x48x128xf32, #tpu.memory_space<hbm>> -> memref<48x128xf32, #tpu.memory_space<hbm>>
      tpu.enqueue_dma source(%arg10 : memref<48x128xf32, #tpu.memory_space<vmem>>) target(%dma_start3A_186 : memref<48x128xf32, #tpu.memory_space<hbm>>) target_semaphore(%run_scoped3A : memref<!tpu.dma_semaphore, #tpu.memory_space<semaphore_mem>>)
      %dma_wait3A = arith.constant 0 : i32
      %dma_wait3A_187 = tpu.memref_slice %arg5[%arg0, %add3A_88, %dma_wait3A] : memref<2x10000x128xf32, #tpu.memory_space<hbm>> -> memref<1x48x128xf32, #tpu.memory_space<hbm>>
      %dma_wait3A_188 = tpu.memref_squeeze %dma_wait3A_187 : memref<1x48x128xf32, #tpu.memory_space<hbm>> -> memref<48x128xf32, #tpu.memory_space<hbm>>
      %dma_wait3A_189 = arith.constant 0 : i32
      %dma_wait3A_190 = tpu.memref_slice %arg5[%arg0, %add3A_88, %dma_wait3A_189] : memref<2x10000x128xf32, #tpu.memory_space<hbm>> -> memref<1x48x128xf32, #tpu.memory_space<hbm>>
      %dma_wait3A_191 = tpu.memref_squeeze %dma_wait3A_190 : memref<1x48x128xf32, #tpu.memory_space<hbm>> -> memref<48x128xf32, #tpu.memory_space<hbm>>
      tpu.wait_dma2 semaphore(%run_scoped3A : memref<!tpu.dma_semaphore, #tpu.memory_space<semaphore_mem>>) src(%arg10 : memref<48x128xf32, #tpu.memory_space<vmem>>) dst(%dma_wait3A_191 : memref<48x128xf32, #tpu.memory_space<hbm>>)
      tpu.yield
    }) : () -> ()
    %mul3A_89 = arith.constant 624 : i32
    %mul3A_90 = arith.muli %arg1, %mul3A_89 : i32
    %add3A_91 = arith.constant 96 : i32
    %add3A_92 = arith.addi %mul3A_90, %add3A_91 : i32
    "tpu.region"() ({
      %run_scoped3A = tpu.sem_alloc : memref<!tpu.dma_semaphore, #tpu.memory_space<semaphore_mem>>
      %dma_start3A = arith.constant 0 : i32
      %dma_start3A_182 = tpu.memref_slice %arg6[%add3A_92, %dma_start3A] : memref<10128x128xf32, #tpu.memory_space<vmem_shared>> -> memref<48x128xf32, #tpu.memory_space<vmem_shared>>
      %dma_start3A_183 = arith.constant 0 : i32
      %dma_start3A_184 = tpu.memref_slice %arg6[%add3A_92, %dma_start3A_183] : memref<10128x128xf32, #tpu.memory_space<vmem_shared>> -> memref<48x128xf32, #tpu.memory_space<vmem_shared>>
      tpu.enqueue_dma source(%dma_start3A_184 : memref<48x128xf32, #tpu.memory_space<vmem_shared>>) target(%arg10 : memref<48x128xf32, #tpu.memory_space<vmem>>) target_semaphore(%run_scoped3A : memref<!tpu.dma_semaphore, #tpu.memory_space<semaphore_mem>>)
      %dma_wait3A = arith.constant 0 : i32
      %dma_wait3A_185 = tpu.memref_slice %arg6[%add3A_92, %dma_wait3A] : memref<10128x128xf32, #tpu.memory_space<vmem_shared>> -> memref<48x128xf32, #tpu.memory_space<vmem_shared>>
      %dma_wait3A_186 = arith.constant 0 : i32
      %dma_wait3A_187 = tpu.memref_slice %arg6[%add3A_92, %dma_wait3A_186] : memref<10128x128xf32, #tpu.memory_space<vmem_shared>> -> memref<48x128xf32, #tpu.memory_space<vmem_shared>>
      tpu.wait_dma2 semaphore(%run_scoped3A : memref<!tpu.dma_semaphore, #tpu.memory_space<semaphore_mem>>) src(%dma_wait3A_187 : memref<48x128xf32, #tpu.memory_space<vmem_shared>>) dst(%arg10 : memref<48x128xf32, #tpu.memory_space<vmem>>)
      tpu.yield
    }) : () -> ()
    %mul3A_93 = arith.constant 624 : i32
    %mul3A_94 = arith.muli %arg1, %mul3A_93 : i32
    %add3A_95 = arith.constant 96 : i32
    %add3A_96 = arith.addi %mul3A_94, %add3A_95 : i32
    "tpu.region"() ({
      %run_scoped3A = tpu.sem_alloc : memref<!tpu.dma_semaphore, #tpu.memory_space<semaphore_mem>>
      %dma_start3A = arith.constant 0 : i32
      %dma_start3A_182 = tpu.memref_slice %arg5[%arg0, %add3A_96, %dma_start3A] : memref<2x10000x128xf32, #tpu.memory_space<hbm>> -> memref<1x48x128xf32, #tpu.memory_space<hbm>>
      %dma_start3A_183 = tpu.memref_squeeze %dma_start3A_182 : memref<1x48x128xf32, #tpu.memory_space<hbm>> -> memref<48x128xf32, #tpu.memory_space<hbm>>
      %dma_start3A_184 = arith.constant 0 : i32
      %dma_start3A_185 = tpu.memref_slice %arg5[%arg0, %add3A_96, %dma_start3A_184] : memref<2x10000x128xf32, #tpu.memory_space<hbm>> -> memref<1x48x128xf32, #tpu.memory_space<hbm>>
      %dma_start3A_186 = tpu.memref_squeeze %dma_start3A_185 : memref<1x48x128xf32, #tpu.memory_space<hbm>> -> memref<48x128xf32, #tpu.memory_space<hbm>>
      tpu.enqueue_dma source(%arg10 : memref<48x128xf32, #tpu.memory_space<vmem>>) target(%dma_start3A_186 : memref<48x128xf32, #tpu.memory_space<hbm>>) target_semaphore(%run_scoped3A : memref<!tpu.dma_semaphore, #tpu.memory_space<semaphore_mem>>)
      %dma_wait3A = arith.constant 0 : i32
      %dma_wait3A_187 = tpu.memref_slice %arg5[%arg0, %add3A_96, %dma_wait3A] : memref<2x10000x128xf32, #tpu.memory_space<hbm>> -> memref<1x48x128xf32, #tpu.memory_space<hbm>>
      %dma_wait3A_188 = tpu.memref_squeeze %dma_wait3A_187 : memref<1x48x128xf32, #tpu.memory_space<hbm>> -> memref<48x128xf32, #tpu.memory_space<hbm>>
      %dma_wait3A_189 = arith.constant 0 : i32
      %dma_wait3A_190 = tpu.memref_slice %arg5[%arg0, %add3A_96, %dma_wait3A_189] : memref<2x10000x128xf32, #tpu.memory_space<hbm>> -> memref<1x48x128xf32, #tpu.memory_space<hbm>>
      %dma_wait3A_191 = tpu.memref_squeeze %dma_wait3A_190 : memref<1x48x128xf32, #tpu.memory_space<hbm>> -> memref<48x128xf32, #tpu.memory_space<hbm>>
      tpu.wait_dma2 semaphore(%run_scoped3A : memref<!tpu.dma_semaphore, #tpu.memory_space<semaphore_mem>>) src(%arg10 : memref<48x128xf32, #tpu.memory_space<vmem>>) dst(%dma_wait3A_191 : memref<48x128xf32, #tpu.memory_space<hbm>>)
      tpu.yield
    }) : () -> ()
    %mul3A_97 = arith.constant 624 : i32
    %mul3A_98 = arith.muli %arg1, %mul3A_97 : i32
    %add3A_99 = arith.constant 144 : i32
    %add3A_100 = arith.addi %mul3A_98, %add3A_99 : i32
    "tpu.region"() ({
      %run_scoped3A = tpu.sem_alloc : memref<!tpu.dma_semaphore, #tpu.memory_space<semaphore_mem>>
      %dma_start3A = arith.constant 0 : i32
      %dma_start3A_182 = tpu.memref_slice %arg6[%add3A_100, %dma_start3A] : memref<10128x128xf32, #tpu.memory_space<vmem_shared>> -> memref<48x128xf32, #tpu.memory_space<vmem_shared>>
      %dma_start3A_183 = arith.constant 0 : i32
      %dma_start3A_184 = tpu.memref_slice %arg6[%add3A_100, %dma_start3A_183] : memref<10128x128xf32, #tpu.memory_space<vmem_shared>> -> memref<48x128xf32, #tpu.memory_space<vmem_shared>>
      tpu.enqueue_dma source(%dma_start3A_184 : memref<48x128xf32, #tpu.memory_space<vmem_shared>>) target(%arg10 : memref<48x128xf32, #tpu.memory_space<vmem>>) target_semaphore(%run_scoped3A : memref<!tpu.dma_semaphore, #tpu.memory_space<semaphore_mem>>)
      %dma_wait3A = arith.constant 0 : i32
      %dma_wait3A_185 = tpu.memref_slice %arg6[%add3A_100, %dma_wait3A] : memref<10128x128xf32, #tpu.memory_space<vmem_shared>> -> memref<48x128xf32, #tpu.memory_space<vmem_shared>>
      %dma_wait3A_186 = arith.constant 0 : i32
      %dma_wait3A_187 = tpu.memref_slice %arg6[%add3A_100, %dma_wait3A_186] : memref<10128x128xf32, #tpu.memory_space<vmem_shared>> -> memref<48x128xf32, #tpu.memory_space<vmem_shared>>
      tpu.wait_dma2 semaphore(%run_scoped3A : memref<!tpu.dma_semaphore, #tpu.memory_space<semaphore_mem>>) src(%dma_wait3A_187 : memref<48x128xf32, #tpu.memory_space<vmem_shared>>) dst(%arg10 : memref<48x128xf32, #tpu.memory_space<vmem>>)
      tpu.yield
    }) : () -> ()
    %mul3A_101 = arith.constant 624 : i32
    %mul3A_102 = arith.muli %arg1, %mul3A_101 : i32
    %add3A_103 = arith.constant 144 : i32
    %add3A_104 = arith.addi %mul3A_102, %add3A_103 : i32
    "tpu.region"() ({
      %run_scoped3A = tpu.sem_alloc : memref<!tpu.dma_semaphore, #tpu.memory_space<semaphore_mem>>
      %dma_start3A = arith.constant 0 : i32
      %dma_start3A_182 = tpu.memref_slice %arg5[%arg0, %add3A_104, %dma_start3A] : memref<2x10000x128xf32, #tpu.memory_space<hbm>> -> memref<1x48x128xf32, #tpu.memory_space<hbm>>
      %dma_start3A_183 = tpu.memref_squeeze %dma_start3A_182 : memref<1x48x128xf32, #tpu.memory_space<hbm>> -> memref<48x128xf32, #tpu.memory_space<hbm>>
      %dma_start3A_184 = arith.constant 0 : i32
      %dma_start3A_185 = tpu.memref_slice %arg5[%arg0, %add3A_104, %dma_start3A_184] : memref<2x10000x128xf32, #tpu.memory_space<hbm>> -> memref<1x48x128xf32, #tpu.memory_space<hbm>>
      %dma_start3A_186 = tpu.memref_squeeze %dma_start3A_185 : memref<1x48x128xf32, #tpu.memory_space<hbm>> -> memref<48x128xf32, #tpu.memory_space<hbm>>
      tpu.enqueue_dma source(%arg10 : memref<48x128xf32, #tpu.memory_space<vmem>>) target(%dma_start3A_186 : memref<48x128xf32, #tpu.memory_space<hbm>>) target_semaphore(%run_scoped3A : memref<!tpu.dma_semaphore, #tpu.memory_space<semaphore_mem>>)
      %dma_wait3A = arith.constant 0 : i32
      %dma_wait3A_187 = tpu.memref_slice %arg5[%arg0, %add3A_104, %dma_wait3A] : memref<2x10000x128xf32, #tpu.memory_space<hbm>> -> memref<1x48x128xf32, #tpu.memory_space<hbm>>
      %dma_wait3A_188 = tpu.memref_squeeze %dma_wait3A_187 : memref<1x48x128xf32, #tpu.memory_space<hbm>> -> memref<48x128xf32, #tpu.memory_space<hbm>>
      %dma_wait3A_189 = arith.constant 0 : i32
      %dma_wait3A_190 = tpu.memref_slice %arg5[%arg0, %add3A_104, %dma_wait3A_189] : memref<2x10000x128xf32, #tpu.memory_space<hbm>> -> memref<1x48x128xf32, #tpu.memory_space<hbm>>
      %dma_wait3A_191 = tpu.memref_squeeze %dma_wait3A_190 : memref<1x48x128xf32, #tpu.memory_space<hbm>> -> memref<48x128xf32, #tpu.memory_space<hbm>>
      tpu.wait_dma2 semaphore(%run_scoped3A : memref<!tpu.dma_semaphore, #tpu.memory_space<semaphore_mem>>) src(%arg10 : memref<48x128xf32, #tpu.memory_space<vmem>>) dst(%dma_wait3A_191 : memref<48x128xf32, #tpu.memory_space<hbm>>)
      tpu.yield
    }) : () -> ()
    %mul3A_105 = arith.constant 624 : i32
    %mul3A_106 = arith.muli %arg1, %mul3A_105 : i32
    %add3A_107 = arith.constant 192 : i32
    %add3A_108 = arith.addi %mul3A_106, %add3A_107 : i32
    "tpu.region"() ({
      %run_scoped3A = tpu.sem_alloc : memref<!tpu.dma_semaphore, #tpu.memory_space<semaphore_mem>>
      %dma_start3A = arith.constant 0 : i32
      %dma_start3A_182 = tpu.memref_slice %arg6[%add3A_108, %dma_start3A] : memref<10128x128xf32, #tpu.memory_space<vmem_shared>> -> memref<48x128xf32, #tpu.memory_space<vmem_shared>>
      %dma_start3A_183 = arith.constant 0 : i32
      %dma_start3A_184 = tpu.memref_slice %arg6[%add3A_108, %dma_start3A_183] : memref<10128x128xf32, #tpu.memory_space<vmem_shared>> -> memref<48x128xf32, #tpu.memory_space<vmem_shared>>
      tpu.enqueue_dma source(%dma_start3A_184 : memref<48x128xf32, #tpu.memory_space<vmem_shared>>) target(%arg10 : memref<48x128xf32, #tpu.memory_space<vmem>>) target_semaphore(%run_scoped3A : memref<!tpu.dma_semaphore, #tpu.memory_space<semaphore_mem>>)
      %dma_wait3A = arith.constant 0 : i32
      %dma_wait3A_185 = tpu.memref_slice %arg6[%add3A_108, %dma_wait3A] : memref<10128x128xf32, #tpu.memory_space<vmem_shared>> -> memref<48x128xf32, #tpu.memory_space<vmem_shared>>
      %dma_wait3A_186 = arith.constant 0 : i32
      %dma_wait3A_187 = tpu.memref_slice %arg6[%add3A_108, %dma_wait3A_186] : memref<10128x128xf32, #tpu.memory_space<vmem_shared>> -> memref<48x128xf32, #tpu.memory_space<vmem_shared>>
      tpu.wait_dma2 semaphore(%run_scoped3A : memref<!tpu.dma_semaphore, #tpu.memory_space<semaphore_mem>>) src(%dma_wait3A_187 : memref<48x128xf32, #tpu.memory_space<vmem_shared>>) dst(%arg10 : memref<48x128xf32, #tpu.memory_space<vmem>>)
      tpu.yield
    }) : () -> ()
    %mul3A_109 = arith.constant 624 : i32
    %mul3A_110 = arith.muli %arg1, %mul3A_109 : i32
    %add3A_111 = arith.constant 192 : i32
    %add3A_112 = arith.addi %mul3A_110, %add3A_111 : i32
    "tpu.region"() ({
      %run_scoped3A = tpu.sem_alloc : memref<!tpu.dma_semaphore, #tpu.memory_space<semaphore_mem>>
      %dma_start3A = arith.constant 0 : i32
      %dma_start3A_182 = tpu.memref_slice %arg5[%arg0, %add3A_112, %dma_start3A] : memref<2x10000x128xf32, #tpu.memory_space<hbm>> -> memref<1x48x128xf32, #tpu.memory_space<hbm>>
      %dma_start3A_183 = tpu.memref_squeeze %dma_start3A_182 : memref<1x48x128xf32, #tpu.memory_space<hbm>> -> memref<48x128xf32, #tpu.memory_space<hbm>>
      %dma_start3A_184 = arith.constant 0 : i32
      %dma_start3A_185 = tpu.memref_slice %arg5[%arg0, %add3A_112, %dma_start3A_184] : memref<2x10000x128xf32, #tpu.memory_space<hbm>> -> memref<1x48x128xf32, #tpu.memory_space<hbm>>
      %dma_start3A_186 = tpu.memref_squeeze %dma_start3A_185 : memref<1x48x128xf32, #tpu.memory_space<hbm>> -> memref<48x128xf32, #tpu.memory_space<hbm>>
      tpu.enqueue_dma source(%arg10 : memref<48x128xf32, #tpu.memory_space<vmem>>) target(%dma_start3A_186 : memref<48x128xf32, #tpu.memory_space<hbm>>) target_semaphore(%run_scoped3A : memref<!tpu.dma_semaphore, #tpu.memory_space<semaphore_mem>>)
      %dma_wait3A = arith.constant 0 : i32
      %dma_wait3A_187 = tpu.memref_slice %arg5[%arg0, %add3A_112, %dma_wait3A] : memref<2x10000x128xf32, #tpu.memory_space<hbm>> -> memref<1x48x128xf32, #tpu.memory_space<hbm>>
      %dma_wait3A_188 = tpu.memref_squeeze %dma_wait3A_187 : memref<1x48x128xf32, #tpu.memory_space<hbm>> -> memref<48x128xf32, #tpu.memory_space<hbm>>
      %dma_wait3A_189 = arith.constant 0 : i32
      %dma_wait3A_190 = tpu.memref_slice %arg5[%arg0, %add3A_112, %dma_wait3A_189] : memref<2x10000x128xf32, #tpu.memory_space<hbm>> -> memref<1x48x128xf32, #tpu.memory_space<hbm>>
      %dma_wait3A_191 = tpu.memref_squeeze %dma_wait3A_190 : memref<1x48x128xf32, #tpu.memory_space<hbm>> -> memref<48x128xf32, #tpu.memory_space<hbm>>
      tpu.wait_dma2 semaphore(%run_scoped3A : memref<!tpu.dma_semaphore, #tpu.memory_space<semaphore_mem>>) src(%arg10 : memref<48x128xf32, #tpu.memory_space<vmem>>) dst(%dma_wait3A_191 : memref<48x128xf32, #tpu.memory_space<hbm>>)
      tpu.yield
    }) : () -> ()
    %mul3A_113 = arith.constant 624 : i32
    %mul3A_114 = arith.muli %arg1, %mul3A_113 : i32
    %add3A_115 = arith.constant 240 : i32
    %add3A_116 = arith.addi %mul3A_114, %add3A_115 : i32
    "tpu.region"() ({
      %run_scoped3A = tpu.sem_alloc : memref<!tpu.dma_semaphore, #tpu.memory_space<semaphore_mem>>
      %dma_start3A = arith.constant 0 : i32
      %dma_start3A_182 = tpu.memref_slice %arg6[%add3A_116, %dma_start3A] : memref<10128x128xf32, #tpu.memory_space<vmem_shared>> -> memref<48x128xf32, #tpu.memory_space<vmem_shared>>
      %dma_start3A_183 = arith.constant 0 : i32
      %dma_start3A_184 = tpu.memref_slice %arg6[%add3A_116, %dma_start3A_183] : memref<10128x128xf32, #tpu.memory_space<vmem_shared>> -> memref<48x128xf32, #tpu.memory_space<vmem_shared>>
      tpu.enqueue_dma source(%dma_start3A_184 : memref<48x128xf32, #tpu.memory_space<vmem_shared>>) target(%arg10 : memref<48x128xf32, #tpu.memory_space<vmem>>) target_semaphore(%run_scoped3A : memref<!tpu.dma_semaphore, #tpu.memory_space<semaphore_mem>>)
      %dma_wait3A = arith.constant 0 : i32
      %dma_wait3A_185 = tpu.memref_slice %arg6[%add3A_116, %dma_wait3A] : memref<10128x128xf32, #tpu.memory_space<vmem_shared>> -> memref<48x128xf32, #tpu.memory_space<vmem_shared>>
      %dma_wait3A_186 = arith.constant 0 : i32
      %dma_wait3A_187 = tpu.memref_slice %arg6[%add3A_116, %dma_wait3A_186] : memref<10128x128xf32, #tpu.memory_space<vmem_shared>> -> memref<48x128xf32, #tpu.memory_space<vmem_shared>>
      tpu.wait_dma2 semaphore(%run_scoped3A : memref<!tpu.dma_semaphore, #tpu.memory_space<semaphore_mem>>) src(%dma_wait3A_187 : memref<48x128xf32, #tpu.memory_space<vmem_shared>>) dst(%arg10 : memref<48x128xf32, #tpu.memory_space<vmem>>)
      tpu.yield
    }) : () -> ()
    %mul3A_117 = arith.constant 624 : i32
    %mul3A_118 = arith.muli %arg1, %mul3A_117 : i32
    %add3A_119 = arith.constant 240 : i32
    %add3A_120 = arith.addi %mul3A_118, %add3A_119 : i32
    "tpu.region"() ({
      %run_scoped3A = tpu.sem_alloc : memref<!tpu.dma_semaphore, #tpu.memory_space<semaphore_mem>>
      %dma_start3A = arith.constant 0 : i32
      %dma_start3A_182 = tpu.memref_slice %arg5[%arg0, %add3A_120, %dma_start3A] : memref<2x10000x128xf32, #tpu.memory_space<hbm>> -> memref<1x48x128xf32, #tpu.memory_space<hbm>>
      %dma_start3A_183 = tpu.memref_squeeze %dma_start3A_182 : memref<1x48x128xf32, #tpu.memory_space<hbm>> -> memref<48x128xf32, #tpu.memory_space<hbm>>
      %dma_start3A_184 = arith.constant 0 : i32
      %dma_start3A_185 = tpu.memref_slice %arg5[%arg0, %add3A_120, %dma_start3A_184] : memref<2x10000x128xf32, #tpu.memory_space<hbm>> -> memref<1x48x128xf32, #tpu.memory_space<hbm>>
      %dma_start3A_186 = tpu.memref_squeeze %dma_start3A_185 : memref<1x48x128xf32, #tpu.memory_space<hbm>> -> memref<48x128xf32, #tpu.memory_space<hbm>>
      tpu.enqueue_dma source(%arg10 : memref<48x128xf32, #tpu.memory_space<vmem>>) target(%dma_start3A_186 : memref<48x128xf32, #tpu.memory_space<hbm>>) target_semaphore(%run_scoped3A : memref<!tpu.dma_semaphore, #tpu.memory_space<semaphore_mem>>)
      %dma_wait3A = arith.constant 0 : i32
      %dma_wait3A_187 = tpu.memref_slice %arg5[%arg0, %add3A_120, %dma_wait3A] : memref<2x10000x128xf32, #tpu.memory_space<hbm>> -> memref<1x48x128xf32, #tpu.memory_space<hbm>>
      %dma_wait3A_188 = tpu.memref_squeeze %dma_wait3A_187 : memref<1x48x128xf32, #tpu.memory_space<hbm>> -> memref<48x128xf32, #tpu.memory_space<hbm>>
      %dma_wait3A_189 = arith.constant 0 : i32
      %dma_wait3A_190 = tpu.memref_slice %arg5[%arg0, %add3A_120, %dma_wait3A_189] : memref<2x10000x128xf32, #tpu.memory_space<hbm>> -> memref<1x48x128xf32, #tpu.memory_space<hbm>>
      %dma_wait3A_191 = tpu.memref_squeeze %dma_wait3A_190 : memref<1x48x128xf32, #tpu.memory_space<hbm>> -> memref<48x128xf32, #tpu.memory_space<hbm>>
      tpu.wait_dma2 semaphore(%run_scoped3A : memref<!tpu.dma_semaphore, #tpu.memory_space<semaphore_mem>>) src(%arg10 : memref<48x128xf32, #tpu.memory_space<vmem>>) dst(%dma_wait3A_191 : memref<48x128xf32, #tpu.memory_space<hbm>>)
      tpu.yield
    }) : () -> ()
    %mul3A_121 = arith.constant 624 : i32
    %mul3A_122 = arith.muli %arg1, %mul3A_121 : i32
    %add3A_123 = arith.constant 288 : i32
    %add3A_124 = arith.addi %mul3A_122, %add3A_123 : i32
    "tpu.region"() ({
      %run_scoped3A = tpu.sem_alloc : memref<!tpu.dma_semaphore, #tpu.memory_space<semaphore_mem>>
      %dma_start3A = arith.constant 0 : i32
      %dma_start3A_182 = tpu.memref_slice %arg6[%add3A_124, %dma_start3A] : memref<10128x128xf32, #tpu.memory_space<vmem_shared>> -> memref<48x128xf32, #tpu.memory_space<vmem_shared>>
      %dma_start3A_183 = arith.constant 0 : i32
      %dma_start3A_184 = tpu.memref_slice %arg6[%add3A_124, %dma_start3A_183] : memref<10128x128xf32, #tpu.memory_space<vmem_shared>> -> memref<48x128xf32, #tpu.memory_space<vmem_shared>>
      tpu.enqueue_dma source(%dma_start3A_184 : memref<48x128xf32, #tpu.memory_space<vmem_shared>>) target(%arg10 : memref<48x128xf32, #tpu.memory_space<vmem>>) target_semaphore(%run_scoped3A : memref<!tpu.dma_semaphore, #tpu.memory_space<semaphore_mem>>)
      %dma_wait3A = arith.constant 0 : i32
      %dma_wait3A_185 = tpu.memref_slice %arg6[%add3A_124, %dma_wait3A] : memref<10128x128xf32, #tpu.memory_space<vmem_shared>> -> memref<48x128xf32, #tpu.memory_space<vmem_shared>>
      %dma_wait3A_186 = arith.constant 0 : i32
      %dma_wait3A_187 = tpu.memref_slice %arg6[%add3A_124, %dma_wait3A_186] : memref<10128x128xf32, #tpu.memory_space<vmem_shared>> -> memref<48x128xf32, #tpu.memory_space<vmem_shared>>
      tpu.wait_dma2 semaphore(%run_scoped3A : memref<!tpu.dma_semaphore, #tpu.memory_space<semaphore_mem>>) src(%dma_wait3A_187 : memref<48x128xf32, #tpu.memory_space<vmem_shared>>) dst(%arg10 : memref<48x128xf32, #tpu.memory_space<vmem>>)
      tpu.yield
    }) : () -> ()
    %mul3A_125 = arith.constant 624 : i32
    %mul3A_126 = arith.muli %arg1, %mul3A_125 : i32
    %add3A_127 = arith.constant 288 : i32
    %add3A_128 = arith.addi %mul3A_126, %add3A_127 : i32
    "tpu.region"() ({
      %run_scoped3A = tpu.sem_alloc : memref<!tpu.dma_semaphore, #tpu.memory_space<semaphore_mem>>
      %dma_start3A = arith.constant 0 : i32
      %dma_start3A_182 = tpu.memref_slice %arg5[%arg0, %add3A_128, %dma_start3A] : memref<2x10000x128xf32, #tpu.memory_space<hbm>> -> memref<1x48x128xf32, #tpu.memory_space<hbm>>
      %dma_start3A_183 = tpu.memref_squeeze %dma_start3A_182 : memref<1x48x128xf32, #tpu.memory_space<hbm>> -> memref<48x128xf32, #tpu.memory_space<hbm>>
      %dma_start3A_184 = arith.constant 0 : i32
      %dma_start3A_185 = tpu.memref_slice %arg5[%arg0, %add3A_128, %dma_start3A_184] : memref<2x10000x128xf32, #tpu.memory_space<hbm>> -> memref<1x48x128xf32, #tpu.memory_space<hbm>>
      %dma_start3A_186 = tpu.memref_squeeze %dma_start3A_185 : memref<1x48x128xf32, #tpu.memory_space<hbm>> -> memref<48x128xf32, #tpu.memory_space<hbm>>
      tpu.enqueue_dma source(%arg10 : memref<48x128xf32, #tpu.memory_space<vmem>>) target(%dma_start3A_186 : memref<48x128xf32, #tpu.memory_space<hbm>>) target_semaphore(%run_scoped3A : memref<!tpu.dma_semaphore, #tpu.memory_space<semaphore_mem>>)
      %dma_wait3A = arith.constant 0 : i32
      %dma_wait3A_187 = tpu.memref_slice %arg5[%arg0, %add3A_128, %dma_wait3A] : memref<2x10000x128xf32, #tpu.memory_space<hbm>> -> memref<1x48x128xf32, #tpu.memory_space<hbm>>
      %dma_wait3A_188 = tpu.memref_squeeze %dma_wait3A_187 : memref<1x48x128xf32, #tpu.memory_space<hbm>> -> memref<48x128xf32, #tpu.memory_space<hbm>>
      %dma_wait3A_189 = arith.constant 0 : i32
      %dma_wait3A_190 = tpu.memref_slice %arg5[%arg0, %add3A_128, %dma_wait3A_189] : memref<2x10000x128xf32, #tpu.memory_space<hbm>> -> memref<1x48x128xf32, #tpu.memory_space<hbm>>
      %dma_wait3A_191 = tpu.memref_squeeze %dma_wait3A_190 : memref<1x48x128xf32, #tpu.memory_space<hbm>> -> memref<48x128xf32, #tpu.memory_space<hbm>>
      tpu.wait_dma2 semaphore(%run_scoped3A : memref<!tpu.dma_semaphore, #tpu.memory_space<semaphore_mem>>) src(%arg10 : memref<48x128xf32, #tpu.memory_space<vmem>>) dst(%dma_wait3A_191 : memref<48x128xf32, #tpu.memory_space<hbm>>)
      tpu.yield
    }) : () -> ()
    %mul3A_129 = arith.constant 624 : i32
    %mul3A_130 = arith.muli %arg1, %mul3A_129 : i32
    %add3A_131 = arith.constant 336 : i32
    %add3A_132 = arith.addi %mul3A_130, %add3A_131 : i32
    "tpu.region"() ({
      %run_scoped3A = tpu.sem_alloc : memref<!tpu.dma_semaphore, #tpu.memory_space<semaphore_mem>>
      %dma_start3A = arith.constant 0 : i32
      %dma_start3A_182 = tpu.memref_slice %arg6[%add3A_132, %dma_start3A] : memref<10128x128xf32, #tpu.memory_space<vmem_shared>> -> memref<48x128xf32, #tpu.memory_space<vmem_shared>>
      %dma_start3A_183 = arith.constant 0 : i32
      %dma_start3A_184 = tpu.memref_slice %arg6[%add3A_132, %dma_start3A_183] : memref<10128x128xf32, #tpu.memory_space<vmem_shared>> -> memref<48x128xf32, #tpu.memory_space<vmem_shared>>
      tpu.enqueue_dma source(%dma_start3A_184 : memref<48x128xf32, #tpu.memory_space<vmem_shared>>) target(%arg10 : memref<48x128xf32, #tpu.memory_space<vmem>>) target_semaphore(%run_scoped3A : memref<!tpu.dma_semaphore, #tpu.memory_space<semaphore_mem>>)
      %dma_wait3A = arith.constant 0 : i32
      %dma_wait3A_185 = tpu.memref_slice %arg6[%add3A_132, %dma_wait3A] : memref<10128x128xf32, #tpu.memory_space<vmem_shared>> -> memref<48x128xf32, #tpu.memory_space<vmem_shared>>
      %dma_wait3A_186 = arith.constant 0 : i32
      %dma_wait3A_187 = tpu.memref_slice %arg6[%add3A_132, %dma_wait3A_186] : memref<10128x128xf32, #tpu.memory_space<vmem_shared>> -> memref<48x128xf32, #tpu.memory_space<vmem_shared>>
      tpu.wait_dma2 semaphore(%run_scoped3A : memref<!tpu.dma_semaphore, #tpu.memory_space<semaphore_mem>>) src(%dma_wait3A_187 : memref<48x128xf32, #tpu.memory_space<vmem_shared>>) dst(%arg10 : memref<48x128xf32, #tpu.memory_space<vmem>>)
      tpu.yield
    }) : () -> ()
    %mul3A_133 = arith.constant 624 : i32
    %mul3A_134 = arith.muli %arg1, %mul3A_133 : i32
    %add3A_135 = arith.constant 336 : i32
    %add3A_136 = arith.addi %mul3A_134, %add3A_135 : i32
    "tpu.region"() ({
      %run_scoped3A = tpu.sem_alloc : memref<!tpu.dma_semaphore, #tpu.memory_space<semaphore_mem>>
      %dma_start3A = arith.constant 0 : i32
      %dma_start3A_182 = tpu.memref_slice %arg5[%arg0, %add3A_136, %dma_start3A] : memref<2x10000x128xf32, #tpu.memory_space<hbm>> -> memref<1x48x128xf32, #tpu.memory_space<hbm>>
      %dma_start3A_183 = tpu.memref_squeeze %dma_start3A_182 : memref<1x48x128xf32, #tpu.memory_space<hbm>> -> memref<48x128xf32, #tpu.memory_space<hbm>>
      %dma_start3A_184 = arith.constant 0 : i32
      %dma_start3A_185 = tpu.memref_slice %arg5[%arg0, %add3A_136, %dma_start3A_184] : memref<2x10000x128xf32, #tpu.memory_space<hbm>> -> memref<1x48x128xf32, #tpu.memory_space<hbm>>
      %dma_start3A_186 = tpu.memref_squeeze %dma_start3A_185 : memref<1x48x128xf32, #tpu.memory_space<hbm>> -> memref<48x128xf32, #tpu.memory_space<hbm>>
      tpu.enqueue_dma source(%arg10 : memref<48x128xf32, #tpu.memory_space<vmem>>) target(%dma_start3A_186 : memref<48x128xf32, #tpu.memory_space<hbm>>) target_semaphore(%run_scoped3A : memref<!tpu.dma_semaphore, #tpu.memory_space<semaphore_mem>>)
      %dma_wait3A = arith.constant 0 : i32
      %dma_wait3A_187 = tpu.memref_slice %arg5[%arg0, %add3A_136, %dma_wait3A] : memref<2x10000x128xf32, #tpu.memory_space<hbm>> -> memref<1x48x128xf32, #tpu.memory_space<hbm>>
      %dma_wait3A_188 = tpu.memref_squeeze %dma_wait3A_187 : memref<1x48x128xf32, #tpu.memory_space<hbm>> -> memref<48x128xf32, #tpu.memory_space<hbm>>
      %dma_wait3A_189 = arith.constant 0 : i32
      %dma_wait3A_190 = tpu.memref_slice %arg5[%arg0, %add3A_136, %dma_wait3A_189] : memref<2x10000x128xf32, #tpu.memory_space<hbm>> -> memref<1x48x128xf32, #tpu.memory_space<hbm>>
      %dma_wait3A_191 = tpu.memref_squeeze %dma_wait3A_190 : memref<1x48x128xf32, #tpu.memory_space<hbm>> -> memref<48x128xf32, #tpu.memory_space<hbm>>
      tpu.wait_dma2 semaphore(%run_scoped3A : memref<!tpu.dma_semaphore, #tpu.memory_space<semaphore_mem>>) src(%arg10 : memref<48x128xf32, #tpu.memory_space<vmem>>) dst(%dma_wait3A_191 : memref<48x128xf32, #tpu.memory_space<hbm>>)
      tpu.yield
    }) : () -> ()
    %mul3A_137 = arith.constant 624 : i32
    %mul3A_138 = arith.muli %arg1, %mul3A_137 : i32
    %add3A_139 = arith.constant 384 : i32
    %add3A_140 = arith.addi %mul3A_138, %add3A_139 : i32
    "tpu.region"() ({
      %run_scoped3A = tpu.sem_alloc : memref<!tpu.dma_semaphore, #tpu.memory_space<semaphore_mem>>
      %dma_start3A = arith.constant 0 : i32
      %dma_start3A_182 = tpu.memref_slice %arg6[%add3A_140, %dma_start3A] : memref<10128x128xf32, #tpu.memory_space<vmem_shared>> -> memref<48x128xf32, #tpu.memory_space<vmem_shared>>
      %dma_start3A_183 = arith.constant 0 : i32
      %dma_start3A_184 = tpu.memref_slice %arg6[%add3A_140, %dma_start3A_183] : memref<10128x128xf32, #tpu.memory_space<vmem_shared>> -> memref<48x128xf32, #tpu.memory_space<vmem_shared>>
      tpu.enqueue_dma source(%dma_start3A_184 : memref<48x128xf32, #tpu.memory_space<vmem_shared>>) target(%arg10 : memref<48x128xf32, #tpu.memory_space<vmem>>) target_semaphore(%run_scoped3A : memref<!tpu.dma_semaphore, #tpu.memory_space<semaphore_mem>>)
      %dma_wait3A = arith.constant 0 : i32
      %dma_wait3A_185 = tpu.memref_slice %arg6[%add3A_140, %dma_wait3A] : memref<10128x128xf32, #tpu.memory_space<vmem_shared>> -> memref<48x128xf32, #tpu.memory_space<vmem_shared>>
      %dma_wait3A_186 = arith.constant 0 : i32
      %dma_wait3A_187 = tpu.memref_slice %arg6[%add3A_140, %dma_wait3A_186] : memref<10128x128xf32, #tpu.memory_space<vmem_shared>> -> memref<48x128xf32, #tpu.memory_space<vmem_shared>>
      tpu.wait_dma2 semaphore(%run_scoped3A : memref<!tpu.dma_semaphore, #tpu.memory_space<semaphore_mem>>) src(%dma_wait3A_187 : memref<48x128xf32, #tpu.memory_space<vmem_shared>>) dst(%arg10 : memref<48x128xf32, #tpu.memory_space<vmem>>)
      tpu.yield
    }) : () -> ()
    %mul3A_141 = arith.constant 624 : i32
    %mul3A_142 = arith.muli %arg1, %mul3A_141 : i32
    %add3A_143 = arith.constant 384 : i32
    %add3A_144 = arith.addi %mul3A_142, %add3A_143 : i32
    "tpu.region"() ({
      %run_scoped3A = tpu.sem_alloc : memref<!tpu.dma_semaphore, #tpu.memory_space<semaphore_mem>>
      %dma_start3A = arith.constant 0 : i32
      %dma_start3A_182 = tpu.memref_slice %arg5[%arg0, %add3A_144, %dma_start3A] : memref<2x10000x128xf32, #tpu.memory_space<hbm>> -> memref<1x48x128xf32, #tpu.memory_space<hbm>>
      %dma_start3A_183 = tpu.memref_squeeze %dma_start3A_182 : memref<1x48x128xf32, #tpu.memory_space<hbm>> -> memref<48x128xf32, #tpu.memory_space<hbm>>
      %dma_start3A_184 = arith.constant 0 : i32
      %dma_start3A_185 = tpu.memref_slice %arg5[%arg0, %add3A_144, %dma_start3A_184] : memref<2x10000x128xf32, #tpu.memory_space<hbm>> -> memref<1x48x128xf32, #tpu.memory_space<hbm>>
      %dma_start3A_186 = tpu.memref_squeeze %dma_start3A_185 : memref<1x48x128xf32, #tpu.memory_space<hbm>> -> memref<48x128xf32, #tpu.memory_space<hbm>>
      tpu.enqueue_dma source(%arg10 : memref<48x128xf32, #tpu.memory_space<vmem>>) target(%dma_start3A_186 : memref<48x128xf32, #tpu.memory_space<hbm>>) target_semaphore(%run_scoped3A : memref<!tpu.dma_semaphore, #tpu.memory_space<semaphore_mem>>)
      %dma_wait3A = arith.constant 0 : i32
      %dma_wait3A_187 = tpu.memref_slice %arg5[%arg0, %add3A_144, %dma_wait3A] : memref<2x10000x128xf32, #tpu.memory_space<hbm>> -> memref<1x48x128xf32, #tpu.memory_space<hbm>>
      %dma_wait3A_188 = tpu.memref_squeeze %dma_wait3A_187 : memref<1x48x128xf32, #tpu.memory_space<hbm>> -> memref<48x128xf32, #tpu.memory_space<hbm>>
      %dma_wait3A_189 = arith.constant 0 : i32
      %dma_wait3A_190 = tpu.memref_slice %arg5[%arg0, %add3A_144, %dma_wait3A_189] : memref<2x10000x128xf32, #tpu.memory_space<hbm>> -> memref<1x48x128xf32, #tpu.memory_space<hbm>>
      %dma_wait3A_191 = tpu.memref_squeeze %dma_wait3A_190 : memref<1x48x128xf32, #tpu.memory_space<hbm>> -> memref<48x128xf32, #tpu.memory_space<hbm>>
      tpu.wait_dma2 semaphore(%run_scoped3A : memref<!tpu.dma_semaphore, #tpu.memory_space<semaphore_mem>>) src(%arg10 : memref<48x128xf32, #tpu.memory_space<vmem>>) dst(%dma_wait3A_191 : memref<48x128xf32, #tpu.memory_space<hbm>>)
      tpu.yield
    }) : () -> ()
    %mul3A_145 = arith.constant 624 : i32
    %mul3A_146 = arith.muli %arg1, %mul3A_145 : i32
    %add3A_147 = arith.constant 432 : i32
    %add3A_148 = arith.addi %mul3A_146, %add3A_147 : i32
    "tpu.region"() ({
      %run_scoped3A = tpu.sem_alloc : memref<!tpu.dma_semaphore, #tpu.memory_space<semaphore_mem>>
      %dma_start3A = arith.constant 0 : i32
      %dma_start3A_182 = tpu.memref_slice %arg6[%add3A_148, %dma_start3A] : memref<10128x128xf32, #tpu.memory_space<vmem_shared>> -> memref<48x128xf32, #tpu.memory_space<vmem_shared>>
      %dma_start3A_183 = arith.constant 0 : i32
      %dma_start3A_184 = tpu.memref_slice %arg6[%add3A_148, %dma_start3A_183] : memref<10128x128xf32, #tpu.memory_space<vmem_shared>> -> memref<48x128xf32, #tpu.memory_space<vmem_shared>>
      tpu.enqueue_dma source(%dma_start3A_184 : memref<48x128xf32, #tpu.memory_space<vmem_shared>>) target(%arg10 : memref<48x128xf32, #tpu.memory_space<vmem>>) target_semaphore(%run_scoped3A : memref<!tpu.dma_semaphore, #tpu.memory_space<semaphore_mem>>)
      %dma_wait3A = arith.constant 0 : i32
      %dma_wait3A_185 = tpu.memref_slice %arg6[%add3A_148, %dma_wait3A] : memref<10128x128xf32, #tpu.memory_space<vmem_shared>> -> memref<48x128xf32, #tpu.memory_space<vmem_shared>>
      %dma_wait3A_186 = arith.constant 0 : i32
      %dma_wait3A_187 = tpu.memref_slice %arg6[%add3A_148, %dma_wait3A_186] : memref<10128x128xf32, #tpu.memory_space<vmem_shared>> -> memref<48x128xf32, #tpu.memory_space<vmem_shared>>
      tpu.wait_dma2 semaphore(%run_scoped3A : memref<!tpu.dma_semaphore, #tpu.memory_space<semaphore_mem>>) src(%dma_wait3A_187 : memref<48x128xf32, #tpu.memory_space<vmem_shared>>) dst(%arg10 : memref<48x128xf32, #tpu.memory_space<vmem>>)
      tpu.yield
    }) : () -> ()
    %mul3A_149 = arith.constant 624 : i32
    %mul3A_150 = arith.muli %arg1, %mul3A_149 : i32
    %add3A_151 = arith.constant 432 : i32
    %add3A_152 = arith.addi %mul3A_150, %add3A_151 : i32
    "tpu.region"() ({
      %run_scoped3A = tpu.sem_alloc : memref<!tpu.dma_semaphore, #tpu.memory_space<semaphore_mem>>
      %dma_start3A = arith.constant 0 : i32
      %dma_start3A_182 = tpu.memref_slice %arg5[%arg0, %add3A_152, %dma_start3A] : memref<2x10000x128xf32, #tpu.memory_space<hbm>> -> memref<1x48x128xf32, #tpu.memory_space<hbm>>
      %dma_start3A_183 = tpu.memref_squeeze %dma_start3A_182 : memref<1x48x128xf32, #tpu.memory_space<hbm>> -> memref<48x128xf32, #tpu.memory_space<hbm>>
      %dma_start3A_184 = arith.constant 0 : i32
      %dma_start3A_185 = tpu.memref_slice %arg5[%arg0, %add3A_152, %dma_start3A_184] : memref<2x10000x128xf32, #tpu.memory_space<hbm>> -> memref<1x48x128xf32, #tpu.memory_space<hbm>>
      %dma_start3A_186 = tpu.memref_squeeze %dma_start3A_185 : memref<1x48x128xf32, #tpu.memory_space<hbm>> -> memref<48x128xf32, #tpu.memory_space<hbm>>
      tpu.enqueue_dma source(%arg10 : memref<48x128xf32, #tpu.memory_space<vmem>>) target(%dma_start3A_186 : memref<48x128xf32, #tpu.memory_space<hbm>>) target_semaphore(%run_scoped3A : memref<!tpu.dma_semaphore, #tpu.memory_space<semaphore_mem>>)
      %dma_wait3A = arith.constant 0 : i32
      %dma_wait3A_187 = tpu.memref_slice %arg5[%arg0, %add3A_152, %dma_wait3A] : memref<2x10000x128xf32, #tpu.memory_space<hbm>> -> memref<1x48x128xf32, #tpu.memory_space<hbm>>
      %dma_wait3A_188 = tpu.memref_squeeze %dma_wait3A_187 : memref<1x48x128xf32, #tpu.memory_space<hbm>> -> memref<48x128xf32, #tpu.memory_space<hbm>>
      %dma_wait3A_189 = arith.constant 0 : i32
      %dma_wait3A_190 = tpu.memref_slice %arg5[%arg0, %add3A_152, %dma_wait3A_189] : memref<2x10000x128xf32, #tpu.memory_space<hbm>> -> memref<1x48x128xf32, #tpu.memory_space<hbm>>
      %dma_wait3A_191 = tpu.memref_squeeze %dma_wait3A_190 : memref<1x48x128xf32, #tpu.memory_space<hbm>> -> memref<48x128xf32, #tpu.memory_space<hbm>>
      tpu.wait_dma2 semaphore(%run_scoped3A : memref<!tpu.dma_semaphore, #tpu.memory_space<semaphore_mem>>) src(%arg10 : memref<48x128xf32, #tpu.memory_space<vmem>>) dst(%dma_wait3A_191 : memref<48x128xf32, #tpu.memory_space<hbm>>)
      tpu.yield
    }) : () -> ()
    %mul3A_153 = arith.constant 624 : i32
    %mul3A_154 = arith.muli %arg1, %mul3A_153 : i32
    %add3A_155 = arith.constant 480 : i32
    %add3A_156 = arith.addi %mul3A_154, %add3A_155 : i32
    "tpu.region"() ({
      %run_scoped3A = tpu.sem_alloc : memref<!tpu.dma_semaphore, #tpu.memory_space<semaphore_mem>>
      %dma_start3A = arith.constant 0 : i32
      %dma_start3A_182 = tpu.memref_slice %arg6[%add3A_156, %dma_start3A] : memref<10128x128xf32, #tpu.memory_space<vmem_shared>> -> memref<48x128xf32, #tpu.memory_space<vmem_shared>>
      %dma_start3A_183 = arith.constant 0 : i32
      %dma_start3A_184 = tpu.memref_slice %arg6[%add3A_156, %dma_start3A_183] : memref<10128x128xf32, #tpu.memory_space<vmem_shared>> -> memref<48x128xf32, #tpu.memory_space<vmem_shared>>
      tpu.enqueue_dma source(%dma_start3A_184 : memref<48x128xf32, #tpu.memory_space<vmem_shared>>) target(%arg10 : memref<48x128xf32, #tpu.memory_space<vmem>>) target_semaphore(%run_scoped3A : memref<!tpu.dma_semaphore, #tpu.memory_space<semaphore_mem>>)
      %dma_wait3A = arith.constant 0 : i32
      %dma_wait3A_185 = tpu.memref_slice %arg6[%add3A_156, %dma_wait3A] : memref<10128x128xf32, #tpu.memory_space<vmem_shared>> -> memref<48x128xf32, #tpu.memory_space<vmem_shared>>
      %dma_wait3A_186 = arith.constant 0 : i32
      %dma_wait3A_187 = tpu.memref_slice %arg6[%add3A_156, %dma_wait3A_186] : memref<10128x128xf32, #tpu.memory_space<vmem_shared>> -> memref<48x128xf32, #tpu.memory_space<vmem_shared>>
      tpu.wait_dma2 semaphore(%run_scoped3A : memref<!tpu.dma_semaphore, #tpu.memory_space<semaphore_mem>>) src(%dma_wait3A_187 : memref<48x128xf32, #tpu.memory_space<vmem_shared>>) dst(%arg10 : memref<48x128xf32, #tpu.memory_space<vmem>>)
      tpu.yield
    }) : () -> ()
    %mul3A_157 = arith.constant 624 : i32
    %mul3A_158 = arith.muli %arg1, %mul3A_157 : i32
    %add3A_159 = arith.constant 480 : i32
    %add3A_160 = arith.addi %mul3A_158, %add3A_159 : i32
    "tpu.region"() ({
      %run_scoped3A = tpu.sem_alloc : memref<!tpu.dma_semaphore, #tpu.memory_space<semaphore_mem>>
      %dma_start3A = arith.constant 0 : i32
      %dma_start3A_182 = tpu.memref_slice %arg5[%arg0, %add3A_160, %dma_start3A] : memref<2x10000x128xf32, #tpu.memory_space<hbm>> -> memref<1x48x128xf32, #tpu.memory_space<hbm>>
      %dma_start3A_183 = tpu.memref_squeeze %dma_start3A_182 : memref<1x48x128xf32, #tpu.memory_space<hbm>> -> memref<48x128xf32, #tpu.memory_space<hbm>>
      %dma_start3A_184 = arith.constant 0 : i32
      %dma_start3A_185 = tpu.memref_slice %arg5[%arg0, %add3A_160, %dma_start3A_184] : memref<2x10000x128xf32, #tpu.memory_space<hbm>> -> memref<1x48x128xf32, #tpu.memory_space<hbm>>
      %dma_start3A_186 = tpu.memref_squeeze %dma_start3A_185 : memref<1x48x128xf32, #tpu.memory_space<hbm>> -> memref<48x128xf32, #tpu.memory_space<hbm>>
      tpu.enqueue_dma source(%arg10 : memref<48x128xf32, #tpu.memory_space<vmem>>) target(%dma_start3A_186 : memref<48x128xf32, #tpu.memory_space<hbm>>) target_semaphore(%run_scoped3A : memref<!tpu.dma_semaphore, #tpu.memory_space<semaphore_mem>>)
      %dma_wait3A = arith.constant 0 : i32
      %dma_wait3A_187 = tpu.memref_slice %arg5[%arg0, %add3A_160, %dma_wait3A] : memref<2x10000x128xf32, #tpu.memory_space<hbm>> -> memref<1x48x128xf32, #tpu.memory_space<hbm>>
      %dma_wait3A_188 = tpu.memref_squeeze %dma_wait3A_187 : memref<1x48x128xf32, #tpu.memory_space<hbm>> -> memref<48x128xf32, #tpu.memory_space<hbm>>
      %dma_wait3A_189 = arith.constant 0 : i32
      %dma_wait3A_190 = tpu.memref_slice %arg5[%arg0, %add3A_160, %dma_wait3A_189] : memref<2x10000x128xf32, #tpu.memory_space<hbm>> -> memref<1x48x128xf32, #tpu.memory_space<hbm>>
      %dma_wait3A_191 = tpu.memref_squeeze %dma_wait3A_190 : memref<1x48x128xf32, #tpu.memory_space<hbm>> -> memref<48x128xf32, #tpu.memory_space<hbm>>
      tpu.wait_dma2 semaphore(%run_scoped3A : memref<!tpu.dma_semaphore, #tpu.memory_space<semaphore_mem>>) src(%arg10 : memref<48x128xf32, #tpu.memory_space<vmem>>) dst(%dma_wait3A_191 : memref<48x128xf32, #tpu.memory_space<hbm>>)
      tpu.yield
    }) : () -> ()
    %mul3A_161 = arith.constant 624 : i32
    %mul3A_162 = arith.muli %arg1, %mul3A_161 : i32
    %add3A_163 = arith.constant 528 : i32
    %add3A_164 = arith.addi %mul3A_162, %add3A_163 : i32
    "tpu.region"() ({
      %run_scoped3A = tpu.sem_alloc : memref<!tpu.dma_semaphore, #tpu.memory_space<semaphore_mem>>
      %dma_start3A = arith.constant 0 : i32
      %dma_start3A_182 = tpu.memref_slice %arg6[%add3A_164, %dma_start3A] : memref<10128x128xf32, #tpu.memory_space<vmem_shared>> -> memref<48x128xf32, #tpu.memory_space<vmem_shared>>
      %dma_start3A_183 = arith.constant 0 : i32
      %dma_start3A_184 = tpu.memref_slice %arg6[%add3A_164, %dma_start3A_183] : memref<10128x128xf32, #tpu.memory_space<vmem_shared>> -> memref<48x128xf32, #tpu.memory_space<vmem_shared>>
      tpu.enqueue_dma source(%dma_start3A_184 : memref<48x128xf32, #tpu.memory_space<vmem_shared>>) target(%arg10 : memref<48x128xf32, #tpu.memory_space<vmem>>) target_semaphore(%run_scoped3A : memref<!tpu.dma_semaphore, #tpu.memory_space<semaphore_mem>>)
      %dma_wait3A = arith.constant 0 : i32
      %dma_wait3A_185 = tpu.memref_slice %arg6[%add3A_164, %dma_wait3A] : memref<10128x128xf32, #tpu.memory_space<vmem_shared>> -> memref<48x128xf32, #tpu.memory_space<vmem_shared>>
      %dma_wait3A_186 = arith.constant 0 : i32
      %dma_wait3A_187 = tpu.memref_slice %arg6[%add3A_164, %dma_wait3A_186] : memref<10128x128xf32, #tpu.memory_space<vmem_shared>> -> memref<48x128xf32, #tpu.memory_space<vmem_shared>>
      tpu.wait_dma2 semaphore(%run_scoped3A : memref<!tpu.dma_semaphore, #tpu.memory_space<semaphore_mem>>) src(%dma_wait3A_187 : memref<48x128xf32, #tpu.memory_space<vmem_shared>>) dst(%arg10 : memref<48x128xf32, #tpu.memory_space<vmem>>)
      tpu.yield
    }) : () -> ()
    %mul3A_165 = arith.constant 624 : i32
    %mul3A_166 = arith.muli %arg1, %mul3A_165 : i32
    %add3A_167 = arith.constant 528 : i32
    %add3A_168 = arith.addi %mul3A_166, %add3A_167 : i32
    "tpu.region"() ({
      %run_scoped3A = tpu.sem_alloc : memref<!tpu.dma_semaphore, #tpu.memory_space<semaphore_mem>>
      %dma_start3A = arith.constant 0 : i32
      %dma_start3A_182 = tpu.memref_slice %arg5[%arg0, %add3A_168, %dma_start3A] : memref<2x10000x128xf32, #tpu.memory_space<hbm>> -> memref<1x48x128xf32, #tpu.memory_space<hbm>>
      %dma_start3A_183 = tpu.memref_squeeze %dma_start3A_182 : memref<1x48x128xf32, #tpu.memory_space<hbm>> -> memref<48x128xf32, #tpu.memory_space<hbm>>
      %dma_start3A_184 = arith.constant 0 : i32
      %dma_start3A_185 = tpu.memref_slice %arg5[%arg0, %add3A_168, %dma_start3A_184] : memref<2x10000x128xf32, #tpu.memory_space<hbm>> -> memref<1x48x128xf32, #tpu.memory_space<hbm>>
      %dma_start3A_186 = tpu.memref_squeeze %dma_start3A_185 : memref<1x48x128xf32, #tpu.memory_space<hbm>> -> memref<48x128xf32, #tpu.memory_space<hbm>>
      tpu.enqueue_dma source(%arg10 : memref<48x128xf32, #tpu.memory_space<vmem>>) target(%dma_start3A_186 : memref<48x128xf32, #tpu.memory_space<hbm>>) target_semaphore(%run_scoped3A : memref<!tpu.dma_semaphore, #tpu.memory_space<semaphore_mem>>)
      %dma_wait3A = arith.constant 0 : i32
      %dma_wait3A_187 = tpu.memref_slice %arg5[%arg0, %add3A_168, %dma_wait3A] : memref<2x10000x128xf32, #tpu.memory_space<hbm>> -> memref<1x48x128xf32, #tpu.memory_space<hbm>>
      %dma_wait3A_188 = tpu.memref_squeeze %dma_wait3A_187 : memref<1x48x128xf32, #tpu.memory_space<hbm>> -> memref<48x128xf32, #tpu.memory_space<hbm>>
      %dma_wait3A_189 = arith.constant 0 : i32
      %dma_wait3A_190 = tpu.memref_slice %arg5[%arg0, %add3A_168, %dma_wait3A_189] : memref<2x10000x128xf32, #tpu.memory_space<hbm>> -> memref<1x48x128xf32, #tpu.memory_space<hbm>>
      %dma_wait3A_191 = tpu.memref_squeeze %dma_wait3A_190 : memref<1x48x128xf32, #tpu.memory_space<hbm>> -> memref<48x128xf32, #tpu.memory_space<hbm>>
      tpu.wait_dma2 semaphore(%run_scoped3A : memref<!tpu.dma_semaphore, #tpu.memory_space<semaphore_mem>>) src(%arg10 : memref<48x128xf32, #tpu.memory_space<vmem>>) dst(%dma_wait3A_191 : memref<48x128xf32, #tpu.memory_space<hbm>>)
      tpu.yield
    }) : () -> ()
    %mul3A_169 = arith.constant 624 : i32
    %mul3A_170 = arith.muli %arg1, %mul3A_169 : i32
    %add3A_171 = arith.constant 576 : i32
    %add3A_172 = arith.addi %mul3A_170, %add3A_171 : i32
    "tpu.region"() ({
      %run_scoped3A = tpu.sem_alloc : memref<!tpu.dma_semaphore, #tpu.memory_space<semaphore_mem>>
      %dma_start3A = arith.constant 0 : i32
      %dma_start3A_182 = tpu.memref_slice %arg6[%add3A_172, %dma_start3A] : memref<10128x128xf32, #tpu.memory_space<vmem_shared>> -> memref<48x128xf32, #tpu.memory_space<vmem_shared>>
      %dma_start3A_183 = arith.constant 0 : i32
      %dma_start3A_184 = tpu.memref_slice %arg6[%add3A_172, %dma_start3A_183] : memref<10128x128xf32, #tpu.memory_space<vmem_shared>> -> memref<48x128xf32, #tpu.memory_space<vmem_shared>>
      tpu.enqueue_dma source(%dma_start3A_184 : memref<48x128xf32, #tpu.memory_space<vmem_shared>>) target(%arg10 : memref<48x128xf32, #tpu.memory_space<vmem>>) target_semaphore(%run_scoped3A : memref<!tpu.dma_semaphore, #tpu.memory_space<semaphore_mem>>)
      %dma_wait3A = arith.constant 0 : i32
      %dma_wait3A_185 = tpu.memref_slice %arg6[%add3A_172, %dma_wait3A] : memref<10128x128xf32, #tpu.memory_space<vmem_shared>> -> memref<48x128xf32, #tpu.memory_space<vmem_shared>>
      %dma_wait3A_186 = arith.constant 0 : i32
      %dma_wait3A_187 = tpu.memref_slice %arg6[%add3A_172, %dma_wait3A_186] : memref<10128x128xf32, #tpu.memory_space<vmem_shared>> -> memref<48x128xf32, #tpu.memory_space<vmem_shared>>
      tpu.wait_dma2 semaphore(%run_scoped3A : memref<!tpu.dma_semaphore, #tpu.memory_space<semaphore_mem>>) src(%dma_wait3A_187 : memref<48x128xf32, #tpu.memory_space<vmem_shared>>) dst(%arg10 : memref<48x128xf32, #tpu.memory_space<vmem>>)
      tpu.yield
    }) : () -> ()
    %mul3A_173 = arith.constant 624 : i32
    %mul3A_174 = arith.muli %arg1, %mul3A_173 : i32
    %add3A_175 = arith.constant 576 : i32
    %add3A_176 = arith.addi %mul3A_174, %add3A_175 : i32
    "tpu.region"() ({
      %run_scoped3A = tpu.sem_alloc : memref<!tpu.dma_semaphore, #tpu.memory_space<semaphore_mem>>
      %dma_start3A = arith.constant 0 : i32
      %dma_start3A_182 = tpu.memref_slice %arg5[%arg0, %add3A_176, %dma_start3A] : memref<2x10000x128xf32, #tpu.memory_space<hbm>> -> memref<1x48x128xf32, #tpu.memory_space<hbm>>
      %dma_start3A_183 = tpu.memref_squeeze %dma_start3A_182 : memref<1x48x128xf32, #tpu.memory_space<hbm>> -> memref<48x128xf32, #tpu.memory_space<hbm>>
      %dma_start3A_184 = arith.constant 0 : i32
      %dma_start3A_185 = tpu.memref_slice %arg5[%arg0, %add3A_176, %dma_start3A_184] : memref<2x10000x128xf32, #tpu.memory_space<hbm>> -> memref<1x48x128xf32, #tpu.memory_space<hbm>>
      %dma_start3A_186 = tpu.memref_squeeze %dma_start3A_185 : memref<1x48x128xf32, #tpu.memory_space<hbm>> -> memref<48x128xf32, #tpu.memory_space<hbm>>
      tpu.enqueue_dma source(%arg10 : memref<48x128xf32, #tpu.memory_space<vmem>>) target(%dma_start3A_186 : memref<48x128xf32, #tpu.memory_space<hbm>>) target_semaphore(%run_scoped3A : memref<!tpu.dma_semaphore, #tpu.memory_space<semaphore_mem>>)
      %dma_wait3A = arith.constant 0 : i32
      %dma_wait3A_187 = tpu.memref_slice %arg5[%arg0, %add3A_176, %dma_wait3A] : memref<2x10000x128xf32, #tpu.memory_space<hbm>> -> memref<1x48x128xf32, #tpu.memory_space<hbm>>
      %dma_wait3A_188 = tpu.memref_squeeze %dma_wait3A_187 : memref<1x48x128xf32, #tpu.memory_space<hbm>> -> memref<48x128xf32, #tpu.memory_space<hbm>>
      %dma_wait3A_189 = arith.constant 0 : i32
      %dma_wait3A_190 = tpu.memref_slice %arg5[%arg0, %add3A_176, %dma_wait3A_189] : memref<2x10000x128xf32, #tpu.memory_space<hbm>> -> memref<1x48x128xf32, #tpu.memory_space<hbm>>
      %dma_wait3A_191 = tpu.memref_squeeze %dma_wait3A_190 : memref<1x48x128xf32, #tpu.memory_space<hbm>> -> memref<48x128xf32, #tpu.memory_space<hbm>>
      tpu.wait_dma2 semaphore(%run_scoped3A : memref<!tpu.dma_semaphore, #tpu.memory_space<semaphore_mem>>) src(%arg10 : memref<48x128xf32, #tpu.memory_space<vmem>>) dst(%dma_wait3A_191 : memref<48x128xf32, #tpu.memory_space<hbm>>)
      tpu.yield
    }) : () -> ()
    %eq3A_177 = arith.constant 15 : i32
    %eq3A_178 = arith.cmpi eq, %arg1, %eq3A_177 : i32
    %convert_element_type3A_179 = arith.extui %eq3A_178 : i1 to i32
    %cond3A_180 = arith.constant 0 : i32
    %cond3A_181 = arith.cmpi ne, %convert_element_type3A_179, %cond3A_180 : i32
    scf.if %cond3A_181 {
      "tpu.region"() ({
        %run_scoped3A = tpu.sem_alloc : memref<!tpu.dma_semaphore, #tpu.memory_space<semaphore_mem>>
        %dma_start3A = arith.constant 9984 : i32
        %dma_start3A_182 = arith.constant 0 : i32
        %dma_start3A_183 = tpu.memref_slice %arg6[%dma_start3A, %dma_start3A_182] : memref<10128x128xf32, #tpu.memory_space<vmem_shared>> -> memref<16x128xf32, #tpu.memory_space<vmem_shared>>
        %dma_start3A_184 = arith.constant 9984 : i32
        %dma_start3A_185 = arith.constant 0 : i32
        %dma_start3A_186 = tpu.memref_slice %arg6[%dma_start3A_184, %dma_start3A_185] : memref<10128x128xf32, #tpu.memory_space<vmem_shared>> -> memref<16x128xf32, #tpu.memory_space<vmem_shared>>
        tpu.enqueue_dma source(%dma_start3A_186 : memref<16x128xf32, #tpu.memory_space<vmem_shared>>) target(%arg11 : memref<16x128xf32, #tpu.memory_space<vmem>>) target_semaphore(%run_scoped3A : memref<!tpu.dma_semaphore, #tpu.memory_space<semaphore_mem>>)
        %dma_wait3A = arith.constant 9984 : i32
        %dma_wait3A_187 = arith.constant 0 : i32
        %dma_wait3A_188 = tpu.memref_slice %arg6[%dma_wait3A, %dma_wait3A_187] : memref<10128x128xf32, #tpu.memory_space<vmem_shared>> -> memref<16x128xf32, #tpu.memory_space<vmem_shared>>
        %dma_wait3A_189 = arith.constant 9984 : i32
        %dma_wait3A_190 = arith.constant 0 : i32
        %dma_wait3A_191 = tpu.memref_slice %arg6[%dma_wait3A_189, %dma_wait3A_190] : memref<10128x128xf32, #tpu.memory_space<vmem_shared>> -> memref<16x128xf32, #tpu.memory_space<vmem_shared>>
        tpu.wait_dma2 semaphore(%run_scoped3A : memref<!tpu.dma_semaphore, #tpu.memory_space<semaphore_mem>>) src(%dma_wait3A_191 : memref<16x128xf32, #tpu.memory_space<vmem_shared>>) dst(%arg11 : memref<16x128xf32, #tpu.memory_space<vmem>>)
        tpu.yield
      }) : () -> ()
      "tpu.region"() ({
        %run_scoped3A = tpu.sem_alloc : memref<!tpu.dma_semaphore, #tpu.memory_space<semaphore_mem>>
        %dma_start3A = arith.constant 9984 : i32
        %dma_start3A_182 = arith.constant 0 : i32
        %dma_start3A_183 = tpu.memref_slice %arg5[%arg0, %dma_start3A, %dma_start3A_182] : memref<2x10000x128xf32, #tpu.memory_space<hbm>> -> memref<1x16x128xf32, #tpu.memory_space<hbm>>
        %dma_start3A_184 = tpu.memref_squeeze %dma_start3A_183 : memref<1x16x128xf32, #tpu.memory_space<hbm>> -> memref<16x128xf32, #tpu.memory_space<hbm>>
        %dma_start3A_185 = arith.constant 9984 : i32
        %dma_start3A_186 = arith.constant 0 : i32
        %dma_start3A_187 = tpu.memref_slice %arg5[%arg0, %dma_start3A_185, %dma_start3A_186] : memref<2x10000x128xf32, #tpu.memory_space<hbm>> -> memref<1x16x128xf32, #tpu.memory_space<hbm>>
        %dma_start3A_188 = tpu.memref_squeeze %dma_start3A_187 : memref<1x16x128xf32, #tpu.memory_space<hbm>> -> memref<16x128xf32, #tpu.memory_space<hbm>>
        tpu.enqueue_dma source(%arg11 : memref<16x128xf32, #tpu.memory_space<vmem>>) target(%dma_start3A_188 : memref<16x128xf32, #tpu.memory_space<hbm>>) target_semaphore(%run_scoped3A : memref<!tpu.dma_semaphore, #tpu.memory_space<semaphore_mem>>)
        %dma_wait3A = arith.constant 9984 : i32
        %dma_wait3A_189 = arith.constant 0 : i32
        %dma_wait3A_190 = tpu.memref_slice %arg5[%arg0, %dma_wait3A, %dma_wait3A_189] : memref<2x10000x128xf32, #tpu.memory_space<hbm>> -> memref<1x16x128xf32, #tpu.memory_space<hbm>>
        %dma_wait3A_191 = tpu.memref_squeeze %dma_wait3A_190 : memref<1x16x128xf32, #tpu.memory_space<hbm>> -> memref<16x128xf32, #tpu.memory_space<hbm>>
        %dma_wait3A_192 = arith.constant 9984 : i32
        %dma_wait3A_193 = arith.constant 0 : i32
        %dma_wait3A_194 = tpu.memref_slice %arg5[%arg0, %dma_wait3A_192, %dma_wait3A_193] : memref<2x10000x128xf32, #tpu.memory_space<hbm>> -> memref<1x16x128xf32, #tpu.memory_space<hbm>>
        %dma_wait3A_195 = tpu.memref_squeeze %dma_wait3A_194 : memref<1x16x128xf32, #tpu.memory_space<hbm>> -> memref<16x128xf32, #tpu.memory_space<hbm>>
        tpu.wait_dma2 semaphore(%run_scoped3A : memref<!tpu.dma_semaphore, #tpu.memory_space<semaphore_mem>>) src(%arg11 : memref<16x128xf32, #tpu.memory_space<vmem>>) dst(%dma_wait3A_195 : memref<16x128xf32, #tpu.memory_space<hbm>>)
        tpu.yield
      }) : () -> ()
    } else {
    }
    return
  }
}

module attributes {stable_mosaic.version = 14 : i64} {
  func.func @body(%arg0: i32, %arg1: memref<1000x128xf32, #tpu.memory_space<vmem>>, %arg2: memref<128x128xf32, #tpu.memory_space<vmem>>, %arg3: memref<2x1000x16xf32, #tpu.memory_space<vmem>>, %arg4: memref<1000x128xf32, #tpu.memory_space<vmem>>) attributes {dimension_semantics = [#tpu.dimension_semantics<arbitrary>], iteration_bounds = array<i64: 10>, scalar_prefetch = 0 : i64, scratch_operands = 0 : i64, tpu.core_type = #tpu.core_type<tc>, window_params = [{transform_indices = @transform_0, window_bounds = array<i64: 1000, 128>}, {pipeline_mode = #tpu.pipeline_mode<synchronous>, transform_indices = @transform_1, window_bounds = array<i64: 128, 128>}, {transform_indices = @transform_2, window_bounds = array<i64: 2, 1000, 16>}, {transform_indices = @transform_3, window_bounds = array<i64: 1000, 128>}]} {
    %get3A = arith.constant 0 : index
    %get3A_0 = arith.constant 0 : index
    %get3A_1 = arith.constant 0 : index
    %get3A_2 = vector.load %arg3[%get3A, %get3A_0, %get3A_1] : memref<2x1000x16xf32, #tpu.memory_space<vmem>>, vector<1x1000x16xf32>
    %get3A_3 = vector.shape_cast %get3A_2 : vector<1x1000x16xf32> to vector<1000x16xf32>
    %get3A_4 = arith.constant 1 : index
    %get3A_5 = arith.constant 0 : index
    %get3A_6 = arith.constant 0 : index
    %get3A_7 = vector.load %arg3[%get3A_4, %get3A_5, %get3A_6] : memref<2x1000x16xf32, #tpu.memory_space<vmem>>, vector<1x1000x16xf32>
    %get3A_8 = vector.shape_cast %get3A_7 : vector<1x1000x16xf32> to vector<1000x16xf32>
    %add3A = arith.addf %get3A_3, %get3A_8 : vector<1000x16xf32>
    %slice3A = vector.extract_strided_slice %add3A {offsets = [0, 0], sizes = [1000, 1], strides = [1, 1]} : vector<1000x16xf32> to vector<1000x1xf32>
    %add3A_9 = arith.constant 1.000000e+00 : f32
    %add3A_10 = vector.broadcast %add3A_9 : f32 to vector<1000x1xf32>
    %add3A_11 = arith.addf %slice3A, %add3A_10 : vector<1000x1xf32>
    %rsqrt3A = math.rsqrt %add3A_11 : vector<1000x1xf32>
    %get3A_12 = arith.constant 0 : index
    %get3A_13 = arith.constant 0 : index
    %get3A_14 = vector.load %arg1[%get3A_12, %get3A_13] : memref<1000x128xf32, #tpu.memory_space<vmem>>, vector<1000x128xf32>
    %get3A_15 = arith.constant 0 : index
    %get3A_16 = arith.constant 0 : index
    %get3A_17 = vector.load %arg2[%get3A_15, %get3A_16] : memref<128x128xf32, #tpu.memory_space<vmem>>, vector<128x128xf32>
    %dot_general3A = arith.constant dense<0.000000e+00> : vector<1000x128xf32>
    %dot_general3A_18 = tpu.matmul %get3A_14, %get3A_17, %dot_general3A {dimension_numbers = #tpu.dot_dimension_numbers<[1], [0], [0], [1], [0, 0, 1, 1], [], []>, transpose_lhs_hint = false} : vector<1000x128xf32>, vector<128x128xf32>, vector<1000x128xf32> -> vector<1000x128xf32>
    %mul3A = vector.broadcast %rsqrt3A : vector<1000x1xf32> to vector<1000x128xf32>
    %mul3A_19 = arith.mulf %dot_general3A_18, %mul3A : vector<1000x128xf32>
    %swap3A = arith.constant 0 : index
    %swap3A_20 = arith.constant 0 : index
    %swap3A_21 = vector.load %arg4[%swap3A, %swap3A_20] : memref<1000x128xf32, #tpu.memory_space<vmem>>, vector<1000x128xf32>
    tpu.vector_store %arg4[%swap3A, %swap3A_20], %mul3A_19 {strides = array<i32>} : memref<1000x128xf32, #tpu.memory_space<vmem>>, vector<1000x128xf32>,
    return
  }
  func.func @transform_0(%arg0: i32) -> (i32, i32) {
    %c0_i32 = arith.constant 0 : i32
    %c0_i32_0 = arith.constant 0 : i32
    return %arg0, %c0_i32 : i32, i32
  }
  func.func @transform_1(%arg0: i32) -> (i32, i32) {
    %c0_i32 = arith.constant 0 : i32
    %c0_i32_0 = arith.constant 0 : i32
    %c0_i32_1 = arith.constant 0 : i32
    return %c0_i32, %c0_i32_0 : i32, i32
  }
  func.func @transform_2(%arg0: i32) -> (i32, i32, i32) {
    %c0_i32 = arith.constant 0 : i32
    %c0_i32_0 = arith.constant 0 : i32
    %c0_i32_1 = arith.constant 0 : i32
    return %c0_i32, %arg0, %c0_i32_0 : i32, i32, i32
  }
  func.func @transform_3(%arg0: i32) -> (i32, i32) {
    %c0_i32 = arith.constant 0 : i32
    %c0_i32_0 = arith.constant 0 : i32
    return %arg0, %c0_i32 : i32, i32
  }
}

module attributes {stable_mosaic.version = 14 : i64} {
  func.func @body(%arg0: i32, %arg1: memref<2x1000x128xf32, #tpu.memory_space<vmem>>, %arg2: memref<1000x128xf32, #tpu.memory_space<vmem>>, %arg3: memref<2x1000x16xf32, #tpu.memory_space<vmem>>, %arg4: memref<1x128xf32, #tpu.memory_space<vmem>>, %arg5: memref<1000x128xf32, #tpu.memory_space<vmem>>) attributes {dimension_semantics = [#tpu.dimension_semantics<arbitrary>], iteration_bounds = array<i64: 10>, scalar_prefetch = 0 : i64, scratch_operands = 0 : i64, tpu.core_type = #tpu.core_type<tc>, window_params = [{transform_indices = @transform_0, window_bounds = array<i64: 2, 1000, 128>}, {transform_indices = @transform_1, window_bounds = array<i64: 1000, 128>}, {transform_indices = @transform_2, window_bounds = array<i64: 2, 1000, 16>}, {pipeline_mode = #tpu.pipeline_mode<synchronous>, transform_indices = @transform_3, window_bounds = array<i64: 1, 128>}, {transform_indices = @transform_4, window_bounds = array<i64: 1000, 128>}]} {
    %get3A = arith.constant 0 : index
    %get3A_0 = arith.constant 0 : index
    %get3A_1 = arith.constant 0 : index
    %get3A_2 = vector.load %arg3[%get3A, %get3A_0, %get3A_1] : memref<2x1000x16xf32, #tpu.memory_space<vmem>>, vector<1x1000x16xf32>
    %get3A_3 = vector.shape_cast %get3A_2 : vector<1x1000x16xf32> to vector<1000x16xf32>
    %get3A_4 = arith.constant 1 : index
    %get3A_5 = arith.constant 0 : index
    %get3A_6 = arith.constant 0 : index
    %get3A_7 = vector.load %arg3[%get3A_4, %get3A_5, %get3A_6] : memref<2x1000x16xf32, #tpu.memory_space<vmem>>, vector<1x1000x16xf32>
    %get3A_8 = vector.shape_cast %get3A_7 : vector<1x1000x16xf32> to vector<1000x16xf32>
    %add3A = arith.addf %get3A_3, %get3A_8 : vector<1000x16xf32>
    %slice3A = vector.extract_strided_slice %add3A {offsets = [0, 0], sizes = [1000, 1], strides = [1, 1]} : vector<1000x16xf32> to vector<1000x1xf32>
    %add3A_9 = arith.constant 1.000000e+00 : f32
    %add3A_10 = vector.broadcast %add3A_9 : f32 to vector<1000x1xf32>
    %add3A_11 = arith.addf %slice3A, %add3A_10 : vector<1000x1xf32>
    %rsqrt3A = math.rsqrt %add3A_11 : vector<1000x1xf32>
    %get3A_12 = arith.constant 0 : index
    %get3A_13 = arith.constant 0 : index
    %get3A_14 = arith.constant 0 : index
    %get3A_15 = vector.load %arg1[%get3A_12, %get3A_13, %get3A_14] : memref<2x1000x128xf32, #tpu.memory_space<vmem>>, vector<1x1000x128xf32>
    %get3A_16 = vector.shape_cast %get3A_15 : vector<1x1000x128xf32> to vector<1000x128xf32>
    %get3A_17 = arith.constant 1 : index
    %get3A_18 = arith.constant 0 : index
    %get3A_19 = arith.constant 0 : index
    %get3A_20 = vector.load %arg1[%get3A_17, %get3A_18, %get3A_19] : memref<2x1000x128xf32, #tpu.memory_space<vmem>>, vector<1x1000x128xf32>
    %get3A_21 = vector.shape_cast %get3A_20 : vector<1x1000x128xf32> to vector<1000x128xf32>
    %add3A_22 = arith.addf %get3A_16, %get3A_21 : vector<1000x128xf32>
    %get3A_23 = arith.constant 0 : index
    %get3A_24 = arith.constant 0 : index
    %get3A_25 = vector.load %arg2[%get3A_23, %get3A_24] : memref<1000x128xf32, #tpu.memory_space<vmem>>, vector<1000x128xf32>
    %add3A_26 = arith.addf %add3A_22, %get3A_25 : vector<1000x128xf32>
    %mul3A = vector.broadcast %rsqrt3A : vector<1000x1xf32> to vector<1000x128xf32>
    %mul3A_27 = arith.mulf %add3A_26, %mul3A : vector<1000x128xf32>
    %get3A_28 = arith.constant 0 : index
    %get3A_29 = arith.constant 0 : index
    %get3A_30 = vector.load %arg4[%get3A_28, %get3A_29] : memref<1x128xf32, #tpu.memory_space<vmem>>, vector<1x128xf32>
    %add3A_31 = vector.broadcast %get3A_30 : vector<1x128xf32> to vector<1000x128xf32>
    %add3A_32 = arith.addf %mul3A_27, %add3A_31 : vector<1000x128xf32>
    %swap3A = arith.constant 0 : index
    %swap3A_33 = arith.constant 0 : index
    %swap3A_34 = vector.load %arg5[%swap3A, %swap3A_33] : memref<1000x128xf32, #tpu.memory_space<vmem>>, vector<1000x128xf32>
    tpu.vector_store %arg5[%swap3A, %swap3A_33], %add3A_32 {strides = array<i32>} : memref<1000x128xf32, #tpu.memory_space<vmem>>, vector<1000x128xf32>,
    return
  }
  func.func @transform_0(%arg0: i32) -> (i32, i32, i32) {
    %c0_i32 = arith.constant 0 : i32
    %c0_i32_0 = arith.constant 0 : i32
    %c0_i32_1 = arith.constant 0 : i32
    return %c0_i32, %arg0, %c0_i32_0 : i32, i32, i32
  }
  func.func @transform_1(%arg0: i32) -> (i32, i32) {
    %c0_i32 = arith.constant 0 : i32
    %c0_i32_0 = arith.constant 0 : i32
    return %arg0, %c0_i32 : i32, i32
  }
  func.func @transform_2(%arg0: i32) -> (i32, i32, i32) {
    %c0_i32 = arith.constant 0 : i32
    %c0_i32_0 = arith.constant 0 : i32
    %c0_i32_1 = arith.constant 0 : i32
    return %c0_i32, %arg0, %c0_i32_0 : i32, i32, i32
  }
  func.func @transform_3(%arg0: i32) -> (i32, i32) {
    %c0_i32 = arith.constant 0 : i32
    %c0_i32_0 = arith.constant 0 : i32
    %c0_i32_1 = arith.constant 0 : i32
    return %c0_i32, %c0_i32_0 : i32, i32
  }
  func.func @transform_4(%arg0: i32) -> (i32, i32) {
    %c0_i32 = arith.constant 0 : i32
    %c0_i32_0 = arith.constant 0 : i32
    return %arg0, %c0_i32 : i32, i32
  }
}

</mosaic_0001>

<sc_bundles>
// kernel: kernel.6.cloned.1.call-start
scs
__scs_entry_jumppad:
0x0: {  	(pc) =	sbr.rel $0x88, $3  }
0x1: {  	(tag) =	ssettag $0x0;
	lr =	simm.s32 $0x1  }
0x2: {  	[smem:$0x3F9D] =	sst lr;
	_ =	strace $0xD0000000  }
0x3: {  	_ = 	snop  }
0x4: {  	_ = 	snop  }
0x5: {  	_ = 	snop  }
0x6: {  	_ = 	snop  }
0x7: {  	_ = 	snop  }
__scs_overlays_trampoline_lowered:
0x8: {  	[smem:$0x3FAC] =	sst s0  }
0x9: {  	[smem:$0x3FAD] =	sst s1  }
0xa: {  	[smem:$0x3FAE] =	sst s2  }
0xb: {  	[smem:$0x3FAF] =	sst s3  }
0xc: {  	[smem:$0x3FB0] =	sst s4  }
0xd: {  	[smem:$0x3FB1] =	sst s5  }
0xe: {  	[smem:$0x3FB2] =	sst s6  }
0xf: {  	[smem:$0x3FB3] =	sst s7  }
0x10: {  	[smem:$0x3FB4] =	sst s8  }
0x11: {  	[smem:$0x3FB5] =	sst s9;
	s0 =	simm.s32 @!p0 $0x0  }
0x12: {  	s1 =	sld [smem:$0x3F9B];
	s0 =	simm.s32 @p0 $0x1  }
0x13: {  	[smem:$0x3FB6] =	sst s0;
	s0 =	simm.s32 @!p1 $0x0  }
0x14: {  	s2 =	sld [smem:$0x3F9A];
	s0 =	simm.s32 @p1 $0x1  }
0x15: {  	[smem:$0x3FB7] =	sst s0;
	s0 =	simm.s32 @!p2 $0x0  }
0x16: {  	s3 =	sld [smem:$0x3FDB];
	s0 =	simm.s32 @p2 $0x1  }
0x17: {  	s4 =	simm.s32 $0x1BF5;
	[smem:$0x3FB9] =	sst s0  }
0x18: {  	s0 =	sld [smem:$0x3F9C];
	_ =	swait.ge [sflag:s4], $0x0  }
0x19: {  	s7 =	sld [smem:$0x3F9D]  }
0x1a: {  	s8 =	sadd.s32 $0xFFFFE003, lr  }
0x1b: {  	s9 =	sadd.s32 $0xFFFFFEF7, lr;
	s5 =	simm.s32 $0xFFFFFFFF;
	p2 =	slt.u32 s8, $0xFFFFF086  }
0x1c: {  	p1 =	slt.u32 s9, $0xF7A;
	s5 =	simm.s32 @!p2 $0x0  }
0x1d: {  	s5 =	simm.s32 @p1 $0x1;
	p0 =	seq.s32 s7, s2  }
0x1e: {  	s7 =	smul.u32 @!p0 $0xF7A, s2;
	p2 =	seq.s32 @!p0 s5, $0x0  }
0x1f: {  	s9 =	smul.u32 $0xF7A, s1;
	s8 =	simm.s32 @!p0 $0x1BF5;
	p2 =	por !p2, p0  }
0x20: {  	[sflag:s8] =	ssyncset.s32 @!p0 $0xFFFFF086;
	s6 =	sadd.s32 @!p0 s3, s7;
	s7 =	simm.s32 @!p0 $0x108  }
0x21: {  	s3 =	sadd.s32 s3, s9;
	s6 =	sadd.s32 @!p0 $0x88, s6;
	s7 =	simm.s32 @p2 $0x1082  }
0x22: {  	[simem:s7], [sflag:s8] =	dma.local @!p0 [hbm:s6], $0xF7A  }
0x23: {  	s9 =	sor.u32 $0xD0000000, s2;
	s6 =	simm.s32 $0x108;
	_ =	swait.ge @!p0 [sflag:s8], $0x0  }
0x24: {  	s3 =	sadd.s32 $0x88, s3;
	s6 =	simm.s32 @!p1 $0x1082;
	[sflag:s4] =	ssyncset.s32 $0xFFFFF086  }
0x25: {  	[simem:s6], [sflag:s4] =	dma.local [hbm:s3], $0xF7A  }
0x26: {  	[smem:$0x3F9D] =	sst s1;
	(tag) =	ssettag s2;
	_ =	strace s9  }
0x27: {  	s1 =	sld [smem:$0x3FAD]  }
0x28: {  	s2 =	sld [smem:$0x3FAE]  }
0x29: {  	s4 =	sld [smem:$0x3FB0]  }
0x2a: {  	p0 =	seq.s32 s5, $0x0;
	s5 =	sld [smem:$0x3FB1]  }
0x2b: {  	s6 =	sld [smem:$0x3FB2]  }
0x2c: {  	s7 =	sld [smem:$0x3FB3]  }
0x2d: {  	s3 =	simm.s32 $0x108;
	s8 =	sld [smem:$0x3FB4]  }
0x2e: {  	s3 =	simm.s32 @!p0 $0x1082;
	s9 =	sld [smem:$0x3FB5]  }
0x2f: {  	lr =	sadd.s32 s0, s3;
	s0 =	sld [smem:$0x3FAC]  }
0x30: {  	s3 =	sld [smem:$0x3FAF]  }
0x31: {  	[smem:$0x3FB8] =	sst s10  }
0x32: {  	s10 =	sld [smem:$0x3FB6];
	_ =	sdelay $0x3  }
0x33: {  	p0 =	seq.s32 s10, $0x1;
	s10 =	sld [smem:$0x3FB8];
	_ =	sdelay $0x3  }
0x34: {  	[smem:$0x3FB8] =	sst s10  }
0x35: {  	s10 =	sld [smem:$0x3FB7];
	_ =	sdelay $0x3  }
0x36: {  	p1 =	seq.s32 s10, $0x1;
	s10 =	sld [smem:$0x3FB8];
	_ =	sdelay $0x3  }
0x37: {  	[smem:$0x3FB8] =	sst s10  }
0x38: {  	s10 =	sld [smem:$0x3FB9]  }
0x39: {  	_ = 	snop;
	(pc) =	sbr.ind lr, $3  }
0x3a: {  	_ = 	snop  }
0x3b: {  	_ = 	snop  }
0x3c: {  	p2 =	seq.s32 s10, $0x1;
	s10 =	sld [smem:$0x3FB8]  }
0x3d: {  	_ =	shalt  }
0x3e: {  	_ =	shalt  }
0x3f: {  	_ =	shalt  }
0x40: {  	_ =	shalt  }
0x41: {  	_ =	shalt  }
0x42: {  	_ =	shalt  }
0x43: {  	_ =	shalt  }
0x44: {  	_ =	shalt  }
0x45: {  	_ =	shalt  }
0x46: {  	_ =	shalt  }
0x47: {  	_ =	shalt  }
0x48: {  	_ =	shalt  }
0x49: {  	_ =	shalt  }
0x4a: {  	_ =	shalt  }
0x4b: {  	_ =	shalt  }
0x4c: {  	_ =	shalt  }
0x4d: {  	_ =	shalt  }
0x4e: {  	_ =	shalt  }
0x4f: {  	_ =	shalt  }
0x50: {  	_ =	shalt  }
0x51: {  	_ =	shalt  }
0x52: {  	_ =	shalt  }
0x53: {  	_ =	shalt  }
0x54: {  	_ =	shalt  }
0x55: {  	_ =	shalt  }
0x56: {  	_ =	shalt  }
0x57: {  	_ =	shalt  }
0x58: {  	_ =	shalt  }
0x59: {  	_ =	shalt  }
0x5a: {  	_ =	shalt  }
0x5b: {  	_ =	shalt  }
0x5c: {  	_ =	shalt  }
0x5d: {  	_ =	shalt  }
0x5e: {  	_ =	shalt  }
0x5f: {  	_ =	shalt  }
0x60: {  	_ =	shalt  }
0x61: {  	_ =	shalt  }
0x62: {  	_ =	shalt  }
0x63: {  	_ =	shalt  }
0x64: {  	_ =	shalt  }
0x65: {  	_ =	shalt  }
0x66: {  	_ =	shalt  }
0x67: {  	_ =	shalt  }
0x68: {  	_ =	shalt  }
0x69: {  	_ =	shalt  }
0x6a: {  	_ =	shalt  }
0x6b: {  	_ =	shalt  }
0x6c: {  	_ =	shalt  }
0x6d: {  	_ =	shalt  }
0x6e: {  	_ =	shalt  }
0x6f: {  	_ =	shalt  }
0x70: {  	_ =	shalt  }
0x71: {  	_ =	shalt  }
0x72: {  	_ =	shalt  }
0x73: {  	_ =	shalt  }
0x74: {  	_ =	shalt  }
0x75: {  	_ =	shalt  }
0x76: {  	_ =	shalt  }
0x77: {  	_ =	shalt  }
0x78: {  	_ =	shalt  }
0x79: {  	_ =	shalt  }
0x7a: {  	_ =	shalt  }
0x7b: {  	_ =	shalt  }
0x7c: {  	_ =	shalt  }
0x7d: {  	_ =	shalt  }
0x7e: {  	_ =	shalt  }
0x7f: {  	_ =	shalt  }
0x80: {  	_ =	shalt  }
0x81: {  	_ =	shalt  }
0x82: {  	_ =	shalt  }
0x83: {  	_ =	shalt  }
0x84: {  	_ =	shalt  }
0x85: {  	_ =	shalt  }
0x86: {  	_ =	shalt  }
0x87: {  	_ =	shalt  }
.Lfunc_end0:
.L_simem_size_0:
called_computation_lowered:
.L_overlay_start_0:
0x88: {  	s2 =	sld [smem:$0x3FD9]  }
0x89: {  	s3 =	sld [smem:$0x3FFE];
	_ =	sdelay $0x1  }
0x8a: {  	s1 =	srdreg.scid  }
0x8b: {  	s0 =	sand.u32 $0x1, s1  }
0x8c: {  	s17 =	sshll.u32 s0, $0xA;
	s2 =	sadd.s32 s3, s2  }
0x8d: {  	s2 =	sadd.s32 s2, s17  }
0x8e: {  	[smem:$0x3FC4] =	sst s2  }
0x8f: {  	_ = 	snop  }
0x90: {  	s2 =	sld [smem:$0x3FD0];
	(tm) =	ssettm $0x1  }
0x91: {  	s18 =	sld [smem:$0x3FFB];
	_ =	sdelay $0x3  }
0x92: {  	_ =	strace s18  }
0x93: {  	s3 =	sld [smem:$0x3FFC];
	_ =	sdelay $0x3  }
0x94: {  	_ =	strace s3  }
0x95: {  	s3 =	sld [smem:$0x3FFD];
	_ =	sdelay $0x3  }
0x96: {  	_ =	strace s3  }
0x97: {  	_ =	strace $0x8FFFFFFF  }
0x98: {  	s19 =	sld [smem:$0x3FDB];
	_ =	sdelay $0x1  }
0x99: {  	s4 =	simm.s32 $_scs_section_size  }
0x9a: {  	s5 =	simm.s32 $_size__tile_overlayer_lowered;
	s6 =	simm.s32 $_tile_overlayer_lowered  }
0x9b: {  	s22 =	simm.s32 $0x1BFF;
	s21 =	sshll.u32 s6, $0x1;
	s3 =	sadd.s32 s4, s19  }
0x9c: {  	s7 =	simm.s32 $0x0;
	s20 =	sshll.u32 s5, $0x1;
	s5 =	sadd.s32 s21, s3  }
0x9d: {  	[timem:s7], [sflag:s22] =	dma.local [hbm:s5], s20  }
0x9e: {  	_ =	swait.ge [sflag:s22], s20  }
0x9f: {  	s4 =	ssub.s32 $0x0, s20;
	[sflag:s22] =	ssyncset.done $0x0  }
0xa0: {  	[sflag:s22] =	ssyncadd.s32 s4;
	_ =	sdelay $0x1  }
0xa1: {  	s23 =	simm.s32 $0x1B8B  }
0xa2: {  	_ =	swait.ge [sflag:s23], $0x1  }
0xa3: {  	[sflag:s23] =	ssyncset.done $0x0  }
0xa4: {  	s25 =	simm.s32 $0x1B8E;
	s24 =	sld [smem:$0x3FFE];
	[sflag:s23] =	ssyncadd.s32 $0xFFFFFFFF  }
0xa5: {  	s26 =	simm.s32 $execute0_lowered;
	[smem:$0x3FD2] =	sst s25  }
0xa6: {  	s5 =	sshll.u32 s26, $0x1;
	_ =	strace $0x80000046;
	[dreg:$0x1] =	wrdreg $0xFFFFFFFF  }
0xa7: {  	s28 =	simm.s32 $_size_execute0_lowered;
	s3 =	sadd.s32 s3, s5;
	[dreg:$0x0] =	wrdreg $0x0  }
0xa8: {  	s5 =	sshll.u32 s28, $0x1;
	[dreg:$0x2] =	wrdreg s3  }
0xa9: {  	[dreg:$0x3] =	wrdreg s5  }
0xaa: {  	[dreg:$0x4] =	wrdreg $0xC0  }
0xab: {  	_ =	task [dreg:s7], $0x5FFFF  }
0xac: {  	[dreg:$0x1] =	wrdreg $0xFFFFFFFF  }
0xad: {  	[dreg:$0x0] =	wrdreg $0x60  }
0xae: {  	[dreg:$0x2] =	wrdreg s2  }
0xaf: {  	[dreg:$0x3] =	wrdreg s24  }
0xb0: {  	[dreg:$0x4] =	wrdreg $0x0  }
0xb1: {  	[dreg:$0x5] =	wrdreg $0x9  }
0xb2: {  	_ =	task.clear_ibuf [dreg:s7], $0x6FFFF;
	_ =	strace $0x90000046  }
0xb3: {  	s29 =	simm.s32 $0x9;
	_ =	strace $0x80000048  }
0xb4: {  	_ =	swait.ge [sflag:s29], $0x1  }
0xb5: {  	[sflag:s29] =	ssyncadd.s32 $0xFFFFFFFF  }
0xb6: {  	_ =	strace $0x90000048  }
0xb7: {  	_ =	sfence  }
0xb8: {  	s30 =	sld [smem:$0x0];
	_ =	sdelay $0x2  }
0xb9: {  	s31 =	sshll.u32 s1, $0xD;
	s1 =	sshrl.u32 s1, $0x2  }
0xba: {  	s3 =	sand.u32 $0x4000, s31;
	s1 =	sadd.s32 s1, s30  }
0xbb: {  	s0 =	sor.u32 s3, s0;
	s1 =	sshll.u32 s1, $0x11  }
0xbc: {  	s0 =	sor.u32 s1, s0  }
0xbd: {  	s0 =	sadd.s32 $0x8F2B, s0  }
0xbe: {  	[sflag:s0] =	ssyncadd.remote.s32 $0x1  }
0xbf: {  	_ =	sfence.sel $0xFFFF  }
0xc0: {  	[dreg:$0x0] =	wrdreg $0xFFFFFFFF;
	(pc) =	sbr.abs _section_cstart, $3  }
0xc1: {  	[dreg:$0x1] =	wrdreg $0xFFFFFFFF  }
0xc2: {  	_ =	task.clear_ibuf [dreg:s7], $0x2FFFF;
	_ =	strace $0x9FFFFFFF  }
0xc3: {  	(tm) =	ssettm $0x7FFFFFFF  }
tec
execute0_lowered:
.L_overlay_start_1:
0x0: {  	(tag) =	ssettag $0x1  }
0x1: {  	s0 =	rddreg [dreg:$0x0]  }
0x2: {  	s1 =	rddreg [dreg:$0x1]  }
0x3: {  	s2 =	rddreg [dreg:$0x2];
	s3 =	simm.s32 $0x0  }
0x4: {  	s4 =	srdreg.scid;
	s12 =	stileid.u32;
	s13 =	simm.s32 $0x40  }
0x5: {  	s14 =	simm.s32 $0x2B90;
	s15 =	simm.s32 $0x2810;
	s16 =	simm.s32 $0x4B90  }
0x6: {  	s17 =	simm.s32 $0x2890;
	s18 =	simm.s32 $0x6B90;
	s19 =	simm.s32 $0x2910  }
0x7: {  	s20 =	simm.s32 $0x8B90;
	s21 =	simm.s32 $0x1;
	s22 =	simm.s32 $0x2990  }
0x8: {  	s23 =	simm.s32 $0x2;
	s24 =	simm.s32 $0x2A10;
	s25 =	simm.s32 $0x3  }
0x9: {  	s28 =	simm.s32 $0x4;
	s29 =	simm.s32 $0x2B10;
	s26 =	smul.u32 $0x4E000, s12  }
0xa: {  	s30 =	simm.s32 $0x0;
	[smem:$0x7FF] =	sst s3;
	s9 =	smul.u32 $0x13800, s12  }
0xb: {  	s6 =	sand.u32 $0x1, s4;
	s1 =	sadd.s32 $0x15E00, s1;
	s10 =	smul.u32 $0x1400, s12  }
0xc: {  	p0 =	sne.s32 s12, $0xF;
	s12 =	simm.s32 $0x2790;
	s7 =	smul.u32 $0x138800, s6  }
0xd: {  	_ =	strace $0x80000047;
	s5 =	ssub.s32 $0x2, s6;
	s11 =	smul.u32 $0xA00, s6  }
0xe: {  	s8 =	sshrl.u32 s5, $0x1;
	s4 =	sshrl.u32 s26, $0x2;
	s0 =	sadd.s32 s10, s0  }
0xf: {  	s10 =	simm.s32 $0xAB90;
	s26 =	simm.s32 $0x2A90;
	s8 =	ssub.s32 s5, s8  }
0x10: {  	s4 =	sadd.s32 s4, s2;
	s5 =	sadd.s32 $0x138000, s2;
	s9 =	sadd.s32 s9, s7  }
0x11: {  	s7 =	sshrl.u32 s7, $0x3;
	s9 =	sshrl.u32 s9, $0x3;
	s8 =	smax.u32 s8, $0x1  }
0x12: {  	s31 =	sadd.s32 s1, s9;
	s1 =	sadd.s32 s1, s7;
	s9 =	sadd.s32 s11, s0  }
0x13: {  	v0 =	vimm.f32 $1.000000000e+00;
	v1 =	vimm.f32 $0.0e+00;
	s11 =	simm.s32 $0x5;
	[dreg:$0x4] =	wrdreg s31;
	s7 =	sadd.s32 $0x27000, s1  }
.LBB2_1:
0x14: {  	s0 =	simm.s32 $0x200;
	s1 =	simm.s32 $0x0  }
.LBB2_2:
0x15: {  	p1 =	sne.s32 s0, $0x7E00;
	[tilespmem:s1+$0x2B90] =	vst v0;
	s1 =	smov.u32 s0;
	s0 =	sadd.s32 $0x200, s0  }
.Ltmp0:
0x16: {  	(pc) =	sbr.rel @p1 .LBB2_2-.Ltmp0, $2  }
0x17: {  	_ =	sdelay $0x2  }
0x18: {  	s1 =	sshra.s32 s1, $0x2  }
0x19: {  	[tilespmem:s1+$0x2B90] =	vst v0;
	s0 =	simm.s32 $0x200;
	s1 =	simm.s32 $0x0  }
.LBB2_4:
0x1a: {  	p1 =	sne.s32 s0, $0x7E00;
	[tilespmem:s1+$0x4B90] =	vst v0;
	s1 =	smov.u32 s0;
	s0 =	sadd.s32 $0x200, s0  }
.Ltmp1:
0x1b: {  	(pc) =	sbr.rel @p1 .LBB2_4-.Ltmp1, $2  }
0x1c: {  	_ =	sdelay $0x2  }
0x1d: {  	s1 =	sshra.s32 s1, $0x2  }
0x1e: {  	[tilespmem:s1+$0x4B90] =	vst v0;
	s0 =	simm.s32 $0x200;
	s1 =	simm.s32 $0x0  }
.LBB2_6:
0x1f: {  	p1 =	sne.s32 s0, $0x7E00;
	[tilespmem:s1+$0x6B90] =	vst v0;
	s1 =	smov.u32 s0;
	s0 =	sadd.s32 $0x200, s0  }
.Ltmp2:
0x20: {  	(pc) =	sbr.rel @p1 .LBB2_6-.Ltmp2, $2  }
0x21: {  	_ =	sdelay $0x2  }
0x22: {  	s1 =	sshra.s32 s1, $0x2  }
0x23: {  	[tilespmem:s1+$0x6B90] =	vst v0;
	s0 =	simm.s32 $0x200;
	s1 =	simm.s32 $0x0  }
.LBB2_8:
0x24: {  	p1 =	sne.s32 s0, $0x7E00;
	[tilespmem:s1+$0x8B90] =	vst v0;
	s1 =	smov.u32 s0;
	s0 =	sadd.s32 $0x200, s0  }
.Ltmp3:
0x25: {  	(pc) =	sbr.rel @p1 .LBB2_8-.Ltmp3, $2  }
0x26: {  	_ =	sdelay $0x2  }
0x27: {  	s1 =	sshra.s32 s1, $0x2  }
0x28: {  	[tilespmem:s1+$0x8B90] =	vst v0;
	s0 =	simm.s32 $0x200;
	s1 =	simm.s32 $0x0  }
.LBB2_10:
0x29: {  	p1 =	sne.s32 s0, $0x4DE00;
	[tilespmem:s1+$0xAB90] =	vst v1;
	s1 =	smov.u32 s0;
	s0 =	sadd.s32 $0x200, s0  }
.Ltmp4:
0x2a: {  	(pc) =	sbr.rel @p1 .LBB2_10-.Ltmp4, $2  }
0x2b: {  	_ =	sdelay $0x2  }
0x2c: {  	s1 =	sshra.s32 s1, $0x2  }
0x2d: {  	[tilespmem:s1+$0xAB90] =	vst v1  }
0x2e: {  	[spmem:s4] =	stream.linear.scatter [tilespmem:s10], [sflag:$0x5], $0x13800, $0x38;
	[tilespmem:$0x1EB90] =	vst v63  }
0x2f: {  	_ =	swait.ge [sflag:s11], $0x13800  }
0x30: {  	[sflag:s11] =	ssyncset.done $0x0  }
0x31: {  	s0 =	simm.s32 @!p0 $0xAB90;
	[sflag:s11] =	ssyncadd.s32 $0xFFFEC800  }
0x32: {  	[spmem:s5] =	stream.linear.scatter @!p0 [tilespmem:s0], [sflag:$0x5], $0x4800, $0x38;
	[tilespmem:$0x1EB90] =	vst v63  }
0x33: {  	s0 =	simm.s32 @!p0 $0x5  }
0x34: {  	_ =	swait.ge @!p0 [sflag:s0], $0x4800  }
0x35: {  	[sflag:s0] =	ssyncset.done @!p0 $0x0  }
0x36: {  	[sflag:s0] =	ssyncadd.s32 @!p0 $0xFFFFB800  }
0x37: {  	s6 =	sadd.s32 $0x0, s9;
	[bflag:$0x0] =	sbarrier.arrive $0xFFFF  }
0x38: {  	[tilespmem:s12], [sflag:$0x5] =	stream.linear.gather [hbm4b:s6+s3], $0x400, $0x38;
	[tilespmem:$0x1EB90] =	vst v63  }
0x39: {  	_ =	swait.ge [sflag:s11], $0x400  }
0x3a: {  	[sflag:s11] =	ssyncset.done $0x0  }
0x3b: {  	[sflag:s11] =	ssyncadd.s32 $0xFFFFFC00  }
0x3c: {  	[spmem:s2] =	stream.indirect.scatter.add.f32 [tilespmem:s14], [sflag:$0x1], $0x10, s12, s13, $0xb8;
	[tilespmem:$0x1EB90] =	vst v63  }
0x3d: {  	_ = 	snop  }
0x3e: {  	[spmem:s2] =	stream.indirect.scatter.add.f32 [tilespmem:s16], [sflag:$0x2], $0x10, s15, s13, $0xb8;
	[tilespmem:$0x1EB90] =	vst v63  }
0x3f: {  	_ = 	snop  }
0x40: {  	[spmem:s2] =	stream.indirect.scatter.add.f32 [tilespmem:s18], [sflag:$0x3], $0x10, s17, s13, $0xb8;
	[tilespmem:$0x1EB90] =	vst v63  }
0x41: {  	_ = 	snop  }
0x42: {  	[spmem:s2] =	stream.indirect.scatter.add.f32 [tilespmem:s20], [sflag:$0x4], $0x10, s19, s13, $0xb8;
	[tilespmem:$0x1EB90] =	vst v63  }
0x43: {  	_ =	swait.ge [sflag:s21], $0x400  }
0x44: {  	[sflag:s21] =	ssyncset.done $0x0  }
0x45: {  	[sflag:s21] =	ssyncadd.s32 $0xFFFFFC00  }
0x46: {  	[spmem:s2] =	stream.indirect.scatter.add.f32 [tilespmem:s14], [sflag:$0x1], $0x10, s22, s13, $0xb8;
	[tilespmem:$0x1EB90] =	vst v63  }
0x47: {  	_ =	swait.ge [sflag:s23], $0x400  }
0x48: {  	[sflag:s23] =	ssyncset.done $0x0  }
0x49: {  	[sflag:s23] =	ssyncadd.s32 $0xFFFFFC00  }
0x4a: {  	[spmem:s2] =	stream.indirect.scatter.add.f32 [tilespmem:s16], [sflag:$0x2], $0x10, s24, s13, $0xb8;
	[tilespmem:$0x1EB90] =	vst v63  }
0x4b: {  	_ =	swait.ge [sflag:s25], $0x400  }
0x4c: {  	[sflag:s25] =	ssyncset.done $0x0  }
0x4d: {  	[sflag:s25] =	ssyncadd.s32 $0xFFFFFC00  }
0x4e: {  	[spmem:s2] =	stream.indirect.scatter.add.f32 [tilespmem:s18], [sflag:$0x3], $0x10, s26, s13, $0xb8;
	[tilespmem:$0x1EB90] =	vst v63  }
0x4f: {  	_ =	swait.ge [sflag:s28], $0x400  }
0x50: {  	[sflag:s28] =	ssyncset.done $0x0  }
0x51: {  	[sflag:s28] =	ssyncadd.s32 $0xFFFFFC00  }
0x52: {  	[spmem:s2] =	stream.indirect.scatter.add.f32 [tilespmem:s20], [sflag:$0x4], $0x10, s29, s13, $0xb8;
	[tilespmem:$0x1EB90] =	vst v63  }
0x53: {  	_ =	swait.ge [sflag:s21], $0x400  }
0x54: {  	[sflag:s21] =	ssyncset.done $0x0  }
0x55: {  	[sflag:s21] =	ssyncadd.s32 $0xFFFFFC00  }
0x56: {  	_ =	swait.ge [sflag:s23], $0x400  }
0x57: {  	[sflag:s23] =	ssyncset.done $0x0  }
0x58: {  	[sflag:s23] =	ssyncadd.s32 $0xFFFFFC00  }
0x59: {  	_ =	swait.ge [sflag:s25], $0x400  }
0x5a: {  	[sflag:s25] =	ssyncset.done $0x0  }
0x5b: {  	[sflag:s25] =	ssyncadd.s32 $0xFFFFFC00  }
0x5c: {  	_ =	swait.ge [sflag:s28], $0x400  }
0x5d: {  	s31 =	simm.s32 $0x80;
	s0 =	simm.s32 $0x100;
	[sflag:s28] =	ssyncset.done $0x0  }
.LBB2_12:
0x5e: {  	s6 =	sadd.s32 s31, s9  }
0x5f: {  	[sflag:s28] =	ssyncadd.s32 $0xFFFFFC00;
	s31 =	smov.u32 s0;
	s1 =	sadd.s32 $0x80, s0  }
0x60: {  	[tilespmem:s12], [sflag:$0x5] =	stream.linear.gather [hbm4b:s6+s3], $0x400, $0x38;
	[tilespmem:$0x1EB90] =	vst v63  }
0x61: {  	p1 =	sne.s32 s0, $0x980;
	_ =	swait.ge [sflag:s11], $0x400  }
0x62: {  	[sflag:s11] =	ssyncset.done $0x0  }
0x63: {  	[sflag:s11] =	ssyncadd.s32 $0xFFFFFC00  }
0x64: {  	[spmem:s2] =	stream.indirect.scatter.add.f32 [tilespmem:s14], [sflag:$0x1], $0x10, s12, s13, $0xb8;
	[tilespmem:$0x1EB90] =	vst v63  }
0x65: {  	_ = 	snop  }
0x66: {  	[spmem:s2] =	stream.indirect.scatter.add.f32 [tilespmem:s16], [sflag:$0x2], $0x10, s15, s13, $0xb8;
	[tilespmem:$0x1EB90] =	vst v63  }
0x67: {  	_ = 	snop  }
0x68: {  	[spmem:s2] =	stream.indirect.scatter.add.f32 [tilespmem:s18], [sflag:$0x3], $0x10, s17, s13, $0xb8;
	[tilespmem:$0x1EB90] =	vst v63  }
0x69: {  	_ = 	snop  }
0x6a: {  	[spmem:s2] =	stream.indirect.scatter.add.f32 [tilespmem:s20], [sflag:$0x4], $0x10, s19, s13, $0xb8;
	[tilespmem:$0x1EB90] =	vst v63  }
0x6b: {  	_ =	swait.ge [sflag:s21], $0x400  }
0x6c: {  	[sflag:s21] =	ssyncset.done $0x0  }
0x6d: {  	[sflag:s21] =	ssyncadd.s32 $0xFFFFFC00  }
0x6e: {  	[spmem:s2] =	stream.indirect.scatter.add.f32 [tilespmem:s14], [sflag:$0x1], $0x10, s22, s13, $0xb8;
	[tilespmem:$0x1EB90] =	vst v63  }
0x6f: {  	_ =	swait.ge [sflag:s23], $0x400  }
0x70: {  	[sflag:s23] =	ssyncset.done $0x0  }
0x71: {  	[sflag:s23] =	ssyncadd.s32 $0xFFFFFC00  }
0x72: {  	[spmem:s2] =	stream.indirect.scatter.add.f32 [tilespmem:s16], [sflag:$0x2], $0x10, s24, s13, $0xb8;
	[tilespmem:$0x1EB90] =	vst v63  }
0x73: {  	_ =	swait.ge [sflag:s25], $0x400  }
0x74: {  	[sflag:s25] =	ssyncset.done $0x0  }
0x75: {  	[sflag:s25] =	ssyncadd.s32 $0xFFFFFC00  }
0x76: {  	[spmem:s2] =	stream.indirect.scatter.add.f32 [tilespmem:s18], [sflag:$0x3], $0x10, s26, s13, $0xb8;
	[tilespmem:$0x1EB90] =	vst v63  }
0x77: {  	_ =	swait.ge [sflag:s28], $0x400  }
0x78: {  	[sflag:s28] =	ssyncset.done $0x0  }
0x79: {  	[sflag:s28] =	ssyncadd.s32 $0xFFFFFC00  }
0x7a: {  	[spmem:s2] =	stream.indirect.scatter.add.f32 [tilespmem:s20], [sflag:$0x4], $0x10, s29, s13, $0xb8;
	[tilespmem:$0x1EB90] =	vst v63  }
0x7b: {  	_ =	swait.ge [sflag:s21], $0x400  }
0x7c: {  	[sflag:s21] =	ssyncset.done $0x0  }
0x7d: {  	[sflag:s21] =	ssyncadd.s32 $0xFFFFFC00  }
0x7e: {  	_ =	swait.ge [sflag:s23], $0x400  }
0x7f: {  	[sflag:s23] =	ssyncset.done $0x0  }
0x80: {  	[sflag:s23] =	ssyncadd.s32 $0xFFFFFC00  }
.Ltmp5:
0x81: {  	_ =	swait.ge [sflag:s25], $0x400;
	(pc) =	sbr.rel @p1 .LBB2_12-.Ltmp5, $4  }
0x82: {  	[sflag:s25] =	ssyncset.done $0x0  }
0x83: {  	[sflag:s25] =	ssyncadd.s32 $0xFFFFFC00  }
0x84: {  	_ =	swait.ge [sflag:s28], $0x400  }
0x85: {  	s0 =	smov.u32 s1;
	[sflag:s28] =	ssyncset.done $0x0  }
0x86: {  	s0 =	sadd.s32 s31, s9;
	[sflag:s28] =	ssyncadd.s32 $0xFFFFFC00  }
0x87: {  	[tilespmem:s12], [sflag:$0x5] =	stream.linear.gather [hbm4b:s0+s3], $0x400, $0x38;
	[tilespmem:$0x1EB90] =	vst v63  }
0x88: {  	_ =	swait.ge [sflag:s11], $0x400  }
0x89: {  	[sflag:s11] =	ssyncset.done $0x0  }
0x8a: {  	[sflag:s11] =	ssyncadd.s32 $0xFFFFFC00  }
0x8b: {  	[spmem:s2] =	stream.indirect.scatter.add.f32 [tilespmem:s14], [sflag:$0x1], $0x10, s12, s13, $0xb8;
	[tilespmem:$0x1EB90] =	vst v63  }
0x8c: {  	_ = 	snop  }
0x8d: {  	[spmem:s2] =	stream.indirect.scatter.add.f32 [tilespmem:s16], [sflag:$0x2], $0x10, s15, s13, $0xb8;
	[tilespmem:$0x1EB90] =	vst v63  }
0x8e: {  	_ = 	snop  }
0x8f: {  	[spmem:s2] =	stream.indirect.scatter.add.f32 [tilespmem:s18], [sflag:$0x3], $0x10, s17, s13, $0xb8;
	[tilespmem:$0x1EB90] =	vst v63  }
0x90: {  	_ = 	snop  }
0x91: {  	[spmem:s2] =	stream.indirect.scatter.add.f32 [tilespmem:s20], [sflag:$0x4], $0x10, s19, s13, $0xb8;
	[tilespmem:$0x1EB90] =	vst v63  }
0x92: {  	_ =	swait.ge [sflag:s21], $0x400  }
0x93: {  	[sflag:s21] =	ssyncset.done $0x0  }
0x94: {  	[sflag:s21] =	ssyncadd.s32 $0xFFFFFC00  }
0x95: {  	[spmem:s2] =	stream.indirect.scatter.add.f32 [tilespmem:s14], [sflag:$0x1], $0x10, s22, s13, $0xb8;
	[tilespmem:$0x1EB90] =	vst v63  }
0x96: {  	_ =	swait.ge [sflag:s23], $0x400  }
0x97: {  	[sflag:s23] =	ssyncset.done $0x0  }
0x98: {  	[sflag:s23] =	ssyncadd.s32 $0xFFFFFC00  }
0x99: {  	[spmem:s2] =	stream.indirect.scatter.add.f32 [tilespmem:s16], [sflag:$0x2], $0x10, s24, s13, $0xb8;
	[tilespmem:$0x1EB90] =	vst v63  }
0x9a: {  	_ =	swait.ge [sflag:s25], $0x400  }
0x9b: {  	[sflag:s25] =	ssyncset.done $0x0  }
0x9c: {  	[sflag:s25] =	ssyncadd.s32 $0xFFFFFC00  }
0x9d: {  	[spmem:s2] =	stream.indirect.scatter.add.f32 [tilespmem:s18], [sflag:$0x3], $0x10, s26, s13, $0xb8;
	[tilespmem:$0x1EB90] =	vst v63  }
0x9e: {  	_ =	swait.ge [sflag:s28], $0x400  }
0x9f: {  	[sflag:s28] =	ssyncset.done $0x0  }
0xa0: {  	[sflag:s28] =	ssyncadd.s32 $0xFFFFFC00  }
0xa1: {  	[spmem:s2] =	stream.indirect.scatter.add.f32 [tilespmem:s20], [sflag:$0x4], $0x10, s29, s13, $0xb8;
	[tilespmem:$0x1EB90] =	vst v63  }
0xa2: {  	_ =	swait.ge [sflag:s21], $0x400  }
0xa3: {  	[sflag:s21] =	ssyncset.done $0x0  }
0xa4: {  	[sflag:s21] =	ssyncadd.s32 $0xFFFFFC00  }
0xa5: {  	_ =	swait.ge [sflag:s23], $0x400  }
0xa6: {  	[sflag:s23] =	ssyncset.done $0x0  }
0xa7: {  	[sflag:s23] =	ssyncadd.s32 $0xFFFFFC00  }
0xa8: {  	_ =	swait.ge [sflag:s25], $0x400  }
0xa9: {  	[sflag:s25] =	ssyncset.done $0x0  }
0xaa: {  	[sflag:s25] =	ssyncadd.s32 $0xFFFFFC00  }
0xab: {  	_ =	swait.ge [sflag:s28], $0x400  }
0xac: {  	[sflag:s28] =	ssyncset.done $0x0  }
0xad: {  	[sflag:s28] =	ssyncadd.s32 $0xFFFFFC00  }
0xae: {  	[bflag:$0x0] =	sbarrier.arrive $0xFFFF  }
0xaf: {  	[tilespmem:s10], [sflag:$0x5] =	stream.linear.gather [spmem:s4], $0x13800, $0x38;
	[tilespmem:$0x1EB90] =	vst v63  }
0xb0: {  	_ =	swait.ge [sflag:s11], $0x13800  }
0xb1: {  	[sflag:s11] =	ssyncset.done $0x0  }
0xb2: {  	s31 =	rddreg [dreg:$0x4];
	[sflag:s11] =	ssyncadd.s32 $0xFFFEC800  }
0xb3: {  	[hbm4b:s31+s3] =	stream.linear.scatter [tilespmem:s10], [sflag:$0x5], $0x13800, $0x38;
	[tilespmem:$0x1EB90] =	vst v63  }
0xb4: {  	_ =	swait.ge [sflag:s11], $0x13800  }
0xb5: {  	[sflag:s11] =	ssyncset.done $0x0  }
0xb6: {  	s1 =	simm.s32 @!p0 $0x5;
	s0 =	simm.s32 @!p0 $0x1E390;
	[sflag:s11] =	ssyncadd.s32 $0xFFFEC800  }
0xb7: {  	[tilespmem:s0], [sflag:$0x5] =	stream.linear.gather @!p0 [spmem:s5], $0x800, $0x38;
	[tilespmem:$0x1EB90] =	vst v63  }
0xb8: {  	s30 =	sadd.s32 $0x1, s30;
	_ =	swait.ge @!p0 [sflag:s1], $0x800  }
0xb9: {  	p1 =	sne.s32 s30, s8;
	[sflag:s1] =	ssyncset.done @!p0 $0x0  }
.Ltmp6:
0xba: {  	s6 =	simm.s32 @!p0 $0x0;
	[sflag:s1] =	ssyncadd.s32 @!p0 $0xFFFFF800;
	(pc) =	sbr.rel @p1 .LBB2_1-.Ltmp6, $4  }
0xbb: {  	[hbm4b:s7+s6] =	stream.linear.scatter @!p0 [tilespmem:s0], [sflag:$0x5], $0x800, $0x38;
	[tilespmem:$0x1EB90] =	vst v63  }
0xbc: {  	_ =	swait.ge @!p0 [sflag:s1], $0x800  }
0xbd: {  	[sflag:s1] =	ssyncset.done @!p0 $0x0  }
0xbe: {  	[sflag:s1] =	ssyncadd.s32 @!p0 $0xFFFFF800  }
0xbf: {  	_ =	sfence.sel $0x180000  }
0xc0: {  	[bflag:$0x0] =	sbarrier.arrive $0xFFFF  }
0xc1: {  	_ =	strace $0x90000047  }
0xc2: {  	s0 =	stileid.u32;
	[bflag:$0x2] =	sbarrier.arrive $0xFFFF  }
0xc3: {  	p0 =	sne.s32 s0, $0x0;
	s0 =	rddreg [dreg:$0x3]  }
0xc4: {  	s0 =	sadd.s32 @!p0 $0x100000, s0  }
0xc5: {  	[sflag:s0] =	ssyncadd.tile.s32 @!p0 $0x1;
	_ =	shalt  }
.Lfunc_end2:
_tile_overlayer_lowered:
.L_overlay_start_2:
0xc6: {  	(tag) =	ssettag $0x2  }
0xc7: {  	s0 =	rddreg [dreg:$0x0];
	s2 =	stileid.u32  }
0xc8: {  	s1 =	rddreg [dreg:$0x1];
	p0 =	sne.s32 s2, $0x0  }
0xc9: {  	s3 =	rddreg [dreg:$0x2];
	[bflag:$0x3] =	sbarrier.arrive $0xFFFF;
	s2 =	simm.s32 @!p0 $0x1C05  }
0xca: {  	[timem:s3], [sflag:s2] =	dma.local @!p0 [hbm:s0], s1  }
0xcb: {  	s0 =	simm.s32 @!p0 $0x5  }
0xcc: {  	_ =	swait.ge @!p0 [sflag:s0], s1  }
0xcd: {  	s1 =	ssub.s32 @!p0 $0x0, s1;
	[sflag:s0] =	ssyncset.done @!p0 $0x0  }
0xce: {  	[sflag:s0] =	ssyncadd.s32 @!p0 s1  }
0xcf: {  	[bflag:$0x3] =	sbarrier.arrive $0xFFFF  }
0xd0: {  	_ =	shalt  }

// kernel: kernel.9.cloned.1.call-start
scs
__scs_entry_jumppad:
0x0: {  	(pc) =	sbr.rel $0x88, $3  }
0x1: {  	(tag) =	ssettag $0x0;
	lr =	simm.s32 $0x1  }
0x2: {  	[smem:$0x3F9D] =	sst lr;
	_ =	strace $0xD0000000  }
0x3: {  	_ = 	snop  }
0x4: {  	_ = 	snop  }
0x5: {  	_ = 	snop  }
0x6: {  	_ = 	snop  }
0x7: {  	_ = 	snop  }
__scs_overlays_trampoline_lowered:
0x8: {  	[smem:$0x3FAC] =	sst s0  }
0x9: {  	[smem:$0x3FAD] =	sst s1  }
0xa: {  	[smem:$0x3FAE] =	sst s2  }
0xb: {  	[smem:$0x3FAF] =	sst s3  }
0xc: {  	[smem:$0x3FB0] =	sst s4  }
0xd: {  	[smem:$0x3FB1] =	sst s5  }
0xe: {  	[smem:$0x3FB2] =	sst s6  }
0xf: {  	[smem:$0x3FB3] =	sst s7  }
0x10: {  	[smem:$0x3FB4] =	sst s8  }
0x11: {  	[smem:$0x3FB5] =	sst s9;
	s0 =	simm.s32 @!p0 $0x0  }
0x12: {  	s1 =	sld [smem:$0x3F9B];
	s0 =	simm.s32 @p0 $0x1  }
0x13: {  	[smem:$0x3FB6] =	sst s0;
	s0 =	simm.s32 @!p1 $0x0  }
0x14: {  	s2 =	sld [smem:$0x3F9A];
	s0 =	simm.s32 @p1 $0x1  }
0x15: {  	[smem:$0x3FB7] =	sst s0;
	s0 =	simm.s32 @!p2 $0x0  }
0x16: {  	s3 =	sld [smem:$0x3FDB];
	s0 =	simm.s32 @p2 $0x1  }
0x17: {  	s4 =	simm.s32 $0x1BF5;
	[smem:$0x3FB9] =	sst s0  }
0x18: {  	s0 =	sld [smem:$0x3F9C];
	_ =	swait.ge [sflag:s4], $0x0  }
0x19: {  	s7 =	sld [smem:$0x3F9D]  }
0x1a: {  	s8 =	sadd.s32 $0xFFFFE003, lr  }
0x1b: {  	s9 =	sadd.s32 $0xFFFFFEF7, lr;
	s5 =	simm.s32 $0xFFFFFFFF;
	p2 =	slt.u32 s8, $0xFFFFF086  }
0x1c: {  	p1 =	slt.u32 s9, $0xF7A;
	s5 =	simm.s32 @!p2 $0x0  }
0x1d: {  	s5 =	simm.s32 @p1 $0x1;
	p0 =	seq.s32 s7, s2  }
0x1e: {  	s7 =	smul.u32 @!p0 $0xF7A, s2;
	p2 =	seq.s32 @!p0 s5, $0x0  }
0x1f: {  	s9 =	smul.u32 $0xF7A, s1;
	s8 =	simm.s32 @!p0 $0x1BF5;
	p2 =	por !p2, p0  }
0x20: {  	[sflag:s8] =	ssyncset.s32 @!p0 $0xFFFFF086;
	s6 =	sadd.s32 @!p0 s3, s7;
	s7 =	simm.s32 @!p0 $0x108  }
0x21: {  	s3 =	sadd.s32 s3, s9;
	s6 =	sadd.s32 @!p0 $0x88, s6;
	s7 =	simm.s32 @p2 $0x1082  }
0x22: {  	[simem:s7], [sflag:s8] =	dma.local @!p0 [hbm:s6], $0xF7A  }
0x23: {  	s9 =	sor.u32 $0xD0000000, s2;
	s6 =	simm.s32 $0x108;
	_ =	swait.ge @!p0 [sflag:s8], $0x0  }
0x24: {  	s3 =	sadd.s32 $0x88, s3;
	s6 =	simm.s32 @!p1 $0x1082;
	[sflag:s4] =	ssyncset.s32 $0xFFFFF086  }
0x25: {  	[simem:s6], [sflag:s4] =	dma.local [hbm:s3], $0xF7A  }
0x26: {  	[smem:$0x3F9D] =	sst s1;
	(tag) =	ssettag s2;
	_ =	strace s9  }
0x27: {  	s1 =	sld [smem:$0x3FAD]  }
0x28: {  	s2 =	sld [smem:$0x3FAE]  }
0x29: {  	s4 =	sld [smem:$0x3FB0]  }
0x2a: {  	p0 =	seq.s32 s5, $0x0;
	s5 =	sld [smem:$0x3FB1]  }
0x2b: {  	s6 =	sld [smem:$0x3FB2]  }
0x2c: {  	s7 =	sld [smem:$0x3FB3]  }
0x2d: {  	s3 =	simm.s32 $0x108;
	s8 =	sld [smem:$0x3FB4]  }
0x2e: {  	s3 =	simm.s32 @!p0 $0x1082;
	s9 =	sld [smem:$0x3FB5]  }
0x2f: {  	lr =	sadd.s32 s0, s3;
	s0 =	sld [smem:$0x3FAC]  }
0x30: {  	s3 =	sld [smem:$0x3FAF]  }
0x31: {  	[smem:$0x3FB8] =	sst s10  }
0x32: {  	s10 =	sld [smem:$0x3FB6];
	_ =	sdelay $0x3  }
0x33: {  	p0 =	seq.s32 s10, $0x1;
	s10 =	sld [smem:$0x3FB8];
	_ =	sdelay $0x3  }
0x34: {  	[smem:$0x3FB8] =	sst s10  }
0x35: {  	s10 =	sld [smem:$0x3FB7];
	_ =	sdelay $0x3  }
0x36: {  	p1 =	seq.s32 s10, $0x1;
	s10 =	sld [smem:$0x3FB8];
	_ =	sdelay $0x3  }
0x37: {  	[smem:$0x3FB8] =	sst s10  }
0x38: {  	s10 =	sld [smem:$0x3FB9]  }
0x39: {  	_ = 	snop;
	(pc) =	sbr.ind lr, $3  }
0x3a: {  	_ = 	snop  }
0x3b: {  	_ = 	snop  }
0x3c: {  	p2 =	seq.s32 s10, $0x1;
	s10 =	sld [smem:$0x3FB8]  }
0x3d: {  	_ =	shalt  }
0x3e: {  	_ =	shalt  }
0x3f: {  	_ =	shalt  }
0x40: {  	_ =	shalt  }
0x41: {  	_ =	shalt  }
0x42: {  	_ =	shalt  }
0x43: {  	_ =	shalt  }
0x44: {  	_ =	shalt  }
0x45: {  	_ =	shalt  }
0x46: {  	_ =	shalt  }
0x47: {  	_ =	shalt  }
0x48: {  	_ =	shalt  }
0x49: {  	_ =	shalt  }
0x4a: {  	_ =	shalt  }
0x4b: {  	_ =	shalt  }
0x4c: {  	_ =	shalt  }
0x4d: {  	_ =	shalt  }
0x4e: {  	_ =	shalt  }
0x4f: {  	_ =	shalt  }
0x50: {  	_ =	shalt  }
0x51: {  	_ =	shalt  }
0x52: {  	_ =	shalt  }
0x53: {  	_ =	shalt  }
0x54: {  	_ =	shalt  }
0x55: {  	_ =	shalt  }
0x56: {  	_ =	shalt  }
0x57: {  	_ =	shalt  }
0x58: {  	_ =	shalt  }
0x59: {  	_ =	shalt  }
0x5a: {  	_ =	shalt  }
0x5b: {  	_ =	shalt  }
0x5c: {  	_ =	shalt  }
0x5d: {  	_ =	shalt  }
0x5e: {  	_ =	shalt  }
0x5f: {  	_ =	shalt  }
0x60: {  	_ =	shalt  }
0x61: {  	_ =	shalt  }
0x62: {  	_ =	shalt  }
0x63: {  	_ =	shalt  }
0x64: {  	_ =	shalt  }
0x65: {  	_ =	shalt  }
0x66: {  	_ =	shalt  }
0x67: {  	_ =	shalt  }
0x68: {  	_ =	shalt  }
0x69: {  	_ =	shalt  }
0x6a: {  	_ =	shalt  }
0x6b: {  	_ =	shalt  }
0x6c: {  	_ =	shalt  }
0x6d: {  	_ =	shalt  }
0x6e: {  	_ =	shalt  }
0x6f: {  	_ =	shalt  }
0x70: {  	_ =	shalt  }
0x71: {  	_ =	shalt  }
0x72: {  	_ =	shalt  }
0x73: {  	_ =	shalt  }
0x74: {  	_ =	shalt  }
0x75: {  	_ =	shalt  }
0x76: {  	_ =	shalt  }
0x77: {  	_ =	shalt  }
0x78: {  	_ =	shalt  }
0x79: {  	_ =	shalt  }
0x7a: {  	_ =	shalt  }
0x7b: {  	_ =	shalt  }
0x7c: {  	_ =	shalt  }
0x7d: {  	_ =	shalt  }
0x7e: {  	_ =	shalt  }
0x7f: {  	_ =	shalt  }
0x80: {  	_ =	shalt  }
0x81: {  	_ =	shalt  }
0x82: {  	_ =	shalt  }
0x83: {  	_ =	shalt  }
0x84: {  	_ =	shalt  }
0x85: {  	_ =	shalt  }
0x86: {  	_ =	shalt  }
0x87: {  	_ =	shalt  }
.Lfunc_end0:
.L_simem_size_0:
called_computation.1_lowered:
.L_overlay_start_0:
0x88: {  	s2 =	sld [smem:$0x3FD9]  }
0x89: {  	s3 =	sld [smem:$0x3FFE];
	_ =	sdelay $0x1  }
0x8a: {  	s1 =	srdreg.scid  }
0x8b: {  	s0 =	sand.u32 $0x1, s1  }
0x8c: {  	s17 =	sshll.u32 s0, $0xA;
	s2 =	sadd.s32 s3, s2  }
0x8d: {  	s2 =	sadd.s32 s2, s17  }
0x8e: {  	[smem:$0x3FC4] =	sst s2  }
0x8f: {  	_ = 	snop  }
0x90: {  	s2 =	sld [smem:$0x3FD0];
	(tm) =	ssettm $0x1  }
0x91: {  	s18 =	sld [smem:$0x3FFB];
	_ =	sdelay $0x3  }
0x92: {  	_ =	strace s18  }
0x93: {  	s3 =	sld [smem:$0x3FFC];
	_ =	sdelay $0x3  }
0x94: {  	_ =	strace s3  }
0x95: {  	s3 =	sld [smem:$0x3FFD];
	_ =	sdelay $0x3  }
0x96: {  	_ =	strace s3  }
0x97: {  	_ =	strace $0x8FFFFFFF  }
0x98: {  	s19 =	sld [smem:$0x3FDB];
	_ =	sdelay $0x1  }
0x99: {  	s4 =	simm.s32 $_scs_section_size  }
0x9a: {  	s5 =	simm.s32 $_size__tile_overlayer_lowered;
	s6 =	simm.s32 $_tile_overlayer_lowered  }
0x9b: {  	s22 =	simm.s32 $0x1BFF;
	s21 =	sshll.u32 s6, $0x1;
	s3 =	sadd.s32 s4, s19  }
0x9c: {  	s7 =	simm.s32 $0x0;
	s20 =	sshll.u32 s5, $0x1;
	s5 =	sadd.s32 s21, s3  }
0x9d: {  	[timem:s7], [sflag:s22] =	dma.local [hbm:s5], s20  }
0x9e: {  	_ =	swait.ge [sflag:s22], s20  }
0x9f: {  	s4 =	ssub.s32 $0x0, s20;
	[sflag:s22] =	ssyncset.done $0x0  }
0xa0: {  	[sflag:s22] =	ssyncadd.s32 s4;
	_ =	sdelay $0x1  }
0xa1: {  	s23 =	simm.s32 $0x1B8B  }
0xa2: {  	_ =	swait.ge [sflag:s23], $0x1  }
0xa3: {  	[sflag:s23] =	ssyncset.done $0x0  }
0xa4: {  	s25 =	simm.s32 $0x1B8E;
	s24 =	sld [smem:$0x3FFE];
	[sflag:s23] =	ssyncadd.s32 $0xFFFFFFFF  }
0xa5: {  	s26 =	simm.s32 $execute0_lowered;
	[smem:$0x3FD2] =	sst s25  }
0xa6: {  	s5 =	sshll.u32 s26, $0x1;
	_ =	strace $0x80000049;
	[dreg:$0x1] =	wrdreg $0xFFFFFFFF  }
0xa7: {  	s28 =	simm.s32 $_size_execute0_lowered;
	s3 =	sadd.s32 s3, s5;
	[dreg:$0x0] =	wrdreg $0x0  }
0xa8: {  	s5 =	sshll.u32 s28, $0x1;
	[dreg:$0x2] =	wrdreg s3  }
0xa9: {  	[dreg:$0x3] =	wrdreg s5  }
0xaa: {  	[dreg:$0x4] =	wrdreg $0xC0  }
0xab: {  	_ =	task [dreg:s7], $0x5FFFF  }
0xac: {  	[dreg:$0x1] =	wrdreg $0xFFFFFFFF  }
0xad: {  	[dreg:$0x0] =	wrdreg $0x60  }
0xae: {  	[dreg:$0x2] =	wrdreg s2  }
0xaf: {  	[dreg:$0x3] =	wrdreg s24  }
0xb0: {  	[dreg:$0x4] =	wrdreg $0x0  }
0xb1: {  	[dreg:$0x5] =	wrdreg $0x9  }
0xb2: {  	_ =	task.clear_ibuf [dreg:s7], $0x6FFFF;
	_ =	strace $0x90000049  }
0xb3: {  	s29 =	simm.s32 $0x9;
	_ =	strace $0x8000004B  }
0xb4: {  	_ =	swait.ge [sflag:s29], $0x1  }
0xb5: {  	[sflag:s29] =	ssyncadd.s32 $0xFFFFFFFF  }
0xb6: {  	_ =	strace $0x9000004B  }
0xb7: {  	_ =	sfence  }
0xb8: {  	s30 =	sld [smem:$0x0];
	_ =	sdelay $0x2  }
0xb9: {  	s31 =	sshll.u32 s1, $0xD;
	s1 =	sshrl.u32 s1, $0x2  }
0xba: {  	s3 =	sand.u32 $0x4000, s31;
	s1 =	sadd.s32 s1, s30  }
0xbb: {  	s0 =	sor.u32 s3, s0;
	s1 =	sshll.u32 s1, $0x11  }
0xbc: {  	s0 =	sor.u32 s1, s0  }
0xbd: {  	s0 =	sadd.s32 $0x8F2B, s0  }
0xbe: {  	[sflag:s0] =	ssyncadd.remote.s32 $0x1  }
0xbf: {  	_ =	sfence.sel $0xFFFF  }
0xc0: {  	[dreg:$0x0] =	wrdreg $0xFFFFFFFF;
	(pc) =	sbr.abs _section_cstart, $3  }
0xc1: {  	[dreg:$0x1] =	wrdreg $0xFFFFFFFF  }
0xc2: {  	_ =	task.clear_ibuf [dreg:s7], $0x2FFFF;
	_ =	strace $0x9FFFFFFF  }
0xc3: {  	(tm) =	ssettm $0x7FFFFFFF  }
tec
execute0_lowered:
.L_overlay_start_1:
0x0: {  	(tag) =	ssettag $0x1  }
0x1: {  	s0 =	srdreg.scid;
	s3 =	stileid.u32  }
0x2: {  	s4 =	rddreg [dreg:$0x1];
	s1 =	simm.s32 $0x0;
	s24 =	smul.u32 $0xA00, s3  }
0x3: {  	s19 =	stileid.u32;
	s2 =	sand.u32 $0x1, s0;
	s9 =	smul.u32 $0x13800, s3  }
0x4: {  	[smem:$0x7FF] =	sst s1;
	s11 =	smul.u32 $0x138800, s2  }
0x5: {  	s10 =	sadd.s32 $0x64000, s4;
	s5 =	ssub.s32 $0x2, s2;
	s2 =	smul.u32 $0x500, s2  }
0x6: {  	s6 =	sshrl.u32 s5, $0x1;
	s3 =	sadd.s32 s24, s4;
	s4 =	sadd.s32 $0x1800, s9  }
0x7: {  	s7 =	sadd.s32 $0x6000, s9;
	s8 =	sadd.s32 $0x7800, s9;
	s12 =	sadd.s32 $0x9000, s9  }
0x8: {  	s13 =	sadd.s32 $0xA800, s9;
	s14 =	sadd.s32 $0xC000, s9;
	s16 =	sadd.s32 $0xD800, s9  }
0x9: {  	s29 =	sadd.s32 $0xF000, s9;
	s30 =	sadd.s32 $0x10800, s9;
	s0 =	ssub.s32 s5, s6  }
0xa: {  	s5 =	sadd.s32 $0x3000, s9;
	s6 =	sadd.s32 $0x4800, s9;
	s15 =	sadd.s32 s9, s11  }
0xb: {  	s9 =	sadd.s32 $0x12000, s9;
	s25 =	sadd.s32 s11, s4;
	s20 =	sadd.s32 s11, s8  }
0xc: {  	s21 =	sadd.s32 s11, s12;
	s24 =	sadd.s32 s11, s13;
	s3 =	sadd.s32 s2, s3  }
0xd: {  	s15 =	sshrl.u32 s15, $0x3;
	s17 =	sadd.s32 s11, s5;
	s18 =	sadd.s32 s11, s6  }
0xe: {  	s23 =	sshrl.u32 s21, $0x3;
	s21 =	sadd.s32 s11, s30;
	s0 =	smax.u32 s0, $0x1  }
0xf: {  	s2 =	sadd.s32 $0xBE00, s3;
	s3 =	sadd.s32 $0x1E00, s3;
	s15 =	sadd.s32 s10, s15  }
0x10: {  	s17 =	sshrl.u32 s17, $0x3;
	[dreg:$0x4] =	wrdreg s15;
	s15 =	sshrl.u32 s25, $0x3  }
0x11: {  	s26 =	sadd.s32 s10, s17;
	s17 =	sshrl.u32 s18, $0x3;
	s18 =	sadd.s32 s11, s7  }
0x12: {  	s25 =	sadd.s32 s11, s14;
	s15 =	sadd.s32 s10, s15;
	[dreg:$0x6] =	wrdreg s26  }
0x13: {  	s26 =	sadd.s32 s11, s16;
	[dreg:$0x5] =	wrdreg s15;
	s15 =	sadd.s32 s10, s17  }
0x14: {  	s17 =	sshrl.u32 s20, $0x3;
	s20 =	sadd.s32 s11, s29;
	[dreg:$0x7] =	wrdreg s15  }
0x15: {  	s15 =	sshrl.u32 s18, $0x3;
	s22 =	sadd.s32 s10, s17;
	s17 =	sshrl.u32 s25, $0x3  }
0x16: {  	s18 =	sshrl.u32 s26, $0x3;
	s25 =	smul.u32 $0x4E000, s19;
	s15 =	sadd.s32 s10, s15  }
0x17: {  	[dreg:$0x9] =	wrdreg s22;
	s17 =	sadd.s32 s10, s17;
	s22 =	sadd.s32 s11, s9  }
0x18: {  	s11 =	sshrl.u32 s11, $0x3;
	[dreg:$0x8] =	wrdreg s15;
	s15 =	sadd.s32 s10, s23  }
0x19: {  	[dreg:$0xc] =	wrdreg s17;
	s17 =	sshrl.u32 s21, $0x3;
	s26 =	sshrl.u32 s25, $0x2  }
0x1a: {  	[dreg:$0xa] =	wrdreg s15;
	s15 =	sshrl.u32 s24, $0x3;
	s23 =	sadd.s32 s10, s17  }
0x1b: {  	s24 =	sshrl.u32 s22, $0x3;
	s17 =	rddreg [dreg:$0x2];
	s15 =	sadd.s32 s10, s15  }
0x1c: {  	[dreg:$0xf] =	wrdreg s23;
	s19 =	sadd.s32 s4, s17;
	s21 =	sadd.s32 s6, s17  }
0x1d: {  	s22 =	sadd.s32 s7, s17;
	s23 =	sadd.s32 s8, s17;
	s25 =	sadd.s32 s13, s17  }
0x1e: {  	s28 =	sadd.s32 s16, s17;
	s29 =	sadd.s32 s29, s17;
	s30 =	sadd.s32 s30, s17  }
0x1f: {  	s31 =	sadd.s32 s9, s17;
	s13 =	stileid.u32;
	s4 =	sadd.s32 $0x138000, s17  }
0x20: {  	s16 =	sadd.s32 $0x13B000, s17;
	[dreg:$0xb] =	wrdreg s15;
	s15 =	sadd.s32 s10, s18  }
0x21: {  	s7 =	simm.s32 $0x17D80;
	[dreg:$0xd] =	wrdreg s15;
	s15 =	sshrl.u32 s20, $0x3  }
0x22: {  	s8 =	simm.s32 $0x1;
	s9 =	simm.s32 $0x13C80;
	s15 =	sadd.s32 s10, s15  }
0x23: {  	s18 =	sadd.s32 s26, s17;
	[dreg:$0xe] =	wrdreg s15;
	s15 =	sadd.s32 s10, s24  }
0x24: {  	s26 =	sadd.s32 s14, s17;
	s10 =	sadd.s32 s10, s11;
	[dreg:$0x10] =	wrdreg s15  }
0x25: {  	s24 =	sadd.s32 s12, s17;
	s15 =	rddreg [dreg:$0x0];
	s12 =	sadd.s32 $0x27000, s10  }
0x26: {  	p0 =	sne.s32 s13, $0xF;
	_ =	strace $0x8000004A;
	[dreg:$0x11] =	wrdreg s12  }
0x27: {  	s14 =	sadd.s32 $0x139800, s17;
	s13 =	simm.s32 $0x0;
	[dreg:$0x12] =	wrdreg s0  }
0x28: {  	s20 =	sadd.s32 s5, s17;
	s11 =	simm.s32 $0x80;
	[dreg:$0x13] =	wrdreg s14  }
0x29: {  	v0 =	vimm.f32 $0.0e+00;
	s10 =	simm.s32 $0x13D00;
	[dreg:$0x14] =	wrdreg s16;
	s12 =	simm.s32 $0x13D80  }
.LBB2_1:
0x2a: {  	s14 =	simm.s32 $0x0;
	s16 =	simm.s32 $0x200  }
.LBB2_2:
0x2b: {  	p1 =	sne.s32 s16, $0x5E00;
	[tilespmem:s14+$0x17DF0] =	vst v0  }
0x2c: {  	[tilespmem:s14+$0x17D80] =	vst v0  }
0x2d: {  	[tilespmem:s14+$0x17D90] =	vst v0  }
.Ltmp0:
0x2e: {  	[tilespmem:s14+$0x17DA0] =	vst v0;
	(pc) =	sbr.rel @p1 .LBB2_2-.Ltmp0, $4  }
0x2f: {  	[tilespmem:s14+$0x17DB0] =	vst v0  }
0x30: {  	[tilespmem:s14+$0x17DC0] =	vst v0  }
0x31: {  	[tilespmem:s14+$0x17DD0] =	vst v0  }
0x32: {  	[tilespmem:s14+$0x17DE0] =	vst v0;
	s14 =	sshra.s32 s16, $0x2;
	s16 =	sadd.s32 $0x200, s16  }
0x33: {  	[tilespmem:s14+$0x17DF0] =	vst v0  }
0x34: {  	[tilespmem:s14+$0x17D80] =	vst v0  }
0x35: {  	[tilespmem:s14+$0x17D90] =	vst v0  }
0x36: {  	[tilespmem:s14+$0x17DA0] =	vst v0  }
0x37: {  	[tilespmem:s14+$0x17DB0] =	vst v0  }
0x38: {  	[tilespmem:s14+$0x17DC0] =	vst v0  }
0x39: {  	[tilespmem:s14+$0x17DD0] =	vst v0  }
0x3a: {  	[tilespmem:s14+$0x17DE0] =	vst v0  }
0x3b: {  	[spmem:s18] =	stream.linear.scatter [tilespmem:s7], [sflag:$0x1], $0x1800, $0x38;
	[tilespmem:$0x19D80] =	vst v63  }
0x3c: {  	_ =	swait.ge [sflag:s8], $0x1800  }
0x3d: {  	[sflag:s8] =	ssyncset.done $0x0  }
0x3e: {  	[sflag:s8] =	ssyncadd.s32 $0xFFFFE800  }
0x3f: {  	[spmem:s19] =	stream.linear.scatter [tilespmem:s7], [sflag:$0x1], $0x1800, $0x38;
	[tilespmem:$0x19D80] =	vst v63  }
0x40: {  	_ =	swait.ge [sflag:s8], $0x1800  }
0x41: {  	[sflag:s8] =	ssyncset.done $0x0  }
0x42: {  	[sflag:s8] =	ssyncadd.s32 $0xFFFFE800  }
0x43: {  	[spmem:s20] =	stream.linear.scatter [tilespmem:s7], [sflag:$0x1], $0x1800, $0x38;
	[tilespmem:$0x19D80] =	vst v63  }
0x44: {  	_ =	swait.ge [sflag:s8], $0x1800  }
0x45: {  	[sflag:s8] =	ssyncset.done $0x0  }
0x46: {  	[sflag:s8] =	ssyncadd.s32 $0xFFFFE800  }
0x47: {  	[spmem:s21] =	stream.linear.scatter [tilespmem:s7], [sflag:$0x1], $0x1800, $0x38;
	[tilespmem:$0x19D80] =	vst v63  }
0x48: {  	_ =	swait.ge [sflag:s8], $0x1800  }
0x49: {  	[sflag:s8] =	ssyncset.done $0x0  }
0x4a: {  	[sflag:s8] =	ssyncadd.s32 $0xFFFFE800  }
0x4b: {  	[spmem:s22] =	stream.linear.scatter [tilespmem:s7], [sflag:$0x1], $0x1800, $0x38;
	[tilespmem:$0x19D80] =	vst v63  }
0x4c: {  	_ =	swait.ge [sflag:s8], $0x1800  }
0x4d: {  	[sflag:s8] =	ssyncset.done $0x0  }
0x4e: {  	[sflag:s8] =	ssyncadd.s32 $0xFFFFE800  }
0x4f: {  	[spmem:s23] =	stream.linear.scatter [tilespmem:s7], [sflag:$0x1], $0x1800, $0x38;
	[tilespmem:$0x19D80] =	vst v63  }
0x50: {  	_ =	swait.ge [sflag:s8], $0x1800  }
0x51: {  	[sflag:s8] =	ssyncset.done $0x0  }
0x52: {  	[sflag:s8] =	ssyncadd.s32 $0xFFFFE800  }
0x53: {  	[spmem:s24] =	stream.linear.scatter [tilespmem:s7], [sflag:$0x1], $0x1800, $0x38;
	[tilespmem:$0x19D80] =	vst v63  }
0x54: {  	_ =	swait.ge [sflag:s8], $0x1800  }
0x55: {  	[sflag:s8] =	ssyncset.done $0x0  }
0x56: {  	[sflag:s8] =	ssyncadd.s32 $0xFFFFE800  }
0x57: {  	[spmem:s25] =	stream.linear.scatter [tilespmem:s7], [sflag:$0x1], $0x1800, $0x38;
	[tilespmem:$0x19D80] =	vst v63  }
0x58: {  	_ =	swait.ge [sflag:s8], $0x1800  }
0x59: {  	[sflag:s8] =	ssyncset.done $0x0  }
0x5a: {  	[sflag:s8] =	ssyncadd.s32 $0xFFFFE800  }
0x5b: {  	[spmem:s26] =	stream.linear.scatter [tilespmem:s7], [sflag:$0x1], $0x1800, $0x38;
	[tilespmem:$0x19D80] =	vst v63  }
0x5c: {  	_ =	swait.ge [sflag:s8], $0x1800  }
0x5d: {  	[sflag:s8] =	ssyncset.done $0x0  }
0x5e: {  	[sflag:s8] =	ssyncadd.s32 $0xFFFFE800  }
0x5f: {  	[spmem:s28] =	stream.linear.scatter [tilespmem:s7], [sflag:$0x1], $0x1800, $0x38;
	[tilespmem:$0x19D80] =	vst v63  }
0x60: {  	_ =	swait.ge [sflag:s8], $0x1800  }
0x61: {  	[sflag:s8] =	ssyncset.done $0x0  }
0x62: {  	[sflag:s8] =	ssyncadd.s32 $0xFFFFE800  }
0x63: {  	[spmem:s29] =	stream.linear.scatter [tilespmem:s7], [sflag:$0x1], $0x1800, $0x38;
	[tilespmem:$0x19D80] =	vst v63  }
0x64: {  	_ =	swait.ge [sflag:s8], $0x1800  }
0x65: {  	[sflag:s8] =	ssyncset.done $0x0  }
0x66: {  	[sflag:s8] =	ssyncadd.s32 $0xFFFFE800  }
0x67: {  	[spmem:s30] =	stream.linear.scatter [tilespmem:s7], [sflag:$0x1], $0x1800, $0x38;
	[tilespmem:$0x19D80] =	vst v63  }
0x68: {  	_ =	swait.ge [sflag:s8], $0x1800  }
0x69: {  	[sflag:s8] =	ssyncset.done $0x0  }
0x6a: {  	[sflag:s8] =	ssyncadd.s32 $0xFFFFE800  }
0x6b: {  	[spmem:s31] =	stream.linear.scatter [tilespmem:s7], [sflag:$0x1], $0x1800, $0x38;
	[tilespmem:$0x19D80] =	vst v63  }
0x6c: {  	_ =	swait.ge [sflag:s8], $0x1800  }
0x6d: {  	[sflag:s8] =	ssyncset.done $0x0  }
0x6e: {  	s14 =	simm.s32 @!p0 $0x17D80;
	s16 =	simm.s32 @!p0 $0x1;
	[sflag:s8] =	ssyncadd.s32 $0xFFFFE800  }
0x6f: {  	[spmem:s4] =	stream.linear.scatter @!p0 [tilespmem:s14], [sflag:$0x1], $0x1800, $0x38;
	[tilespmem:$0x19D80] =	vst v63  }
0x70: {  	_ =	swait.ge @!p0 [sflag:s16], $0x1800  }
0x71: {  	[sflag:s16] =	ssyncset.done @!p0 $0x0  }
0x72: {  	s0 =	rddreg [dreg:$0x13];
	[sflag:s16] =	ssyncadd.s32 @!p0 $0xFFFFE800  }
0x73: {  	[spmem:s0] =	stream.linear.scatter @!p0 [tilespmem:s14], [sflag:$0x1], $0x1800, $0x38;
	[tilespmem:$0x19D80] =	vst v63  }
0x74: {  	_ =	swait.ge @!p0 [sflag:s16], $0x1800  }
0x75: {  	[sflag:s16] =	ssyncset.done @!p0 $0x0  }
0x76: {  	s0 =	rddreg [dreg:$0x14];
	[sflag:s16] =	ssyncadd.s32 @!p0 $0xFFFFE800  }
0x77: {  	[spmem:s0] =	stream.linear.scatter @!p0 [tilespmem:s14], [sflag:$0x1], $0x1800, $0x38;
	[tilespmem:$0x19D80] =	vst v63  }
0x78: {  	_ =	swait.ge @!p0 [sflag:s16], $0x1800  }
0x79: {  	[sflag:s16] =	ssyncset.done @!p0 $0x0  }
0x7a: {  	[sflag:s16] =	ssyncadd.s32 @!p0 $0xFFFFE800  }
0x7b: {  	s6 =	sadd.s32 $0x0, s3;
	[bflag:$0x0] =	sbarrier.arrive $0xFFFF  }
0x7c: {  	[tilespmem:s9], [sflag:$0x1] =	stream.linear.gather [hbm4b:s6+s1], $0x80, $0x38;
	[tilespmem:$0x19D80] =	vst v63  }
0x7d: {  	_ =	swait.ge [sflag:s8], $0x80  }
0x7e: {  	[sflag:s8] =	ssyncset.done $0x0  }
0x7f: {  	s16 =	sadd.s32 $0x0, s2;
	[sflag:s8] =	ssyncadd.s32 $0xFFFFFF80  }
0x80: {  	[tilespmem:s10], [sflag:$0x1] =	stream.linear.gather [hbm4b:s16+s1], $0x80, $0x38;
	[tilespmem:$0x19D80] =	vst v63  }
0x81: {  	_ =	swait.ge [sflag:s8], $0x80  }
0x82: {  	[sflag:s8] =	ssyncset.done $0x0  }
0x83: {  	[sflag:s8] =	ssyncadd.s32 $0xFFFFFF80  }
0x84: {  	[tilespmem:s12], [sflag:$0x1] =	stream.indirect.gather [hbm4b:s15+s11], $0x80, s9, s11, $0xb8;
	[tilespmem:$0x19D80] =	vst v63  }
0x85: {  	_ =	swait.ge [sflag:s8], $0x4000  }
0x86: {  	[sflag:s8] =	ssyncset.done $0x0  }
0x87: {  	[sflag:s8] =	ssyncadd.s32 $0xFFFFC000  }
0x88: {  	[spmem:s17] =	stream.indirect.scatter.add.f32 [tilespmem:s12], [sflag:$0x1], $0x80, s10, s11, $0xb8;
	[tilespmem:$0x19D80] =	vst v63  }
0x89: {  	_ =	swait.ge [sflag:s8], $0x4000  }
0x8a: {  	s14 =	simm.s32 $0x10;
	s16 =	simm.s32 $0x20;
	[sflag:s8] =	ssyncset.done $0x0  }
.LBB2_4:
0x8b: {  	s0 =	sadd.s32 s14, s3  }
0x8c: {  	[sflag:s8] =	ssyncadd.s32 $0xFFFFC000;
	s5 =	smov.u32 s16;
	s6 =	sadd.s32 $0x10, s16  }
0x8d: {  	[tilespmem:s9], [sflag:$0x1] =	stream.linear.gather [hbm4b:s0+s1], $0x80, $0x38;
	[tilespmem:$0x19D80] =	vst v63  }
0x8e: {  	p1 =	sne.s32 s16, $0x4F0;
	_ =	swait.ge [sflag:s8], $0x80  }
0x8f: {  	[sflag:s8] =	ssyncset.done $0x0  }
0x90: {  	s0 =	sadd.s32 s14, s2;
	s14 =	smov.u32 s5;
	[sflag:s8] =	ssyncadd.s32 $0xFFFFFF80  }
0x91: {  	[tilespmem:s10], [sflag:$0x1] =	stream.linear.gather [hbm4b:s0+s1], $0x80, $0x38;
	[tilespmem:$0x19D80] =	vst v63  }
0x92: {  	_ =	swait.ge [sflag:s8], $0x80  }
0x93: {  	[sflag:s8] =	ssyncset.done $0x0  }
0x94: {  	[sflag:s8] =	ssyncadd.s32 $0xFFFFFF80  }
0x95: {  	[tilespmem:s12], [sflag:$0x1] =	stream.indirect.gather [hbm4b:s15+s11], $0x80, s9, s11, $0xb8;
	[tilespmem:$0x19D80] =	vst v63  }
0x96: {  	_ =	swait.ge [sflag:s8], $0x4000  }
.Ltmp1:
0x97: {  	[sflag:s8] =	ssyncset.done $0x0;
	(pc) =	sbr.rel @p1 .LBB2_4-.Ltmp1, $4  }
0x98: {  	[sflag:s8] =	ssyncadd.s32 $0xFFFFC000  }
0x99: {  	[spmem:s17] =	stream.indirect.scatter.add.f32 [tilespmem:s12], [sflag:$0x1], $0x80, s10, s11, $0xb8;
	[tilespmem:$0x19D80] =	vst v63  }
0x9a: {  	_ =	swait.ge [sflag:s8], $0x4000  }
0x9b: {  	s16 =	smov.u32 s6;
	[sflag:s8] =	ssyncset.done $0x0  }
0x9c: {  	s0 =	sadd.s32 s14, s3;
	[sflag:s8] =	ssyncadd.s32 $0xFFFFC000  }
0x9d: {  	[tilespmem:s9], [sflag:$0x1] =	stream.linear.gather [hbm4b:s0+s1], $0x80, $0x38;
	[tilespmem:$0x19D80] =	vst v63  }
0x9e: {  	_ =	swait.ge [sflag:s8], $0x80  }
0x9f: {  	[sflag:s8] =	ssyncset.done $0x0  }
0xa0: {  	s6 =	sadd.s32 s14, s2;
	[sflag:s8] =	ssyncadd.s32 $0xFFFFFF80  }
0xa1: {  	[tilespmem:s10], [sflag:$0x1] =	stream.linear.gather [hbm4b:s6+s1], $0x80, $0x38;
	[tilespmem:$0x19D80] =	vst v63  }
0xa2: {  	_ =	swait.ge [sflag:s8], $0x80  }
0xa3: {  	[sflag:s8] =	ssyncset.done $0x0  }
0xa4: {  	[sflag:s8] =	ssyncadd.s32 $0xFFFFFF80  }
0xa5: {  	[tilespmem:s12], [sflag:$0x1] =	stream.indirect.gather [hbm4b:s15+s11], $0x80, s9, s11, $0xb8;
	[tilespmem:$0x19D80] =	vst v63  }
0xa6: {  	_ =	swait.ge [sflag:s8], $0x4000  }
0xa7: {  	[sflag:s8] =	ssyncset.done $0x0  }
0xa8: {  	[sflag:s8] =	ssyncadd.s32 $0xFFFFC000  }
0xa9: {  	[spmem:s17] =	stream.indirect.scatter.add.f32 [tilespmem:s12], [sflag:$0x1], $0x80, s10, s11, $0xb8;
	[tilespmem:$0x19D80] =	vst v63  }
0xaa: {  	_ =	swait.ge [sflag:s8], $0x4000  }
0xab: {  	[sflag:s8] =	ssyncset.done $0x0  }
0xac: {  	[sflag:s8] =	ssyncadd.s32 $0xFFFFC000  }
0xad: {  	[bflag:$0x0] =	sbarrier.arrive $0xFFFF  }
0xae: {  	[tilespmem:s7], [sflag:$0x1] =	stream.linear.gather [spmem:s18], $0x1800, $0x38;
	[tilespmem:$0x19D80] =	vst v63  }
0xaf: {  	_ =	swait.ge [sflag:s8], $0x1800  }
0xb0: {  	[sflag:s8] =	ssyncset.done $0x0  }
0xb1: {  	s14 =	rddreg [dreg:$0x4];
	[sflag:s8] =	ssyncadd.s32 $0xFFFFE800  }
0xb2: {  	[hbm4b:s14+s1] =	stream.linear.scatter [tilespmem:s7], [sflag:$0x1], $0x1800, $0x38;
	[tilespmem:$0x19D80] =	vst v63  }
0xb3: {  	_ =	swait.ge [sflag:s8], $0x1800  }
0xb4: {  	[sflag:s8] =	ssyncset.done $0x0  }
0xb5: {  	[sflag:s8] =	ssyncadd.s32 $0xFFFFE800  }
0xb6: {  	[tilespmem:s7], [sflag:$0x1] =	stream.linear.gather [spmem:s19], $0x1800, $0x38;
	[tilespmem:$0x19D80] =	vst v63  }
0xb7: {  	_ =	swait.ge [sflag:s8], $0x1800  }
0xb8: {  	[sflag:s8] =	ssyncset.done $0x0  }
0xb9: {  	s16 =	rddreg [dreg:$0x5];
	[sflag:s8] =	ssyncadd.s32 $0xFFFFE800  }
0xba: {  	[hbm4b:s16+s1] =	stream.linear.scatter [tilespmem:s7], [sflag:$0x1], $0x1800, $0x38;
	[tilespmem:$0x19D80] =	vst v63  }
0xbb: {  	_ =	swait.ge [sflag:s8], $0x1800  }
0xbc: {  	[sflag:s8] =	ssyncset.done $0x0  }
0xbd: {  	[sflag:s8] =	ssyncadd.s32 $0xFFFFE800  }
0xbe: {  	[tilespmem:s7], [sflag:$0x1] =	stream.linear.gather [spmem:s20], $0x1800, $0x38;
	[tilespmem:$0x19D80] =	vst v63  }
0xbf: {  	_ =	swait.ge [sflag:s8], $0x1800  }
0xc0: {  	[sflag:s8] =	ssyncset.done $0x0  }
0xc1: {  	s5 =	rddreg [dreg:$0x6];
	[sflag:s8] =	ssyncadd.s32 $0xFFFFE800  }
0xc2: {  	[hbm4b:s5+s1] =	stream.linear.scatter [tilespmem:s7], [sflag:$0x1], $0x1800, $0x38;
	[tilespmem:$0x19D80] =	vst v63  }
0xc3: {  	_ =	swait.ge [sflag:s8], $0x1800  }
0xc4: {  	[sflag:s8] =	ssyncset.done $0x0  }
0xc5: {  	[sflag:s8] =	ssyncadd.s32 $0xFFFFE800  }
0xc6: {  	[tilespmem:s7], [sflag:$0x1] =	stream.linear.gather [spmem:s21], $0x1800, $0x38;
	[tilespmem:$0x19D80] =	vst v63  }
0xc7: {  	_ =	swait.ge [sflag:s8], $0x1800  }
0xc8: {  	[sflag:s8] =	ssyncset.done $0x0  }
0xc9: {  	s6 =	rddreg [dreg:$0x7];
	[sflag:s8] =	ssyncadd.s32 $0xFFFFE800  }
0xca: {  	[hbm4b:s6+s1] =	stream.linear.scatter [tilespmem:s7], [sflag:$0x1], $0x1800, $0x38;
	[tilespmem:$0x19D80] =	vst v63  }
0xcb: {  	_ =	swait.ge [sflag:s8], $0x1800  }
0xcc: {  	[sflag:s8] =	ssyncset.done $0x0  }
0xcd: {  	[sflag:s8] =	ssyncadd.s32 $0xFFFFE800  }
0xce: {  	[tilespmem:s7], [sflag:$0x1] =	stream.linear.gather [spmem:s22], $0x1800, $0x38;
	[tilespmem:$0x19D80] =	vst v63  }
0xcf: {  	_ =	swait.ge [sflag:s8], $0x1800  }
0xd0: {  	[sflag:s8] =	ssyncset.done $0x0  }
0xd1: {  	s14 =	rddreg [dreg:$0x8];
	[sflag:s8] =	ssyncadd.s32 $0xFFFFE800  }
0xd2: {  	[hbm4b:s14+s1] =	stream.linear.scatter [tilespmem:s7], [sflag:$0x1], $0x1800, $0x38;
	[tilespmem:$0x19D80] =	vst v63  }
0xd3: {  	_ =	swait.ge [sflag:s8], $0x1800  }
0xd4: {  	[sflag:s8] =	ssyncset.done $0x0  }
0xd5: {  	[sflag:s8] =	ssyncadd.s32 $0xFFFFE800  }
0xd6: {  	[tilespmem:s7], [sflag:$0x1] =	stream.linear.gather [spmem:s23], $0x1800, $0x38;
	[tilespmem:$0x19D80] =	vst v63  }
0xd7: {  	_ =	swait.ge [sflag:s8], $0x1800  }
0xd8: {  	[sflag:s8] =	ssyncset.done $0x0  }
0xd9: {  	s16 =	rddreg [dreg:$0x9];
	[sflag:s8] =	ssyncadd.s32 $0xFFFFE800  }
0xda: {  	[hbm4b:s16+s1] =	stream.linear.scatter [tilespmem:s7], [sflag:$0x1], $0x1800, $0x38;
	[tilespmem:$0x19D80] =	vst v63  }
0xdb: {  	_ =	swait.ge [sflag:s8], $0x1800  }
0xdc: {  	[sflag:s8] =	ssyncset.done $0x0  }
0xdd: {  	[sflag:s8] =	ssyncadd.s32 $0xFFFFE800  }
0xde: {  	[tilespmem:s7], [sflag:$0x1] =	stream.linear.gather [spmem:s24], $0x1800, $0x38;
	[tilespmem:$0x19D80] =	vst v63  }
0xdf: {  	_ =	swait.ge [sflag:s8], $0x1800  }
0xe0: {  	[sflag:s8] =	ssyncset.done $0x0  }
0xe1: {  	s5 =	rddreg [dreg:$0xa];
	[sflag:s8] =	ssyncadd.s32 $0xFFFFE800  }
0xe2: {  	[hbm4b:s5+s1] =	stream.linear.scatter [tilespmem:s7], [sflag:$0x1], $0x1800, $0x38;
	[tilespmem:$0x19D80] =	vst v63  }
0xe3: {  	_ =	swait.ge [sflag:s8], $0x1800  }
0xe4: {  	[sflag:s8] =	ssyncset.done $0x0  }
0xe5: {  	[sflag:s8] =	ssyncadd.s32 $0xFFFFE800  }
0xe6: {  	[tilespmem:s7], [sflag:$0x1] =	stream.linear.gather [spmem:s25], $0x1800, $0x38;
	[tilespmem:$0x19D80] =	vst v63  }
0xe7: {  	_ =	swait.ge [sflag:s8], $0x1800  }
0xe8: {  	[sflag:s8] =	ssyncset.done $0x0  }
0xe9: {  	s6 =	rddreg [dreg:$0xb];
	[sflag:s8] =	ssyncadd.s32 $0xFFFFE800  }
0xea: {  	[hbm4b:s6+s1] =	stream.linear.scatter [tilespmem:s7], [sflag:$0x1], $0x1800, $0x38;
	[tilespmem:$0x19D80] =	vst v63  }
0xeb: {  	_ =	swait.ge [sflag:s8], $0x1800  }
0xec: {  	[sflag:s8] =	ssyncset.done $0x0  }
0xed: {  	[sflag:s8] =	ssyncadd.s32 $0xFFFFE800  }
0xee: {  	[tilespmem:s7], [sflag:$0x1] =	stream.linear.gather [spmem:s26], $0x1800, $0x38;
	[tilespmem:$0x19D80] =	vst v63  }
0xef: {  	_ =	swait.ge [sflag:s8], $0x1800  }
0xf0: {  	[sflag:s8] =	ssyncset.done $0x0  }
0xf1: {  	s14 =	rddreg [dreg:$0xc];
	[sflag:s8] =	ssyncadd.s32 $0xFFFFE800  }
0xf2: {  	[hbm4b:s14+s1] =	stream.linear.scatter [tilespmem:s7], [sflag:$0x1], $0x1800, $0x38;
	[tilespmem:$0x19D80] =	vst v63  }
0xf3: {  	_ =	swait.ge [sflag:s8], $0x1800  }
0xf4: {  	[sflag:s8] =	ssyncset.done $0x0  }
0xf5: {  	[sflag:s8] =	ssyncadd.s32 $0xFFFFE800  }
0xf6: {  	[tilespmem:s7], [sflag:$0x1] =	stream.linear.gather [spmem:s28], $0x1800, $0x38;
	[tilespmem:$0x19D80] =	vst v63  }
0xf7: {  	_ =	swait.ge [sflag:s8], $0x1800  }
0xf8: {  	[sflag:s8] =	ssyncset.done $0x0  }
0xf9: {  	s16 =	rddreg [dreg:$0xd];
	[sflag:s8] =	ssyncadd.s32 $0xFFFFE800  }
0xfa: {  	[hbm4b:s16+s1] =	stream.linear.scatter [tilespmem:s7], [sflag:$0x1], $0x1800, $0x38;
	[tilespmem:$0x19D80] =	vst v63  }
0xfb: {  	_ =	swait.ge [sflag:s8], $0x1800  }
0xfc: {  	[sflag:s8] =	ssyncset.done $0x0  }
0xfd: {  	[sflag:s8] =	ssyncadd.s32 $0xFFFFE800  }
0xfe: {  	[tilespmem:s7], [sflag:$0x1] =	stream.linear.gather [spmem:s29], $0x1800, $0x38;
	[tilespmem:$0x19D80] =	vst v63  }
0xff: {  	_ =	swait.ge [sflag:s8], $0x1800  }
0x100: {  	[sflag:s8] =	ssyncset.done $0x0  }
0x101: {  	s5 =	rddreg [dreg:$0xe];
	[sflag:s8] =	ssyncadd.s32 $0xFFFFE800  }
0x102: {  	[hbm4b:s5+s1] =	stream.linear.scatter [tilespmem:s7], [sflag:$0x1], $0x1800, $0x38;
	[tilespmem:$0x19D80] =	vst v63  }
0x103: {  	_ =	swait.ge [sflag:s8], $0x1800  }
0x104: {  	[sflag:s8] =	ssyncset.done $0x0  }
0x105: {  	[sflag:s8] =	ssyncadd.s32 $0xFFFFE800  }
0x106: {  	[tilespmem:s7], [sflag:$0x1] =	stream.linear.gather [spmem:s30], $0x1800, $0x38;
	[tilespmem:$0x19D80] =	vst v63  }
0x107: {  	_ =	swait.ge [sflag:s8], $0x1800  }
0x108: {  	[sflag:s8] =	ssyncset.done $0x0  }
0x109: {  	s6 =	rddreg [dreg:$0xf];
	[sflag:s8] =	ssyncadd.s32 $0xFFFFE800  }
0x10a: {  	[hbm4b:s6+s1] =	stream.linear.scatter [tilespmem:s7], [sflag:$0x1], $0x1800, $0x38;
	[tilespmem:$0x19D80] =	vst v63  }
0x10b: {  	_ =	swait.ge [sflag:s8], $0x1800  }
0x10c: {  	[sflag:s8] =	ssyncset.done $0x0  }
0x10d: {  	[sflag:s8] =	ssyncadd.s32 $0xFFFFE800  }
0x10e: {  	[tilespmem:s7], [sflag:$0x1] =	stream.linear.gather [spmem:s31], $0x1800, $0x38;
	[tilespmem:$0x19D80] =	vst v63  }
0x10f: {  	_ =	swait.ge [sflag:s8], $0x1800  }
0x110: {  	[sflag:s8] =	ssyncset.done $0x0  }
0x111: {  	s14 =	rddreg [dreg:$0x10];
	[sflag:s8] =	ssyncadd.s32 $0xFFFFE800  }
0x112: {  	[hbm4b:s14+s1] =	stream.linear.scatter [tilespmem:s7], [sflag:$0x1], $0x1800, $0x38;
	[tilespmem:$0x19D80] =	vst v63  }
0x113: {  	_ =	swait.ge [sflag:s8], $0x1800  }
0x114: {  	[sflag:s8] =	ssyncset.done $0x0  }
0x115: {  	s0 =	simm.s32 @!p0 $0x19580;
	s5 =	simm.s32 @!p0 $0x1;
	[sflag:s8] =	ssyncadd.s32 $0xFFFFE800  }
0x116: {  	[tilespmem:s0], [sflag:$0x1] =	stream.linear.gather @!p0 [spmem:s4], $0x800, $0x38;
	[tilespmem:$0x19D80] =	vst v63  }
0x117: {  	_ =	swait.ge @!p0 [sflag:s5], $0x800  }
0x118: {  	[sflag:s5] =	ssyncset.done @!p0 $0x0  }
0x119: {  	s6 =	simm.s32 @!p0 $0x0;
	s14 =	rddreg [dreg:$0x11];
	[sflag:s5] =	ssyncadd.s32 @!p0 $0xFFFFF800  }
0x11a: {  	[hbm4b:s14+s6] =	stream.linear.scatter @!p0 [tilespmem:s0], [sflag:$0x1], $0x800, $0x38;
	[tilespmem:$0x19D80] =	vst v63  }
0x11b: {  	_ =	swait.ge @!p0 [sflag:s5], $0x800  }
0x11c: {  	s13 =	sadd.s32 $0x1, s13;
	s16 =	rddreg [dreg:$0x12]  }
0x11d: {  	p1 =	sne.s32 s13, s16  }
.Ltmp2:
0x11e: {  	_ = 	snop;
	(pc) =	sbr.rel @p1 .LBB2_1-.Ltmp2, $3  }
0x11f: {  	_ =	sdelay $0x1  }
0x120: {  	[sflag:s5] =	ssyncset.done @!p0 $0x0  }
0x121: {  	[sflag:s5] =	ssyncadd.s32 @!p0 $0xFFFFF800  }
0x122: {  	_ =	sfence.sel $0x180000  }
0x123: {  	[bflag:$0x0] =	sbarrier.arrive $0xFFFF  }
0x124: {  	_ =	strace $0x9000004A  }
0x125: {  	s0 =	stileid.u32;
	[bflag:$0x2] =	sbarrier.arrive $0xFFFF  }
0x126: {  	p0 =	sne.s32 s0, $0x0;
	s0 =	rddreg [dreg:$0x3]  }
0x127: {  	s0 =	sadd.s32 @!p0 $0x100000, s0  }
0x128: {  	[sflag:s0] =	ssyncadd.tile.s32 @!p0 $0x1;
	_ =	shalt  }
.Lfunc_end2:
_tile_overlayer_lowered:
.L_overlay_start_2:
0x129: {  	(tag) =	ssettag $0x2  }
0x12a: {  	s0 =	rddreg [dreg:$0x0];
	s2 =	stileid.u32  }
0x12b: {  	s1 =	rddreg [dreg:$0x1];
	p0 =	sne.s32 s2, $0x0  }
0x12c: {  	s3 =	rddreg [dreg:$0x2];
	[bflag:$0x3] =	sbarrier.arrive $0xFFFF;
	s2 =	simm.s32 @!p0 $0x1C01  }
0x12d: {  	[timem:s3], [sflag:s2] =	dma.local @!p0 [hbm:s0], s1  }
0x12e: {  	s0 =	simm.s32 @!p0 $0x1  }
0x12f: {  	_ =	swait.ge @!p0 [sflag:s0], s1  }
0x130: {  	s1 =	ssub.s32 @!p0 $0x0, s1;
	[sflag:s0] =	ssyncset.done @!p0 $0x0  }
0x131: {  	[sflag:s0] =	ssyncadd.s32 @!p0 s1  }
0x132: {  	[bflag:$0x3] =	sbarrier.arrive $0xFFFF  }
0x133: {  	_ =	shalt  }

</sc_bundles>
